<compile_context>
chip_gen: v7x
topology: tpu7x:2x2x1
jax: 0.10.2.dev20260603
libtpu: 0.0.44.dev20260713+nightly
codegen_flags: <defaults>
</compile_context>

<pallas_src>
import jax
import jax.numpy as jnp
from jax import lax
from jax.experimental import pallas as pl
from jax.experimental.pallas import tpu as pltpu
from jax.experimental.pallas import tpu_sc as plsc

B = 1024
L = 200
D = 128
N = B * L
NC, NS = 2, 16
NW = NC * NS

K = 4
CB = B // K
SLICE = CB * L
PER_W = SLICE // NW
C = 64
NCHUNK = PER_W // C
NB = 5

BB = 32


def _positional_encoding():
    pos = jnp.arange(L, dtype=jnp.float32)[:, None]
    i = jnp.arange(0, D, 2, dtype=jnp.float32)
    div = jnp.exp(-jnp.log(10000.0) * i / D)
    pe = jnp.zeros((L, D), dtype=jnp.float32)
    pe = pe.at[:, 0::2].set(jnp.sin(pos * div))
    pe = pe.at[:, 1::2].set(jnp.cos(pos * div))
    return pe


def _gather_body(tok_hbm, table_hbm, out_hbm, *scr):
    idx = scr[0:NB]
    rows = scr[NB:2 * NB]
    si = scr[2 * NB:3 * NB]
    sg = scr[3 * NB:4 * NB]
    so = scr[4 * NB:5 * NB]

    wid = lax.axis_index("s") * NC + lax.axis_index("c")
    base = wid * PER_W

    def idx_start(c, b):
        pltpu.async_copy(tok_hbm.at[pl.ds(base + c * C, C)], idx[b], si[b])

    def idx_wait(b):
        pltpu.make_async_copy(tok_hbm.at[pl.ds(base, C)], idx[b], si[b]).wait()

    def gather_start(b):
        pltpu.async_copy(table_hbm.at[idx[b]], rows[b], sg[b])

    def gather_wait(b):
        pltpu.make_async_copy(table_hbm.at[idx[b]], rows[b], sg[b]).wait()

    def out_start(c, b):
        pltpu.async_copy(rows[b], out_hbm.at[pl.ds(base + c * C, C)], so[b])

    def out_wait(b):
        pltpu.make_async_copy(rows[b], out_hbm.at[pl.ds(base, C)], so[b]).wait()

    idx_start(0, 0)
    idx_start(1, 1)
    idx_start(2, 2)
    idx_wait(0)
    gather_start(0)

    def group(g, carry):
        for b in range(NB):
            c = g * NB + b
            s1 = (b + 1) % NB

            @pl.when(c + 1 < NCHUNK)
            def _fire_gather():
                @pl.when(c + 1 >= NB)
                def _drain_out():
                    out_wait(s1)

                idx_wait(s1)
                gather_start(s1)

            @pl.when(c + 3 < NCHUNK)
            def _prefetch_idx():
                idx_start(c + 3, (b + 3) % NB)

            gather_wait(b)
            out_start(c, b)
        return carry

    lax.fori_loop(0, NCHUNK // NB, group, 0)
    for b in range(NB):
        out_wait(b)


def _sc_gather(tok_slice, table):
    mesh = plsc.VectorSubcoreMesh(core_axis_name="c", subcore_axis_name="s")
    scratch = (
        [pltpu.VMEM((C,), jnp.int32) for _ in range(NB)]
        + [pltpu.VMEM((C, D), jnp.float32) for _ in range(NB)]
        + [pltpu.SemaphoreType.DMA for _ in range(3 * NB)]
    )
    return pl.kernel(
        _gather_body,
        mesh=mesh,
        out_type=jax.ShapeDtypeStruct((SLICE, D), jnp.float32),
        scratch_types=scratch,
    )(tok_slice, table)


def _add_body(raw_ref, pe_ref, o_ref):
    o_ref[...] = raw_ref[...] + pe_ref[...]


def _tc_add(raw3, pe3):
    return pl.pallas_call(
        _add_body,
        grid=(CB // BB,),
        in_specs=[
            pl.BlockSpec((BB, L, D), lambda i: (i, 0, 0)),
            pl.BlockSpec((1, L, D), lambda i: (0, 0, 0)),
        ],
        out_specs=pl.BlockSpec((BB, L, D), lambda i: (i, 0, 0)),
        out_shape=jax.ShapeDtypeStruct((CB, L, D), jnp.float32),
    )(raw3, pe3)


def kernel(tokens, table):
    pe3 = _positional_encoding()[None]
    outs = []
    for i in range(K):
        tok_i = tokens[i * CB:(i + 1) * CB].reshape(SLICE)
        raw = _sc_gather(tok_i, table)
        outs.append(_tc_add(raw.reshape(CB, L, D), pe3))
    return jnp.concatenate(outs, axis=0)

# --- scband reference (transcript-rebuilt; emitter-appended) ---
"""Pipeline reference for scband-sentence-embedding-8495445311762 (READ-ONLY COPY).

The authoritative reference and input builder live on the scoring server;
editing this copy changes nothing except your own understanding.
"""

import jax, jax.numpy as jnp
import numpy as np

B = 1024
L = 200  # max_sequence_length
D = 128  # d_model
V = 100000  # vocab_size


def positional_encoding(seq_len, d_model):
    pos = jnp.arange(seq_len, dtype=jnp.float32)[:, None]
    i = jnp.arange(0, d_model, 2, dtype=jnp.float32)
    div_term = jnp.exp(-jnp.log(10000.0) * i / d_model)
    pe = jnp.zeros((seq_len, d_model), dtype=jnp.float32)
    pe = pe.at[:, 0::2].set(jnp.sin(pos * div_term))
    pe = pe.at[:, 1::2].set(jnp.cos(pos * div_term))
    return pe


def setup_inputs(seed: int = 0) -> dict:
    key = jax.random.key(seed)
    k1, k2 = jax.random.split(key)
    # tokens: post-tokenization integer indices (batch_tokenize output), in-range [0, V)
    tokens = jax.random.randint(k1, (B, L), 0, V, dtype=jnp.int32)
    # learned embedding table (nn.Embedding weight)
    table = jax.random.normal(k2, (V, D), dtype=jnp.float32)
    return {"tokens": tokens, "table": table}


def reference(tokens, table):
    # embedding lookup (gather)
    emb = jnp.take(table, tokens, axis=0)  # [B, L, D]
    # sinusoidal positional encoding added
    pe = positional_encoding(L, D)
    out = emb + pe[None, :, :]
    # dropout is identity in eval / deterministic reference
    return out

if __name__ == "__main__":
    import jax
    _d = setup_inputs()
    print(jax.jit(kernel)(*tuple(_d.values())))

</pallas_src>

<mosaic_0001>
#map = affine_map<(d0, d1) -> (0)>
#map1 = affine_map<(d0, d1) -> (0, 0)>
module attributes {stable_mosaic.version = 14 : i64} {
  func.func @_gather_body(%arg0: i32, %arg1: i32, %arg2: memref<51200xi32, #tpu.memory_space<hbm>>, %arg3: memref<100000x128xf32, #tpu.memory_space<hbm>>, %arg4: memref<51200x128xf32, #tpu.memory_space<hbm>>, %arg5: memref<64xi32, #tpu.memory_space<vmem>>, %arg6: memref<64xi32, #tpu.memory_space<vmem>>, %arg7: memref<64xi32, #tpu.memory_space<vmem>>, %arg8: memref<64xi32, #tpu.memory_space<vmem>>, %arg9: memref<64xi32, #tpu.memory_space<vmem>>, %arg10: memref<64x128xf32, #tpu.memory_space<vmem>>, %arg11: memref<64x128xf32, #tpu.memory_space<vmem>>, %arg12: memref<64x128xf32, #tpu.memory_space<vmem>>, %arg13: memref<64x128xf32, #tpu.memory_space<vmem>>, %arg14: memref<64x128xf32, #tpu.memory_space<vmem>>, %arg15: memref<!tpu.dma_semaphore, #tpu.memory_space<semaphore_mem>>, %arg16: memref<!tpu.dma_semaphore, #tpu.memory_space<semaphore_mem>>, %arg17: memref<!tpu.dma_semaphore, #tpu.memory_space<semaphore_mem>>, %arg18: memref<!tpu.dma_semaphore, #tpu.memory_space<semaphore_mem>>, %arg19: memref<!tpu.dma_semaphore, #tpu.memory_space<semaphore_mem>>, %arg20: memref<!tpu.dma_semaphore, #tpu.memory_space<semaphore_mem>>, %arg21: memref<!tpu.dma_semaphore, #tpu.memory_space<semaphore_mem>>, %arg22: memref<!tpu.dma_semaphore, #tpu.memory_space<semaphore_mem>>, %arg23: memref<!tpu.dma_semaphore, #tpu.memory_space<semaphore_mem>>, %arg24: memref<!tpu.dma_semaphore, #tpu.memory_space<semaphore_mem>>, %arg25: memref<!tpu.dma_semaphore, #tpu.memory_space<semaphore_mem>>, %arg26: memref<!tpu.dma_semaphore, #tpu.memory_space<semaphore_mem>>, %arg27: memref<!tpu.dma_semaphore, #tpu.memory_space<semaphore_mem>>, %arg28: memref<!tpu.dma_semaphore, #tpu.memory_space<semaphore_mem>>, %arg29: memref<!tpu.dma_semaphore, #tpu.memory_space<semaphore_mem>>) attributes {dimension_semantics = [#tpu.dimension_semantics<core_parallel>, #tpu.dimension_semantics<subcore_parallel>], iteration_bounds = array<i64: 2, 16>, scalar_prefetch = 0 : i64, scratch_operands = 25 : i64, tpu.core_type = #tpu.core_type<sc_vector_subcore>, window_params = [{transform_indices = #map}, {transform_indices = #map1}, {transform_indices = #map1}]} {
    %mul3A = arith.constant 2 : i32
    %mul3A_0 = arith.muli %arg1, %mul3A : i32
    %add3A = arith.addi %mul3A_0, %arg0 : i32
    %mul3A_1 = arith.constant 1600 : i32
    %mul3A_2 = arith.muli %add3A, %mul3A_1 : i32
    %add3A_3 = arith.constant 0 : i32
    %add3A_4 = arith.addi %mul3A_2, %add3A_3 : i32
    %dma_start3A = tpu.memref_slice %arg2[%add3A_4] : memref<51200xi32, #tpu.memory_space<hbm>> -> memref<64xi32, #tpu.memory_space<hbm>>
    %dma_start3A_5 = tpu.memref_slice %arg2[%add3A_4] : memref<51200xi32, #tpu.memory_space<hbm>> -> memref<64xi32, #tpu.memory_space<hbm>>
    tpu.enqueue_dma source(%dma_start3A_5 : memref<64xi32, #tpu.memory_space<hbm>>) target(%arg5 : memref<64xi32, #tpu.memory_space<vmem>>) target_semaphore(%arg15 : memref<!tpu.dma_semaphore, #tpu.memory_space<semaphore_mem>>)
    %add3A_6 = arith.constant 64 : i32
    %add3A_7 = arith.addi %mul3A_2, %add3A_6 : i32
    %dma_start3A_8 = tpu.memref_slice %arg2[%add3A_7] : memref<51200xi32, #tpu.memory_space<hbm>> -> memref<64xi32, #tpu.memory_space<hbm>>
    %dma_start3A_9 = tpu.memref_slice %arg2[%add3A_7] : memref<51200xi32, #tpu.memory_space<hbm>> -> memref<64xi32, #tpu.memory_space<hbm>>
    tpu.enqueue_dma source(%dma_start3A_9 : memref<64xi32, #tpu.memory_space<hbm>>) target(%arg6 : memref<64xi32, #tpu.memory_space<vmem>>) target_semaphore(%arg16 : memref<!tpu.dma_semaphore, #tpu.memory_space<semaphore_mem>>)
    %add3A_10 = arith.constant 128 : i32
    %add3A_11 = arith.addi %mul3A_2, %add3A_10 : i32
    %dma_start3A_12 = tpu.memref_slice %arg2[%add3A_11] : memref<51200xi32, #tpu.memory_space<hbm>> -> memref<64xi32, #tpu.memory_space<hbm>>
    %dma_start3A_13 = tpu.memref_slice %arg2[%add3A_11] : memref<51200xi32, #tpu.memory_space<hbm>> -> memref<64xi32, #tpu.memory_space<hbm>>
    tpu.enqueue_dma source(%dma_start3A_13 : memref<64xi32, #tpu.memory_space<hbm>>) target(%arg7 : memref<64xi32, #tpu.memory_space<vmem>>) target_semaphore(%arg17 : memref<!tpu.dma_semaphore, #tpu.memory_space<semaphore_mem>>)
    %dma_wait3A = tpu.memref_slice %arg2[%mul3A_2] : memref<51200xi32, #tpu.memory_space<hbm>> -> memref<64xi32, #tpu.memory_space<hbm>>
    %dma_wait3A_14 = tpu.memref_slice %arg2[%mul3A_2] : memref<51200xi32, #tpu.memory_space<hbm>> -> memref<64xi32, #tpu.memory_space<hbm>>
    tpu.wait_dma2 semaphore(%arg15 : memref<!tpu.dma_semaphore, #tpu.memory_space<semaphore_mem>>) src(%dma_wait3A_14 : memref<64xi32, #tpu.memory_space<hbm>>) dst(%arg5 : memref<64xi32, #tpu.memory_space<vmem>>)
    %dma_start3A_15 = arith.constant 0 : i32
    %dma_start3A_16 = arith.constant 0 : i32
    %dma_start3A_17 = tpu.memref_slice %arg3[%dma_start3A_15, %dma_start3A_16] : memref<100000x128xf32, #tpu.memory_space<hbm>> -> memref<100000x128xf32, #tpu.memory_space<hbm>>
    tpu.enqueue_indirect_dma source(%dma_start3A_17 : memref<100000x128xf32, #tpu.memory_space<hbm>>) target(%arg10 : memref<64x128xf32, #tpu.memory_space<vmem>>) offsets(%arg5 : memref<64xi32, #tpu.memory_space<vmem>>) semaphore(%arg20 : memref<!tpu.dma_semaphore, #tpu.memory_space<semaphore_mem>>)
    %scan3A = arith.constant 0 : i32
    %scan3A_18 = arith.constant 0 : i32
    %scan3A_19 = arith.constant 5 : i32
    %scan3A_20 = arith.addi %scan3A_18, %scan3A_19 : i32
    %scan3A_21 = arith.constant 1 : i32
    scf.for %scan3A_43 = %scan3A_18 to %scan3A_20 step %scan3A_21  : i32 {
      %mul3A_44 = arith.constant 5 : i32
      %mul3A_45 = arith.muli %scan3A_43, %mul3A_44 : i32
      %add3A_46 = arith.constant 0 : i32
      %add3A_47 = arith.addi %mul3A_45, %add3A_46 : i32
      %add3A_48 = arith.constant 1 : i32
      %add3A_49 = arith.addi %add3A_47, %add3A_48 : i32
      %lt3A = arith.constant 25 : i32
      %lt3A_50 = arith.cmpi slt, %add3A_49, %lt3A : i32
      %convert_element_type3A = arith.extui %lt3A_50 : i1 to i32
      %cond3A = arith.constant 0 : i32
      %cond3A_51 = arith.cmpi ne, %convert_element_type3A, %cond3A : i32
      scf.if %cond3A_51 {
        %add3A_181 = arith.constant 1 : i32
        %add3A_182 = arith.addi %add3A_47, %add3A_181 : i32
        %ge3A = arith.constant 5 : i32
        %ge3A_183 = arith.cmpi sge, %add3A_182, %ge3A : i32
        %convert_element_type3A_184 = arith.extui %ge3A_183 : i1 to i32
        %cond3A_185 = arith.constant 0 : i32
        %cond3A_186 = arith.cmpi ne, %convert_element_type3A_184, %cond3A_185 : i32
        scf.if %cond3A_186 {
          %dma_wait3A_192 = arith.constant 0 : i32
          %dma_wait3A_193 = tpu.memref_slice %arg4[%mul3A_2, %dma_wait3A_192] : memref<51200x128xf32, #tpu.memory_space<hbm>> -> memref<64x128xf32, #tpu.memory_space<hbm>>
          %dma_wait3A_194 = arith.constant 0 : i32
          %dma_wait3A_195 = tpu.memref_slice %arg4[%mul3A_2, %dma_wait3A_194] : memref<51200x128xf32, #tpu.memory_space<hbm>> -> memref<64x128xf32, #tpu.memory_space<hbm>>
          tpu.wait_dma2 semaphore(%arg26 : memref<!tpu.dma_semaphore, #tpu.memory_space<semaphore_mem>>) src(%arg11 : memref<64x128xf32, #tpu.memory_space<vmem>>) dst(%dma_wait3A_195 : memref<64x128xf32, #tpu.memory_space<hbm>>)
        } else {
        }
        %dma_wait3A_187 = tpu.memref_slice %arg2[%mul3A_2] : memref<51200xi32, #tpu.memory_space<hbm>> -> memref<64xi32, #tpu.memory_space<hbm>>
        %dma_wait3A_188 = tpu.memref_slice %arg2[%mul3A_2] : memref<51200xi32, #tpu.memory_space<hbm>> -> memref<64xi32, #tpu.memory_space<hbm>>
        tpu.wait_dma2 semaphore(%arg16 : memref<!tpu.dma_semaphore, #tpu.memory_space<semaphore_mem>>) src(%dma_wait3A_188 : memref<64xi32, #tpu.memory_space<hbm>>) dst(%arg6 : memref<64xi32, #tpu.memory_space<vmem>>)
        %dma_start3A_189 = arith.constant 0 : i32
        %dma_start3A_190 = arith.constant 0 : i32
        %dma_start3A_191 = tpu.memref_slice %arg3[%dma_start3A_189, %dma_start3A_190] : memref<100000x128xf32, #tpu.memory_space<hbm>> -> memref<100000x128xf32, #tpu.memory_space<hbm>>
        tpu.enqueue_indirect_dma source(%dma_start3A_191 : memref<100000x128xf32, #tpu.memory_space<hbm>>) target(%arg11 : memref<64x128xf32, #tpu.memory_space<vmem>>) offsets(%arg6 : memref<64xi32, #tpu.memory_space<vmem>>) semaphore(%arg21 : memref<!tpu.dma_semaphore, #tpu.memory_space<semaphore_mem>>)
      } else {
      }
      %add3A_52 = arith.constant 3 : i32
      %add3A_53 = arith.addi %add3A_47, %add3A_52 : i32
      %lt3A_54 = arith.constant 25 : i32
      %lt3A_55 = arith.cmpi slt, %add3A_53, %lt3A_54 : i32
      %convert_element_type3A_56 = arith.extui %lt3A_55 : i1 to i32
      %cond3A_57 = arith.constant 0 : i32
      %cond3A_58 = arith.cmpi ne, %convert_element_type3A_56, %cond3A_57 : i32
      scf.if %cond3A_58 {
        %add3A_181 = arith.constant 3 : i32
        %add3A_182 = arith.addi %add3A_47, %add3A_181 : i32
        %mul3A_183 = arith.constant 64 : i32
        %mul3A_184 = arith.muli %add3A_182, %mul3A_183 : i32
        %add3A_185 = arith.addi %mul3A_2, %mul3A_184 : i32
        %dma_start3A_186 = tpu.memref_slice %arg2[%add3A_185] : memref<51200xi32, #tpu.memory_space<hbm>> -> memref<64xi32, #tpu.memory_space<hbm>>
        %dma_start3A_187 = tpu.memref_slice %arg2[%add3A_185] : memref<51200xi32, #tpu.memory_space<hbm>> -> memref<64xi32, #tpu.memory_space<hbm>>
        tpu.enqueue_dma source(%dma_start3A_187 : memref<64xi32, #tpu.memory_space<hbm>>) target(%arg8 : memref<64xi32, #tpu.memory_space<vmem>>) target_semaphore(%arg18 : memref<!tpu.dma_semaphore, #tpu.memory_space<semaphore_mem>>)
      } else {
      }
      %dma_wait3A_59 = arith.constant 0 : i32
      %dma_wait3A_60 = arith.constant 0 : i32
      %dma_wait3A_61 = tpu.memref_slice %arg3[%dma_wait3A_59, %dma_wait3A_60] : memref<100000x128xf32, #tpu.memory_space<hbm>> -> memref<100000x128xf32, #tpu.memory_space<hbm>>
      tpu.wait_indirect_dma semaphore(%arg20 : memref<!tpu.dma_semaphore, #tpu.memory_space<semaphore_mem>>) src(%dma_wait3A_61 : memref<100000x128xf32, #tpu.memory_space<hbm>>) dst(%arg10 : memref<64x128xf32, #tpu.memory_space<vmem>>)
      %mul3A_62 = arith.constant 64 : i32
      %mul3A_63 = arith.muli %add3A_47, %mul3A_62 : i32
      %add3A_64 = arith.addi %mul3A_2, %mul3A_63 : i32
      %dma_start3A_65 = arith.constant 0 : i32
      %dma_start3A_66 = tpu.memref_slice %arg4[%add3A_64, %dma_start3A_65] : memref<51200x128xf32, #tpu.memory_space<hbm>> -> memref<64x128xf32, #tpu.memory_space<hbm>>
      %dma_start3A_67 = arith.constant 0 : i32
      %dma_start3A_68 = tpu.memref_slice %arg4[%add3A_64, %dma_start3A_67] : memref<51200x128xf32, #tpu.memory_space<hbm>> -> memref<64x128xf32, #tpu.memory_space<hbm>>
      tpu.enqueue_dma source(%arg10 : memref<64x128xf32, #tpu.memory_space<vmem>>) target(%dma_start3A_68 : memref<64x128xf32, #tpu.memory_space<hbm>>) target_semaphore(%arg25 : memref<!tpu.dma_semaphore, #tpu.memory_space<semaphore_mem>>)
      %mul3A_69 = arith.constant 5 : i32
      %mul3A_70 = arith.muli %scan3A_43, %mul3A_69 : i32
      %add3A_71 = arith.constant 1 : i32
      %add3A_72 = arith.addi %mul3A_70, %add3A_71 : i32
      %add3A_73 = arith.constant 1 : i32
      %add3A_74 = arith.addi %add3A_72, %add3A_73 : i32
      %lt3A_75 = arith.constant 25 : i32
      %lt3A_76 = arith.cmpi slt, %add3A_74, %lt3A_75 : i32
      %convert_element_type3A_77 = arith.extui %lt3A_76 : i1 to i32
      %cond3A_78 = arith.constant 0 : i32
      %cond3A_79 = arith.cmpi ne, %convert_element_type3A_77, %cond3A_78 : i32
      scf.if %cond3A_79 {
        %add3A_181 = arith.constant 1 : i32
        %add3A_182 = arith.addi %add3A_72, %add3A_181 : i32
        %ge3A = arith.constant 5 : i32
        %ge3A_183 = arith.cmpi sge, %add3A_182, %ge3A : i32
        %convert_element_type3A_184 = arith.extui %ge3A_183 : i1 to i32
        %cond3A_185 = arith.constant 0 : i32
        %cond3A_186 = arith.cmpi ne, %convert_element_type3A_184, %cond3A_185 : i32
        scf.if %cond3A_186 {
          %dma_wait3A_192 = arith.constant 0 : i32
          %dma_wait3A_193 = tpu.memref_slice %arg4[%mul3A_2, %dma_wait3A_192] : memref<51200x128xf32, #tpu.memory_space<hbm>> -> memref<64x128xf32, #tpu.memory_space<hbm>>
          %dma_wait3A_194 = arith.constant 0 : i32
          %dma_wait3A_195 = tpu.memref_slice %arg4[%mul3A_2, %dma_wait3A_194] : memref<51200x128xf32, #tpu.memory_space<hbm>> -> memref<64x128xf32, #tpu.memory_space<hbm>>
          tpu.wait_dma2 semaphore(%arg27 : memref<!tpu.dma_semaphore, #tpu.memory_space<semaphore_mem>>) src(%arg12 : memref<64x128xf32, #tpu.memory_space<vmem>>) dst(%dma_wait3A_195 : memref<64x128xf32, #tpu.memory_space<hbm>>)
        } else {
        }
        %dma_wait3A_187 = tpu.memref_slice %arg2[%mul3A_2] : memref<51200xi32, #tpu.memory_space<hbm>> -> memref<64xi32, #tpu.memory_space<hbm>>
        %dma_wait3A_188 = tpu.memref_slice %arg2[%mul3A_2] : memref<51200xi32, #tpu.memory_space<hbm>> -> memref<64xi32, #tpu.memory_space<hbm>>
        tpu.wait_dma2 semaphore(%arg17 : memref<!tpu.dma_semaphore, #tpu.memory_space<semaphore_mem>>) src(%dma_wait3A_188 : memref<64xi32, #tpu.memory_space<hbm>>) dst(%arg7 : memref<64xi32, #tpu.memory_space<vmem>>)
        %dma_start3A_189 = arith.constant 0 : i32
        %dma_start3A_190 = arith.constant 0 : i32
        %dma_start3A_191 = tpu.memref_slice %arg3[%dma_start3A_189, %dma_start3A_190] : memref<100000x128xf32, #tpu.memory_space<hbm>> -> memref<100000x128xf32, #tpu.memory_space<hbm>>
        tpu.enqueue_indirect_dma source(%dma_start3A_191 : memref<100000x128xf32, #tpu.memory_space<hbm>>) target(%arg12 : memref<64x128xf32, #tpu.memory_space<vmem>>) offsets(%arg7 : memref<64xi32, #tpu.memory_space<vmem>>) semaphore(%arg22 : memref<!tpu.dma_semaphore, #tpu.memory_space<semaphore_mem>>)
      } else {
      }
      %add3A_80 = arith.constant 3 : i32
      %add3A_81 = arith.addi %add3A_72, %add3A_80 : i32
      %lt3A_82 = arith.constant 25 : i32
      %lt3A_83 = arith.cmpi slt, %add3A_81, %lt3A_82 : i32
      %convert_element_type3A_84 = arith.extui %lt3A_83 : i1 to i32
      %cond3A_85 = arith.constant 0 : i32
      %cond3A_86 = arith.cmpi ne, %convert_element_type3A_84, %cond3A_85 : i32
      scf.if %cond3A_86 {
        %add3A_181 = arith.constant 3 : i32
        %add3A_182 = arith.addi %add3A_72, %add3A_181 : i32
        %mul3A_183 = arith.constant 64 : i32
        %mul3A_184 = arith.muli %add3A_182, %mul3A_183 : i32
        %add3A_185 = arith.addi %mul3A_2, %mul3A_184 : i32
        %dma_start3A_186 = tpu.memref_slice %arg2[%add3A_185] : memref<51200xi32, #tpu.memory_space<hbm>> -> memref<64xi32, #tpu.memory_space<hbm>>
        %dma_start3A_187 = tpu.memref_slice %arg2[%add3A_185] : memref<51200xi32, #tpu.memory_space<hbm>> -> memref<64xi32, #tpu.memory_space<hbm>>
        tpu.enqueue_dma source(%dma_start3A_187 : memref<64xi32, #tpu.memory_space<hbm>>) target(%arg9 : memref<64xi32, #tpu.memory_space<vmem>>) target_semaphore(%arg19 : memref<!tpu.dma_semaphore, #tpu.memory_space<semaphore_mem>>)
      } else {
      }
      %dma_wait3A_87 = arith.constant 0 : i32
      %dma_wait3A_88 = arith.constant 0 : i32
      %dma_wait3A_89 = tpu.memref_slice %arg3[%dma_wait3A_87, %dma_wait3A_88] : memref<100000x128xf32, #tpu.memory_space<hbm>> -> memref<100000x128xf32, #tpu.memory_space<hbm>>
      tpu.wait_indirect_dma semaphore(%arg21 : memref<!tpu.dma_semaphore, #tpu.memory_space<semaphore_mem>>) src(%dma_wait3A_89 : memref<100000x128xf32, #tpu.memory_space<hbm>>) dst(%arg11 : memref<64x128xf32, #tpu.memory_space<vmem>>)
      %mul3A_90 = arith.constant 64 : i32
      %mul3A_91 = arith.muli %add3A_72, %mul3A_90 : i32
      %add3A_92 = arith.addi %mul3A_2, %mul3A_91 : i32
      %dma_start3A_93 = arith.constant 0 : i32
      %dma_start3A_94 = tpu.memref_slice %arg4[%add3A_92, %dma_start3A_93] : memref<51200x128xf32, #tpu.memory_space<hbm>> -> memref<64x128xf32, #tpu.memory_space<hbm>>
      %dma_start3A_95 = arith.constant 0 : i32
      %dma_start3A_96 = tpu.memref_slice %arg4[%add3A_92, %dma_start3A_95] : memref<51200x128xf32, #tpu.memory_space<hbm>> -> memref<64x128xf32, #tpu.memory_space<hbm>>
      tpu.enqueue_dma source(%arg11 : memref<64x128xf32, #tpu.memory_space<vmem>>) target(%dma_start3A_96 : memref<64x128xf32, #tpu.memory_space<hbm>>) target_semaphore(%arg26 : memref<!tpu.dma_semaphore, #tpu.memory_space<semaphore_mem>>)
      %mul3A_97 = arith.constant 5 : i32
      %mul3A_98 = arith.muli %scan3A_43, %mul3A_97 : i32
      %add3A_99 = arith.constant 2 : i32
      %add3A_100 = arith.addi %mul3A_98, %add3A_99 : i32
      %add3A_101 = arith.constant 1 : i32
      %add3A_102 = arith.addi %add3A_100, %add3A_101 : i32
      %lt3A_103 = arith.constant 25 : i32
      %lt3A_104 = arith.cmpi slt, %add3A_102, %lt3A_103 : i32
      %convert_element_type3A_105 = arith.extui %lt3A_104 : i1 to i32
      %cond3A_106 = arith.constant 0 : i32
      %cond3A_107 = arith.cmpi ne, %convert_element_type3A_105, %cond3A_106 : i32
      scf.if %cond3A_107 {
        %add3A_181 = arith.constant 1 : i32
        %add3A_182 = arith.addi %add3A_100, %add3A_181 : i32
        %ge3A = arith.constant 5 : i32
        %ge3A_183 = arith.cmpi sge, %add3A_182, %ge3A : i32
        %convert_element_type3A_184 = arith.extui %ge3A_183 : i1 to i32
        %cond3A_185 = arith.constant 0 : i32
        %cond3A_186 = arith.cmpi ne, %convert_element_type3A_184, %cond3A_185 : i32
        scf.if %cond3A_186 {
          %dma_wait3A_192 = arith.constant 0 : i32
          %dma_wait3A_193 = tpu.memref_slice %arg4[%mul3A_2, %dma_wait3A_192] : memref<51200x128xf32, #tpu.memory_space<hbm>> -> memref<64x128xf32, #tpu.memory_space<hbm>>
          %dma_wait3A_194 = arith.constant 0 : i32
          %dma_wait3A_195 = tpu.memref_slice %arg4[%mul3A_2, %dma_wait3A_194] : memref<51200x128xf32, #tpu.memory_space<hbm>> -> memref<64x128xf32, #tpu.memory_space<hbm>>
          tpu.wait_dma2 semaphore(%arg28 : memref<!tpu.dma_semaphore, #tpu.memory_space<semaphore_mem>>) src(%arg13 : memref<64x128xf32, #tpu.memory_space<vmem>>) dst(%dma_wait3A_195 : memref<64x128xf32, #tpu.memory_space<hbm>>)
        } else {
        }
        %dma_wait3A_187 = tpu.memref_slice %arg2[%mul3A_2] : memref<51200xi32, #tpu.memory_space<hbm>> -> memref<64xi32, #tpu.memory_space<hbm>>
        %dma_wait3A_188 = tpu.memref_slice %arg2[%mul3A_2] : memref<51200xi32, #tpu.memory_space<hbm>> -> memref<64xi32, #tpu.memory_space<hbm>>
        tpu.wait_dma2 semaphore(%arg18 : memref<!tpu.dma_semaphore, #tpu.memory_space<semaphore_mem>>) src(%dma_wait3A_188 : memref<64xi32, #tpu.memory_space<hbm>>) dst(%arg8 : memref<64xi32, #tpu.memory_space<vmem>>)
        %dma_start3A_189 = arith.constant 0 : i32
        %dma_start3A_190 = arith.constant 0 : i32
        %dma_start3A_191 = tpu.memref_slice %arg3[%dma_start3A_189, %dma_start3A_190] : memref<100000x128xf32, #tpu.memory_space<hbm>> -> memref<100000x128xf32, #tpu.memory_space<hbm>>
        tpu.enqueue_indirect_dma source(%dma_start3A_191 : memref<100000x128xf32, #tpu.memory_space<hbm>>) target(%arg13 : memref<64x128xf32, #tpu.memory_space<vmem>>) offsets(%arg8 : memref<64xi32, #tpu.memory_space<vmem>>) semaphore(%arg23 : memref<!tpu.dma_semaphore, #tpu.memory_space<semaphore_mem>>)
      } else {
      }
      %add3A_108 = arith.constant 3 : i32
      %add3A_109 = arith.addi %add3A_100, %add3A_108 : i32
      %lt3A_110 = arith.constant 25 : i32
      %lt3A_111 = arith.cmpi slt, %add3A_109, %lt3A_110 : i32
      %convert_element_type3A_112 = arith.extui %lt3A_111 : i1 to i32
      %cond3A_113 = arith.constant 0 : i32
      %cond3A_114 = arith.cmpi ne, %convert_element_type3A_112, %cond3A_113 : i32
      scf.if %cond3A_114 {
        %add3A_181 = arith.constant 3 : i32
        %add3A_182 = arith.addi %add3A_100, %add3A_181 : i32
        %mul3A_183 = arith.constant 64 : i32
        %mul3A_184 = arith.muli %add3A_182, %mul3A_183 : i32
        %add3A_185 = arith.addi %mul3A_2, %mul3A_184 : i32
        %dma_start3A_186 = tpu.memref_slice %arg2[%add3A_185] : memref<51200xi32, #tpu.memory_space<hbm>> -> memref<64xi32, #tpu.memory_space<hbm>>
        %dma_start3A_187 = tpu.memref_slice %arg2[%add3A_185] : memref<51200xi32, #tpu.memory_space<hbm>> -> memref<64xi32, #tpu.memory_space<hbm>>
        tpu.enqueue_dma source(%dma_start3A_187 : memref<64xi32, #tpu.memory_space<hbm>>) target(%arg5 : memref<64xi32, #tpu.memory_space<vmem>>) target_semaphore(%arg15 : memref<!tpu.dma_semaphore, #tpu.memory_space<semaphore_mem>>)
      } else {
      }
      %dma_wait3A_115 = arith.constant 0 : i32
      %dma_wait3A_116 = arith.constant 0 : i32
      %dma_wait3A_117 = tpu.memref_slice %arg3[%dma_wait3A_115, %dma_wait3A_116] : memref<100000x128xf32, #tpu.memory_space<hbm>> -> memref<100000x128xf32, #tpu.memory_space<hbm>>
      tpu.wait_indirect_dma semaphore(%arg22 : memref<!tpu.dma_semaphore, #tpu.memory_space<semaphore_mem>>) src(%dma_wait3A_117 : memref<100000x128xf32, #tpu.memory_space<hbm>>) dst(%arg12 : memref<64x128xf32, #tpu.memory_space<vmem>>)
      %mul3A_118 = arith.constant 64 : i32
      %mul3A_119 = arith.muli %add3A_100, %mul3A_118 : i32
      %add3A_120 = arith.addi %mul3A_2, %mul3A_119 : i32
      %dma_start3A_121 = arith.constant 0 : i32
      %dma_start3A_122 = tpu.memref_slice %arg4[%add3A_120, %dma_start3A_121] : memref<51200x128xf32, #tpu.memory_space<hbm>> -> memref<64x128xf32, #tpu.memory_space<hbm>>
      %dma_start3A_123 = arith.constant 0 : i32
      %dma_start3A_124 = tpu.memref_slice %arg4[%add3A_120, %dma_start3A_123] : memref<51200x128xf32, #tpu.memory_space<hbm>> -> memref<64x128xf32, #tpu.memory_space<hbm>>
      tpu.enqueue_dma source(%arg12 : memref<64x128xf32, #tpu.memory_space<vmem>>) target(%dma_start3A_124 : memref<64x128xf32, #tpu.memory_space<hbm>>) target_semaphore(%arg27 : memref<!tpu.dma_semaphore, #tpu.memory_space<semaphore_mem>>)
      %mul3A_125 = arith.constant 5 : i32
      %mul3A_126 = arith.muli %scan3A_43, %mul3A_125 : i32
      %add3A_127 = arith.constant 3 : i32
      %add3A_128 = arith.addi %mul3A_126, %add3A_127 : i32
      %add3A_129 = arith.constant 1 : i32
      %add3A_130 = arith.addi %add3A_128, %add3A_129 : i32
      %lt3A_131 = arith.constant 25 : i32
      %lt3A_132 = arith.cmpi slt, %add3A_130, %lt3A_131 : i32
      %convert_element_type3A_133 = arith.extui %lt3A_132 : i1 to i32
      %cond3A_134 = arith.constant 0 : i32
      %cond3A_135 = arith.cmpi ne, %convert_element_type3A_133, %cond3A_134 : i32
      scf.if %cond3A_135 {
        %add3A_181 = arith.constant 1 : i32
        %add3A_182 = arith.addi %add3A_128, %add3A_181 : i32
        %ge3A = arith.constant 5 : i32
        %ge3A_183 = arith.cmpi sge, %add3A_182, %ge3A : i32
        %convert_element_type3A_184 = arith.extui %ge3A_183 : i1 to i32
        %cond3A_185 = arith.constant 0 : i32
        %cond3A_186 = arith.cmpi ne, %convert_element_type3A_184, %cond3A_185 : i32
        scf.if %cond3A_186 {
          %dma_wait3A_192 = arith.constant 0 : i32
          %dma_wait3A_193 = tpu.memref_slice %arg4[%mul3A_2, %dma_wait3A_192] : memref<51200x128xf32, #tpu.memory_space<hbm>> -> memref<64x128xf32, #tpu.memory_space<hbm>>
          %dma_wait3A_194 = arith.constant 0 : i32
          %dma_wait3A_195 = tpu.memref_slice %arg4[%mul3A_2, %dma_wait3A_194] : memref<51200x128xf32, #tpu.memory_space<hbm>> -> memref<64x128xf32, #tpu.memory_space<hbm>>
          tpu.wait_dma2 semaphore(%arg29 : memref<!tpu.dma_semaphore, #tpu.memory_space<semaphore_mem>>) src(%arg14 : memref<64x128xf32, #tpu.memory_space<vmem>>) dst(%dma_wait3A_195 : memref<64x128xf32, #tpu.memory_space<hbm>>)
        } else {
        }
        %dma_wait3A_187 = tpu.memref_slice %arg2[%mul3A_2] : memref<51200xi32, #tpu.memory_space<hbm>> -> memref<64xi32, #tpu.memory_space<hbm>>
        %dma_wait3A_188 = tpu.memref_slice %arg2[%mul3A_2] : memref<51200xi32, #tpu.memory_space<hbm>> -> memref<64xi32, #tpu.memory_space<hbm>>
        tpu.wait_dma2 semaphore(%arg19 : memref<!tpu.dma_semaphore, #tpu.memory_space<semaphore_mem>>) src(%dma_wait3A_188 : memref<64xi32, #tpu.memory_space<hbm>>) dst(%arg9 : memref<64xi32, #tpu.memory_space<vmem>>)
        %dma_start3A_189 = arith.constant 0 : i32
        %dma_start3A_190 = arith.constant 0 : i32
        %dma_start3A_191 = tpu.memref_slice %arg3[%dma_start3A_189, %dma_start3A_190] : memref<100000x128xf32, #tpu.memory_space<hbm>> -> memref<100000x128xf32, #tpu.memory_space<hbm>>
        tpu.enqueue_indirect_dma source(%dma_start3A_191 : memref<100000x128xf32, #tpu.memory_space<hbm>>) target(%arg14 : memref<64x128xf32, #tpu.memory_space<vmem>>) offsets(%arg9 : memref<64xi32, #tpu.memory_space<vmem>>) semaphore(%arg24 : memref<!tpu.dma_semaphore, #tpu.memory_space<semaphore_mem>>)
      } else {
      }
      %add3A_136 = arith.constant 3 : i32
      %add3A_137 = arith.addi %add3A_128, %add3A_136 : i32
      %lt3A_138 = arith.constant 25 : i32
      %lt3A_139 = arith.cmpi slt, %add3A_137, %lt3A_138 : i32
      %convert_element_type3A_140 = arith.extui %lt3A_139 : i1 to i32
      %cond3A_141 = arith.constant 0 : i32
      %cond3A_142 = arith.cmpi ne, %convert_element_type3A_140, %cond3A_141 : i32
      scf.if %cond3A_142 {
        %add3A_181 = arith.constant 3 : i32
        %add3A_182 = arith.addi %add3A_128, %add3A_181 : i32
        %mul3A_183 = arith.constant 64 : i32
        %mul3A_184 = arith.muli %add3A_182, %mul3A_183 : i32
        %add3A_185 = arith.addi %mul3A_2, %mul3A_184 : i32
        %dma_start3A_186 = tpu.memref_slice %arg2[%add3A_185] : memref<51200xi32, #tpu.memory_space<hbm>> -> memref<64xi32, #tpu.memory_space<hbm>>
        %dma_start3A_187 = tpu.memref_slice %arg2[%add3A_185] : memref<51200xi32, #tpu.memory_space<hbm>> -> memref<64xi32, #tpu.memory_space<hbm>>
        tpu.enqueue_dma source(%dma_start3A_187 : memref<64xi32, #tpu.memory_space<hbm>>) target(%arg6 : memref<64xi32, #tpu.memory_space<vmem>>) target_semaphore(%arg16 : memref<!tpu.dma_semaphore, #tpu.memory_space<semaphore_mem>>)
      } else {
      }
      %dma_wait3A_143 = arith.constant 0 : i32
      %dma_wait3A_144 = arith.constant 0 : i32
      %dma_wait3A_145 = tpu.memref_slice %arg3[%dma_wait3A_143, %dma_wait3A_144] : memref<100000x128xf32, #tpu.memory_space<hbm>> -> memref<100000x128xf32, #tpu.memory_space<hbm>>
      tpu.wait_indirect_dma semaphore(%arg23 : memref<!tpu.dma_semaphore, #tpu.memory_space<semaphore_mem>>) src(%dma_wait3A_145 : memref<100000x128xf32, #tpu.memory_space<hbm>>) dst(%arg13 : memref<64x128xf32, #tpu.memory_space<vmem>>)
      %mul3A_146 = arith.constant 64 : i32
      %mul3A_147 = arith.muli %add3A_128, %mul3A_146 : i32
      %add3A_148 = arith.addi %mul3A_2, %mul3A_147 : i32
      %dma_start3A_149 = arith.constant 0 : i32
      %dma_start3A_150 = tpu.memref_slice %arg4[%add3A_148, %dma_start3A_149] : memref<51200x128xf32, #tpu.memory_space<hbm>> -> memref<64x128xf32, #tpu.memory_space<hbm>>
      %dma_start3A_151 = arith.constant 0 : i32
      %dma_start3A_152 = tpu.memref_slice %arg4[%add3A_148, %dma_start3A_151] : memref<51200x128xf32, #tpu.memory_space<hbm>> -> memref<64x128xf32, #tpu.memory_space<hbm>>
      tpu.enqueue_dma source(%arg13 : memref<64x128xf32, #tpu.memory_space<vmem>>) target(%dma_start3A_152 : memref<64x128xf32, #tpu.memory_space<hbm>>) target_semaphore(%arg28 : memref<!tpu.dma_semaphore, #tpu.memory_space<semaphore_mem>>)
      %mul3A_153 = arith.constant 5 : i32
      %mul3A_154 = arith.muli %scan3A_43, %mul3A_153 : i32
      %add3A_155 = arith.constant 4 : i32
      %add3A_156 = arith.addi %mul3A_154, %add3A_155 : i32
      %add3A_157 = arith.constant 1 : i32
      %add3A_158 = arith.addi %add3A_156, %add3A_157 : i32
      %lt3A_159 = arith.constant 25 : i32
      %lt3A_160 = arith.cmpi slt, %add3A_158, %lt3A_159 : i32
      %convert_element_type3A_161 = arith.extui %lt3A_160 : i1 to i32
      %cond3A_162 = arith.constant 0 : i32
      %cond3A_163 = arith.cmpi ne, %convert_element_type3A_161, %cond3A_162 : i32
      scf.if %cond3A_163 {
        %add3A_181 = arith.constant 1 : i32
        %add3A_182 = arith.addi %add3A_156, %add3A_181 : i32
        %ge3A = arith.constant 5 : i32
        %ge3A_183 = arith.cmpi sge, %add3A_182, %ge3A : i32
        %convert_element_type3A_184 = arith.extui %ge3A_183 : i1 to i32
        %cond3A_185 = arith.constant 0 : i32
        %cond3A_186 = arith.cmpi ne, %convert_element_type3A_184, %cond3A_185 : i32
        scf.if %cond3A_186 {
          %dma_wait3A_192 = arith.constant 0 : i32
          %dma_wait3A_193 = tpu.memref_slice %arg4[%mul3A_2, %dma_wait3A_192] : memref<51200x128xf32, #tpu.memory_space<hbm>> -> memref<64x128xf32, #tpu.memory_space<hbm>>
          %dma_wait3A_194 = arith.constant 0 : i32
          %dma_wait3A_195 = tpu.memref_slice %arg4[%mul3A_2, %dma_wait3A_194] : memref<51200x128xf32, #tpu.memory_space<hbm>> -> memref<64x128xf32, #tpu.memory_space<hbm>>
          tpu.wait_dma2 semaphore(%arg25 : memref<!tpu.dma_semaphore, #tpu.memory_space<semaphore_mem>>) src(%arg10 : memref<64x128xf32, #tpu.memory_space<vmem>>) dst(%dma_wait3A_195 : memref<64x128xf32, #tpu.memory_space<hbm>>)
        } else {
        }
        %dma_wait3A_187 = tpu.memref_slice %arg2[%mul3A_2] : memref<51200xi32, #tpu.memory_space<hbm>> -> memref<64xi32, #tpu.memory_space<hbm>>
        %dma_wait3A_188 = tpu.memref_slice %arg2[%mul3A_2] : memref<51200xi32, #tpu.memory_space<hbm>> -> memref<64xi32, #tpu.memory_space<hbm>>
        tpu.wait_dma2 semaphore(%arg15 : memref<!tpu.dma_semaphore, #tpu.memory_space<semaphore_mem>>) src(%dma_wait3A_188 : memref<64xi32, #tpu.memory_space<hbm>>) dst(%arg5 : memref<64xi32, #tpu.memory_space<vmem>>)
        %dma_start3A_189 = arith.constant 0 : i32
        %dma_start3A_190 = arith.constant 0 : i32
        %dma_start3A_191 = tpu.memref_slice %arg3[%dma_start3A_189, %dma_start3A_190] : memref<100000x128xf32, #tpu.memory_space<hbm>> -> memref<100000x128xf32, #tpu.memory_space<hbm>>
        tpu.enqueue_indirect_dma source(%dma_start3A_191 : memref<100000x128xf32, #tpu.memory_space<hbm>>) target(%arg10 : memref<64x128xf32, #tpu.memory_space<vmem>>) offsets(%arg5 : memref<64xi32, #tpu.memory_space<vmem>>) semaphore(%arg20 : memref<!tpu.dma_semaphore, #tpu.memory_space<semaphore_mem>>)
      } else {
      }
      %add3A_164 = arith.constant 3 : i32
      %add3A_165 = arith.addi %add3A_156, %add3A_164 : i32
      %lt3A_166 = arith.constant 25 : i32
      %lt3A_167 = arith.cmpi slt, %add3A_165, %lt3A_166 : i32
      %convert_element_type3A_168 = arith.extui %lt3A_167 : i1 to i32
      %cond3A_169 = arith.constant 0 : i32
      %cond3A_170 = arith.cmpi ne, %convert_element_type3A_168, %cond3A_169 : i32
      scf.if %cond3A_170 {
        %add3A_181 = arith.constant 3 : i32
        %add3A_182 = arith.addi %add3A_156, %add3A_181 : i32
        %mul3A_183 = arith.constant 64 : i32
        %mul3A_184 = arith.muli %add3A_182, %mul3A_183 : i32
        %add3A_185 = arith.addi %mul3A_2, %mul3A_184 : i32
        %dma_start3A_186 = tpu.memref_slice %arg2[%add3A_185] : memref<51200xi32, #tpu.memory_space<hbm>> -> memref<64xi32, #tpu.memory_space<hbm>>
        %dma_start3A_187 = tpu.memref_slice %arg2[%add3A_185] : memref<51200xi32, #tpu.memory_space<hbm>> -> memref<64xi32, #tpu.memory_space<hbm>>
        tpu.enqueue_dma source(%dma_start3A_187 : memref<64xi32, #tpu.memory_space<hbm>>) target(%arg7 : memref<64xi32, #tpu.memory_space<vmem>>) target_semaphore(%arg17 : memref<!tpu.dma_semaphore, #tpu.memory_space<semaphore_mem>>)
      } else {
      }
      %dma_wait3A_171 = arith.constant 0 : i32
      %dma_wait3A_172 = arith.constant 0 : i32
      %dma_wait3A_173 = tpu.memref_slice %arg3[%dma_wait3A_171, %dma_wait3A_172] : memref<100000x128xf32, #tpu.memory_space<hbm>> -> memref<100000x128xf32, #tpu.memory_space<hbm>>
      tpu.wait_indirect_dma semaphore(%arg24 : memref<!tpu.dma_semaphore, #tpu.memory_space<semaphore_mem>>) src(%dma_wait3A_173 : memref<100000x128xf32, #tpu.memory_space<hbm>>) dst(%arg14 : memref<64x128xf32, #tpu.memory_space<vmem>>)
      %mul3A_174 = arith.constant 64 : i32
      %mul3A_175 = arith.muli %add3A_156, %mul3A_174 : i32
      %add3A_176 = arith.addi %mul3A_2, %mul3A_175 : i32
      %dma_start3A_177 = arith.constant 0 : i32
      %dma_start3A_178 = tpu.memref_slice %arg4[%add3A_176, %dma_start3A_177] : memref<51200x128xf32, #tpu.memory_space<hbm>> -> memref<64x128xf32, #tpu.memory_space<hbm>>
      %dma_start3A_179 = arith.constant 0 : i32
      %dma_start3A_180 = tpu.memref_slice %arg4[%add3A_176, %dma_start3A_179] : memref<51200x128xf32, #tpu.memory_space<hbm>> -> memref<64x128xf32, #tpu.memory_space<hbm>>
      tpu.enqueue_dma source(%arg14 : memref<64x128xf32, #tpu.memory_space<vmem>>) target(%dma_start3A_180 : memref<64x128xf32, #tpu.memory_space<hbm>>) target_semaphore(%arg29 : memref<!tpu.dma_semaphore, #tpu.memory_space<semaphore_mem>>)
    }
    %scan3A_22 = arith.constant 5 : i32
    %dma_wait3A_23 = arith.constant 0 : i32
    %dma_wait3A_24 = tpu.memref_slice %arg4[%mul3A_2, %dma_wait3A_23] : memref<51200x128xf32, #tpu.memory_space<hbm>> -> memref<64x128xf32, #tpu.memory_space<hbm>>
    %dma_wait3A_25 = arith.constant 0 : i32
    %dma_wait3A_26 = tpu.memref_slice %arg4[%mul3A_2, %dma_wait3A_25] : memref<51200x128xf32, #tpu.memory_space<hbm>> -> memref<64x128xf32, #tpu.memory_space<hbm>>
    tpu.wait_dma2 semaphore(%arg25 : memref<!tpu.dma_semaphore, #tpu.memory_space<semaphore_mem>>) src(%arg10 : memref<64x128xf32, #tpu.memory_space<vmem>>) dst(%dma_wait3A_26 : memref<64x128xf32, #tpu.memory_space<hbm>>)
    %dma_wait3A_27 = arith.constant 0 : i32
    %dma_wait3A_28 = tpu.memref_slice %arg4[%mul3A_2, %dma_wait3A_27] : memref<51200x128xf32, #tpu.memory_space<hbm>> -> memref<64x128xf32, #tpu.memory_space<hbm>>
    %dma_wait3A_29 = arith.constant 0 : i32
    %dma_wait3A_30 = tpu.memref_slice %arg4[%mul3A_2, %dma_wait3A_29] : memref<51200x128xf32, #tpu.memory_space<hbm>> -> memref<64x128xf32, #tpu.memory_space<hbm>>
    tpu.wait_dma2 semaphore(%arg26 : memref<!tpu.dma_semaphore, #tpu.memory_space<semaphore_mem>>) src(%arg11 : memref<64x128xf32, #tpu.memory_space<vmem>>) dst(%dma_wait3A_30 : memref<64x128xf32, #tpu.memory_space<hbm>>)
    %dma_wait3A_31 = arith.constant 0 : i32
    %dma_wait3A_32 = tpu.memref_slice %arg4[%mul3A_2, %dma_wait3A_31] : memref<51200x128xf32, #tpu.memory_space<hbm>> -> memref<64x128xf32, #tpu.memory_space<hbm>>
    %dma_wait3A_33 = arith.constant 0 : i32
    %dma_wait3A_34 = tpu.memref_slice %arg4[%mul3A_2, %dma_wait3A_33] : memref<51200x128xf32, #tpu.memory_space<hbm>> -> memref<64x128xf32, #tpu.memory_space<hbm>>
    tpu.wait_dma2 semaphore(%arg27 : memref<!tpu.dma_semaphore, #tpu.memory_space<semaphore_mem>>) src(%arg12 : memref<64x128xf32, #tpu.memory_space<vmem>>) dst(%dma_wait3A_34 : memref<64x128xf32, #tpu.memory_space<hbm>>)
    %dma_wait3A_35 = arith.constant 0 : i32
    %dma_wait3A_36 = tpu.memref_slice %arg4[%mul3A_2, %dma_wait3A_35] : memref<51200x128xf32, #tpu.memory_space<hbm>> -> memref<64x128xf32, #tpu.memory_space<hbm>>
    %dma_wait3A_37 = arith.constant 0 : i32
    %dma_wait3A_38 = tpu.memref_slice %arg4[%mul3A_2, %dma_wait3A_37] : memref<51200x128xf32, #tpu.memory_space<hbm>> -> memref<64x128xf32, #tpu.memory_space<hbm>>
    tpu.wait_dma2 semaphore(%arg28 : memref<!tpu.dma_semaphore, #tpu.memory_space<semaphore_mem>>) src(%arg13 : memref<64x128xf32, #tpu.memory_space<vmem>>) dst(%dma_wait3A_38 : memref<64x128xf32, #tpu.memory_space<hbm>>)
    %dma_wait3A_39 = arith.constant 0 : i32
    %dma_wait3A_40 = tpu.memref_slice %arg4[%mul3A_2, %dma_wait3A_39] : memref<51200x128xf32, #tpu.memory_space<hbm>> -> memref<64x128xf32, #tpu.memory_space<hbm>>
    %dma_wait3A_41 = arith.constant 0 : i32
    %dma_wait3A_42 = tpu.memref_slice %arg4[%mul3A_2, %dma_wait3A_41] : memref<51200x128xf32, #tpu.memory_space<hbm>> -> memref<64x128xf32, #tpu.memory_space<hbm>>
    tpu.wait_dma2 semaphore(%arg29 : memref<!tpu.dma_semaphore, #tpu.memory_space<semaphore_mem>>) src(%arg14 : memref<64x128xf32, #tpu.memory_space<vmem>>) dst(%dma_wait3A_42 : memref<64x128xf32, #tpu.memory_space<hbm>>)
    return
  }
}

#map = affine_map<(d0, d1) -> (0)>
#map1 = affine_map<(d0, d1) -> (0, 0)>
module attributes {stable_mosaic.version = 14 : i64} {
  func.func @_gather_body(%arg0: i32, %arg1: i32, %arg2: memref<51200xi32, #tpu.memory_space<hbm>>, %arg3: memref<100000x128xf32, #tpu.memory_space<hbm>>, %arg4: memref<51200x128xf32, #tpu.memory_space<hbm>>, %arg5: memref<64xi32, #tpu.memory_space<vmem>>, %arg6: memref<64xi32, #tpu.memory_space<vmem>>, %arg7: memref<64xi32, #tpu.memory_space<vmem>>, %arg8: memref<64xi32, #tpu.memory_space<vmem>>, %arg9: memref<64xi32, #tpu.memory_space<vmem>>, %arg10: memref<64x128xf32, #tpu.memory_space<vmem>>, %arg11: memref<64x128xf32, #tpu.memory_space<vmem>>, %arg12: memref<64x128xf32, #tpu.memory_space<vmem>>, %arg13: memref<64x128xf32, #tpu.memory_space<vmem>>, %arg14: memref<64x128xf32, #tpu.memory_space<vmem>>, %arg15: memref<!tpu.dma_semaphore, #tpu.memory_space<semaphore_mem>>, %arg16: memref<!tpu.dma_semaphore, #tpu.memory_space<semaphore_mem>>, %arg17: memref<!tpu.dma_semaphore, #tpu.memory_space<semaphore_mem>>, %arg18: memref<!tpu.dma_semaphore, #tpu.memory_space<semaphore_mem>>, %arg19: memref<!tpu.dma_semaphore, #tpu.memory_space<semaphore_mem>>, %arg20: memref<!tpu.dma_semaphore, #tpu.memory_space<semaphore_mem>>, %arg21: memref<!tpu.dma_semaphore, #tpu.memory_space<semaphore_mem>>, %arg22: memref<!tpu.dma_semaphore, #tpu.memory_space<semaphore_mem>>, %arg23: memref<!tpu.dma_semaphore, #tpu.memory_space<semaphore_mem>>, %arg24: memref<!tpu.dma_semaphore, #tpu.memory_space<semaphore_mem>>, %arg25: memref<!tpu.dma_semaphore, #tpu.memory_space<semaphore_mem>>, %arg26: memref<!tpu.dma_semaphore, #tpu.memory_space<semaphore_mem>>, %arg27: memref<!tpu.dma_semaphore, #tpu.memory_space<semaphore_mem>>, %arg28: memref<!tpu.dma_semaphore, #tpu.memory_space<semaphore_mem>>, %arg29: memref<!tpu.dma_semaphore, #tpu.memory_space<semaphore_mem>>) attributes {dimension_semantics = [#tpu.dimension_semantics<core_parallel>, #tpu.dimension_semantics<subcore_parallel>], iteration_bounds = array<i64: 2, 16>, scalar_prefetch = 0 : i64, scratch_operands = 25 : i64, tpu.core_type = #tpu.core_type<sc_vector_subcore>, window_params = [{transform_indices = #map}, {transform_indices = #map1}, {transform_indices = #map1}]} {
    %mul3A = arith.constant 2 : i32
    %mul3A_0 = arith.muli %arg1, %mul3A : i32
    %add3A = arith.addi %mul3A_0, %arg0 : i32
    %mul3A_1 = arith.constant 1600 : i32
    %mul3A_2 = arith.muli %add3A, %mul3A_1 : i32
    %add3A_3 = arith.constant 0 : i32
    %add3A_4 = arith.addi %mul3A_2, %add3A_3 : i32
    %dma_start3A = tpu.memref_slice %arg2[%add3A_4] : memref<51200xi32, #tpu.memory_space<hbm>> -> memref<64xi32, #tpu.memory_space<hbm>>
    %dma_start3A_5 = tpu.memref_slice %arg2[%add3A_4] : memref<51200xi32, #tpu.memory_space<hbm>> -> memref<64xi32, #tpu.memory_space<hbm>>
    tpu.enqueue_dma source(%dma_start3A_5 : memref<64xi32, #tpu.memory_space<hbm>>) target(%arg5 : memref<64xi32, #tpu.memory_space<vmem>>) target_semaphore(%arg15 : memref<!tpu.dma_semaphore, #tpu.memory_space<semaphore_mem>>)
    %add3A_6 = arith.constant 64 : i32
    %add3A_7 = arith.addi %mul3A_2, %add3A_6 : i32
    %dma_start3A_8 = tpu.memref_slice %arg2[%add3A_7] : memref<51200xi32, #tpu.memory_space<hbm>> -> memref<64xi32, #tpu.memory_space<hbm>>
    %dma_start3A_9 = tpu.memref_slice %arg2[%add3A_7] : memref<51200xi32, #tpu.memory_space<hbm>> -> memref<64xi32, #tpu.memory_space<hbm>>
    tpu.enqueue_dma source(%dma_start3A_9 : memref<64xi32, #tpu.memory_space<hbm>>) target(%arg6 : memref<64xi32, #tpu.memory_space<vmem>>) target_semaphore(%arg16 : memref<!tpu.dma_semaphore, #tpu.memory_space<semaphore_mem>>)
    %add3A_10 = arith.constant 128 : i32
    %add3A_11 = arith.addi %mul3A_2, %add3A_10 : i32
    %dma_start3A_12 = tpu.memref_slice %arg2[%add3A_11] : memref<51200xi32, #tpu.memory_space<hbm>> -> memref<64xi32, #tpu.memory_space<hbm>>
    %dma_start3A_13 = tpu.memref_slice %arg2[%add3A_11] : memref<51200xi32, #tpu.memory_space<hbm>> -> memref<64xi32, #tpu.memory_space<hbm>>
    tpu.enqueue_dma source(%dma_start3A_13 : memref<64xi32, #tpu.memory_space<hbm>>) target(%arg7 : memref<64xi32, #tpu.memory_space<vmem>>) target_semaphore(%arg17 : memref<!tpu.dma_semaphore, #tpu.memory_space<semaphore_mem>>)
    %dma_wait3A = tpu.memref_slice %arg2[%mul3A_2] : memref<51200xi32, #tpu.memory_space<hbm>> -> memref<64xi32, #tpu.memory_space<hbm>>
    %dma_wait3A_14 = tpu.memref_slice %arg2[%mul3A_2] : memref<51200xi32, #tpu.memory_space<hbm>> -> memref<64xi32, #tpu.memory_space<hbm>>
    tpu.wait_dma2 semaphore(%arg15 : memref<!tpu.dma_semaphore, #tpu.memory_space<semaphore_mem>>) src(%dma_wait3A_14 : memref<64xi32, #tpu.memory_space<hbm>>) dst(%arg5 : memref<64xi32, #tpu.memory_space<vmem>>)
    %dma_start3A_15 = arith.constant 0 : i32
    %dma_start3A_16 = arith.constant 0 : i32
    %dma_start3A_17 = tpu.memref_slice %arg3[%dma_start3A_15, %dma_start3A_16] : memref<100000x128xf32, #tpu.memory_space<hbm>> -> memref<100000x128xf32, #tpu.memory_space<hbm>>
    tpu.enqueue_indirect_dma source(%dma_start3A_17 : memref<100000x128xf32, #tpu.memory_space<hbm>>) target(%arg10 : memref<64x128xf32, #tpu.memory_space<vmem>>) offsets(%arg5 : memref<64xi32, #tpu.memory_space<vmem>>) semaphore(%arg20 : memref<!tpu.dma_semaphore, #tpu.memory_space<semaphore_mem>>)
    %scan3A = arith.constant 0 : i32
    %scan3A_18 = arith.constant 0 : i32
    %scan3A_19 = arith.constant 5 : i32
    %scan3A_20 = arith.addi %scan3A_18, %scan3A_19 : i32
    %scan3A_21 = arith.constant 1 : i32
    scf.for %scan3A_43 = %scan3A_18 to %scan3A_20 step %scan3A_21  : i32 {
      %mul3A_44 = arith.constant 5 : i32
      %mul3A_45 = arith.muli %scan3A_43, %mul3A_44 : i32
      %add3A_46 = arith.constant 0 : i32
      %add3A_47 = arith.addi %mul3A_45, %add3A_46 : i32
      %add3A_48 = arith.constant 1 : i32
      %add3A_49 = arith.addi %add3A_47, %add3A_48 : i32
      %lt3A = arith.constant 25 : i32
      %lt3A_50 = arith.cmpi slt, %add3A_49, %lt3A : i32
      %convert_element_type3A = arith.extui %lt3A_50 : i1 to i32
      %cond3A = arith.constant 0 : i32
      %cond3A_51 = arith.cmpi ne, %convert_element_type3A, %cond3A : i32
      scf.if %cond3A_51 {
        %add3A_181 = arith.constant 1 : i32
        %add3A_182 = arith.addi %add3A_47, %add3A_181 : i32
        %ge3A = arith.constant 5 : i32
        %ge3A_183 = arith.cmpi sge, %add3A_182, %ge3A : i32
        %convert_element_type3A_184 = arith.extui %ge3A_183 : i1 to i32
        %cond3A_185 = arith.constant 0 : i32
        %cond3A_186 = arith.cmpi ne, %convert_element_type3A_184, %cond3A_185 : i32
        scf.if %cond3A_186 {
          %dma_wait3A_192 = arith.constant 0 : i32
          %dma_wait3A_193 = tpu.memref_slice %arg4[%mul3A_2, %dma_wait3A_192] : memref<51200x128xf32, #tpu.memory_space<hbm>> -> memref<64x128xf32, #tpu.memory_space<hbm>>
          %dma_wait3A_194 = arith.constant 0 : i32
          %dma_wait3A_195 = tpu.memref_slice %arg4[%mul3A_2, %dma_wait3A_194] : memref<51200x128xf32, #tpu.memory_space<hbm>> -> memref<64x128xf32, #tpu.memory_space<hbm>>
          tpu.wait_dma2 semaphore(%arg26 : memref<!tpu.dma_semaphore, #tpu.memory_space<semaphore_mem>>) src(%arg11 : memref<64x128xf32, #tpu.memory_space<vmem>>) dst(%dma_wait3A_195 : memref<64x128xf32, #tpu.memory_space<hbm>>)
        } else {
        }
        %dma_wait3A_187 = tpu.memref_slice %arg2[%mul3A_2] : memref<51200xi32, #tpu.memory_space<hbm>> -> memref<64xi32, #tpu.memory_space<hbm>>
        %dma_wait3A_188 = tpu.memref_slice %arg2[%mul3A_2] : memref<51200xi32, #tpu.memory_space<hbm>> -> memref<64xi32, #tpu.memory_space<hbm>>
        tpu.wait_dma2 semaphore(%arg16 : memref<!tpu.dma_semaphore, #tpu.memory_space<semaphore_mem>>) src(%dma_wait3A_188 : memref<64xi32, #tpu.memory_space<hbm>>) dst(%arg6 : memref<64xi32, #tpu.memory_space<vmem>>)
        %dma_start3A_189 = arith.constant 0 : i32
        %dma_start3A_190 = arith.constant 0 : i32
        %dma_start3A_191 = tpu.memref_slice %arg3[%dma_start3A_189, %dma_start3A_190] : memref<100000x128xf32, #tpu.memory_space<hbm>> -> memref<100000x128xf32, #tpu.memory_space<hbm>>
        tpu.enqueue_indirect_dma source(%dma_start3A_191 : memref<100000x128xf32, #tpu.memory_space<hbm>>) target(%arg11 : memref<64x128xf32, #tpu.memory_space<vmem>>) offsets(%arg6 : memref<64xi32, #tpu.memory_space<vmem>>) semaphore(%arg21 : memref<!tpu.dma_semaphore, #tpu.memory_space<semaphore_mem>>)
      } else {
      }
      %add3A_52 = arith.constant 3 : i32
      %add3A_53 = arith.addi %add3A_47, %add3A_52 : i32
      %lt3A_54 = arith.constant 25 : i32
      %lt3A_55 = arith.cmpi slt, %add3A_53, %lt3A_54 : i32
      %convert_element_type3A_56 = arith.extui %lt3A_55 : i1 to i32
      %cond3A_57 = arith.constant 0 : i32
      %cond3A_58 = arith.cmpi ne, %convert_element_type3A_56, %cond3A_57 : i32
      scf.if %cond3A_58 {
        %add3A_181 = arith.constant 3 : i32
        %add3A_182 = arith.addi %add3A_47, %add3A_181 : i32
        %mul3A_183 = arith.constant 64 : i32
        %mul3A_184 = arith.muli %add3A_182, %mul3A_183 : i32
        %add3A_185 = arith.addi %mul3A_2, %mul3A_184 : i32
        %dma_start3A_186 = tpu.memref_slice %arg2[%add3A_185] : memref<51200xi32, #tpu.memory_space<hbm>> -> memref<64xi32, #tpu.memory_space<hbm>>
        %dma_start3A_187 = tpu.memref_slice %arg2[%add3A_185] : memref<51200xi32, #tpu.memory_space<hbm>> -> memref<64xi32, #tpu.memory_space<hbm>>
        tpu.enqueue_dma source(%dma_start3A_187 : memref<64xi32, #tpu.memory_space<hbm>>) target(%arg8 : memref<64xi32, #tpu.memory_space<vmem>>) target_semaphore(%arg18 : memref<!tpu.dma_semaphore, #tpu.memory_space<semaphore_mem>>)
      } else {
      }
      %dma_wait3A_59 = arith.constant 0 : i32
      %dma_wait3A_60 = arith.constant 0 : i32
      %dma_wait3A_61 = tpu.memref_slice %arg3[%dma_wait3A_59, %dma_wait3A_60] : memref<100000x128xf32, #tpu.memory_space<hbm>> -> memref<100000x128xf32, #tpu.memory_space<hbm>>
      tpu.wait_indirect_dma semaphore(%arg20 : memref<!tpu.dma_semaphore, #tpu.memory_space<semaphore_mem>>) src(%dma_wait3A_61 : memref<100000x128xf32, #tpu.memory_space<hbm>>) dst(%arg10 : memref<64x128xf32, #tpu.memory_space<vmem>>)
      %mul3A_62 = arith.constant 64 : i32
      %mul3A_63 = arith.muli %add3A_47, %mul3A_62 : i32
      %add3A_64 = arith.addi %mul3A_2, %mul3A_63 : i32
      %dma_start3A_65 = arith.constant 0 : i32
      %dma_start3A_66 = tpu.memref_slice %arg4[%add3A_64, %dma_start3A_65] : memref<51200x128xf32, #tpu.memory_space<hbm>> -> memref<64x128xf32, #tpu.memory_space<hbm>>
      %dma_start3A_67 = arith.constant 0 : i32
      %dma_start3A_68 = tpu.memref_slice %arg4[%add3A_64, %dma_start3A_67] : memref<51200x128xf32, #tpu.memory_space<hbm>> -> memref<64x128xf32, #tpu.memory_space<hbm>>
      tpu.enqueue_dma source(%arg10 : memref<64x128xf32, #tpu.memory_space<vmem>>) target(%dma_start3A_68 : memref<64x128xf32, #tpu.memory_space<hbm>>) target_semaphore(%arg25 : memref<!tpu.dma_semaphore, #tpu.memory_space<semaphore_mem>>)
      %mul3A_69 = arith.constant 5 : i32
      %mul3A_70 = arith.muli %scan3A_43, %mul3A_69 : i32
      %add3A_71 = arith.constant 1 : i32
      %add3A_72 = arith.addi %mul3A_70, %add3A_71 : i32
      %add3A_73 = arith.constant 1 : i32
      %add3A_74 = arith.addi %add3A_72, %add3A_73 : i32
      %lt3A_75 = arith.constant 25 : i32
      %lt3A_76 = arith.cmpi slt, %add3A_74, %lt3A_75 : i32
      %convert_element_type3A_77 = arith.extui %lt3A_76 : i1 to i32
      %cond3A_78 = arith.constant 0 : i32
      %cond3A_79 = arith.cmpi ne, %convert_element_type3A_77, %cond3A_78 : i32
      scf.if %cond3A_79 {
        %add3A_181 = arith.constant 1 : i32
        %add3A_182 = arith.addi %add3A_72, %add3A_181 : i32
        %ge3A = arith.constant 5 : i32
        %ge3A_183 = arith.cmpi sge, %add3A_182, %ge3A : i32
        %convert_element_type3A_184 = arith.extui %ge3A_183 : i1 to i32
        %cond3A_185 = arith.constant 0 : i32
        %cond3A_186 = arith.cmpi ne, %convert_element_type3A_184, %cond3A_185 : i32
        scf.if %cond3A_186 {
          %dma_wait3A_192 = arith.constant 0 : i32
          %dma_wait3A_193 = tpu.memref_slice %arg4[%mul3A_2, %dma_wait3A_192] : memref<51200x128xf32, #tpu.memory_space<hbm>> -> memref<64x128xf32, #tpu.memory_space<hbm>>
          %dma_wait3A_194 = arith.constant 0 : i32
          %dma_wait3A_195 = tpu.memref_slice %arg4[%mul3A_2, %dma_wait3A_194] : memref<51200x128xf32, #tpu.memory_space<hbm>> -> memref<64x128xf32, #tpu.memory_space<hbm>>
          tpu.wait_dma2 semaphore(%arg27 : memref<!tpu.dma_semaphore, #tpu.memory_space<semaphore_mem>>) src(%arg12 : memref<64x128xf32, #tpu.memory_space<vmem>>) dst(%dma_wait3A_195 : memref<64x128xf32, #tpu.memory_space<hbm>>)
        } else {
        }
        %dma_wait3A_187 = tpu.memref_slice %arg2[%mul3A_2] : memref<51200xi32, #tpu.memory_space<hbm>> -> memref<64xi32, #tpu.memory_space<hbm>>
        %dma_wait3A_188 = tpu.memref_slice %arg2[%mul3A_2] : memref<51200xi32, #tpu.memory_space<hbm>> -> memref<64xi32, #tpu.memory_space<hbm>>
        tpu.wait_dma2 semaphore(%arg17 : memref<!tpu.dma_semaphore, #tpu.memory_space<semaphore_mem>>) src(%dma_wait3A_188 : memref<64xi32, #tpu.memory_space<hbm>>) dst(%arg7 : memref<64xi32, #tpu.memory_space<vmem>>)
        %dma_start3A_189 = arith.constant 0 : i32
        %dma_start3A_190 = arith.constant 0 : i32
        %dma_start3A_191 = tpu.memref_slice %arg3[%dma_start3A_189, %dma_start3A_190] : memref<100000x128xf32, #tpu.memory_space<hbm>> -> memref<100000x128xf32, #tpu.memory_space<hbm>>
        tpu.enqueue_indirect_dma source(%dma_start3A_191 : memref<100000x128xf32, #tpu.memory_space<hbm>>) target(%arg12 : memref<64x128xf32, #tpu.memory_space<vmem>>) offsets(%arg7 : memref<64xi32, #tpu.memory_space<vmem>>) semaphore(%arg22 : memref<!tpu.dma_semaphore, #tpu.memory_space<semaphore_mem>>)
      } else {
      }
      %add3A_80 = arith.constant 3 : i32
      %add3A_81 = arith.addi %add3A_72, %add3A_80 : i32
      %lt3A_82 = arith.constant 25 : i32
      %lt3A_83 = arith.cmpi slt, %add3A_81, %lt3A_82 : i32
      %convert_element_type3A_84 = arith.extui %lt3A_83 : i1 to i32
      %cond3A_85 = arith.constant 0 : i32
      %cond3A_86 = arith.cmpi ne, %convert_element_type3A_84, %cond3A_85 : i32
      scf.if %cond3A_86 {
        %add3A_181 = arith.constant 3 : i32
        %add3A_182 = arith.addi %add3A_72, %add3A_181 : i32
        %mul3A_183 = arith.constant 64 : i32
        %mul3A_184 = arith.muli %add3A_182, %mul3A_183 : i32
        %add3A_185 = arith.addi %mul3A_2, %mul3A_184 : i32
        %dma_start3A_186 = tpu.memref_slice %arg2[%add3A_185] : memref<51200xi32, #tpu.memory_space<hbm>> -> memref<64xi32, #tpu.memory_space<hbm>>
        %dma_start3A_187 = tpu.memref_slice %arg2[%add3A_185] : memref<51200xi32, #tpu.memory_space<hbm>> -> memref<64xi32, #tpu.memory_space<hbm>>
        tpu.enqueue_dma source(%dma_start3A_187 : memref<64xi32, #tpu.memory_space<hbm>>) target(%arg9 : memref<64xi32, #tpu.memory_space<vmem>>) target_semaphore(%arg19 : memref<!tpu.dma_semaphore, #tpu.memory_space<semaphore_mem>>)
      } else {
      }
      %dma_wait3A_87 = arith.constant 0 : i32
      %dma_wait3A_88 = arith.constant 0 : i32
      %dma_wait3A_89 = tpu.memref_slice %arg3[%dma_wait3A_87, %dma_wait3A_88] : memref<100000x128xf32, #tpu.memory_space<hbm>> -> memref<100000x128xf32, #tpu.memory_space<hbm>>
      tpu.wait_indirect_dma semaphore(%arg21 : memref<!tpu.dma_semaphore, #tpu.memory_space<semaphore_mem>>) src(%dma_wait3A_89 : memref<100000x128xf32, #tpu.memory_space<hbm>>) dst(%arg11 : memref<64x128xf32, #tpu.memory_space<vmem>>)
      %mul3A_90 = arith.constant 64 : i32
      %mul3A_91 = arith.muli %add3A_72, %mul3A_90 : i32
      %add3A_92 = arith.addi %mul3A_2, %mul3A_91 : i32
      %dma_start3A_93 = arith.constant 0 : i32
      %dma_start3A_94 = tpu.memref_slice %arg4[%add3A_92, %dma_start3A_93] : memref<51200x128xf32, #tpu.memory_space<hbm>> -> memref<64x128xf32, #tpu.memory_space<hbm>>
      %dma_start3A_95 = arith.constant 0 : i32
      %dma_start3A_96 = tpu.memref_slice %arg4[%add3A_92, %dma_start3A_95] : memref<51200x128xf32, #tpu.memory_space<hbm>> -> memref<64x128xf32, #tpu.memory_space<hbm>>
      tpu.enqueue_dma source(%arg11 : memref<64x128xf32, #tpu.memory_space<vmem>>) target(%dma_start3A_96 : memref<64x128xf32, #tpu.memory_space<hbm>>) target_semaphore(%arg26 : memref<!tpu.dma_semaphore, #tpu.memory_space<semaphore_mem>>)
      %mul3A_97 = arith.constant 5 : i32
      %mul3A_98 = arith.muli %scan3A_43, %mul3A_97 : i32
      %add3A_99 = arith.constant 2 : i32
      %add3A_100 = arith.addi %mul3A_98, %add3A_99 : i32
      %add3A_101 = arith.constant 1 : i32
      %add3A_102 = arith.addi %add3A_100, %add3A_101 : i32
      %lt3A_103 = arith.constant 25 : i32
      %lt3A_104 = arith.cmpi slt, %add3A_102, %lt3A_103 : i32
      %convert_element_type3A_105 = arith.extui %lt3A_104 : i1 to i32
      %cond3A_106 = arith.constant 0 : i32
      %cond3A_107 = arith.cmpi ne, %convert_element_type3A_105, %cond3A_106 : i32
      scf.if %cond3A_107 {
        %add3A_181 = arith.constant 1 : i32
        %add3A_182 = arith.addi %add3A_100, %add3A_181 : i32
        %ge3A = arith.constant 5 : i32
        %ge3A_183 = arith.cmpi sge, %add3A_182, %ge3A : i32
        %convert_element_type3A_184 = arith.extui %ge3A_183 : i1 to i32
        %cond3A_185 = arith.constant 0 : i32
        %cond3A_186 = arith.cmpi ne, %convert_element_type3A_184, %cond3A_185 : i32
        scf.if %cond3A_186 {
          %dma_wait3A_192 = arith.constant 0 : i32
          %dma_wait3A_193 = tpu.memref_slice %arg4[%mul3A_2, %dma_wait3A_192] : memref<51200x128xf32, #tpu.memory_space<hbm>> -> memref<64x128xf32, #tpu.memory_space<hbm>>
          %dma_wait3A_194 = arith.constant 0 : i32
          %dma_wait3A_195 = tpu.memref_slice %arg4[%mul3A_2, %dma_wait3A_194] : memref<51200x128xf32, #tpu.memory_space<hbm>> -> memref<64x128xf32, #tpu.memory_space<hbm>>
          tpu.wait_dma2 semaphore(%arg28 : memref<!tpu.dma_semaphore, #tpu.memory_space<semaphore_mem>>) src(%arg13 : memref<64x128xf32, #tpu.memory_space<vmem>>) dst(%dma_wait3A_195 : memref<64x128xf32, #tpu.memory_space<hbm>>)
        } else {
        }
        %dma_wait3A_187 = tpu.memref_slice %arg2[%mul3A_2] : memref<51200xi32, #tpu.memory_space<hbm>> -> memref<64xi32, #tpu.memory_space<hbm>>
        %dma_wait3A_188 = tpu.memref_slice %arg2[%mul3A_2] : memref<51200xi32, #tpu.memory_space<hbm>> -> memref<64xi32, #tpu.memory_space<hbm>>
        tpu.wait_dma2 semaphore(%arg18 : memref<!tpu.dma_semaphore, #tpu.memory_space<semaphore_mem>>) src(%dma_wait3A_188 : memref<64xi32, #tpu.memory_space<hbm>>) dst(%arg8 : memref<64xi32, #tpu.memory_space<vmem>>)
        %dma_start3A_189 = arith.constant 0 : i32
        %dma_start3A_190 = arith.constant 0 : i32
        %dma_start3A_191 = tpu.memref_slice %arg3[%dma_start3A_189, %dma_start3A_190] : memref<100000x128xf32, #tpu.memory_space<hbm>> -> memref<100000x128xf32, #tpu.memory_space<hbm>>
        tpu.enqueue_indirect_dma source(%dma_start3A_191 : memref<100000x128xf32, #tpu.memory_space<hbm>>) target(%arg13 : memref<64x128xf32, #tpu.memory_space<vmem>>) offsets(%arg8 : memref<64xi32, #tpu.memory_space<vmem>>) semaphore(%arg23 : memref<!tpu.dma_semaphore, #tpu.memory_space<semaphore_mem>>)
      } else {
      }
      %add3A_108 = arith.constant 3 : i32
      %add3A_109 = arith.addi %add3A_100, %add3A_108 : i32
      %lt3A_110 = arith.constant 25 : i32
      %lt3A_111 = arith.cmpi slt, %add3A_109, %lt3A_110 : i32
      %convert_element_type3A_112 = arith.extui %lt3A_111 : i1 to i32
      %cond3A_113 = arith.constant 0 : i32
      %cond3A_114 = arith.cmpi ne, %convert_element_type3A_112, %cond3A_113 : i32
      scf.if %cond3A_114 {
        %add3A_181 = arith.constant 3 : i32
        %add3A_182 = arith.addi %add3A_100, %add3A_181 : i32
        %mul3A_183 = arith.constant 64 : i32
        %mul3A_184 = arith.muli %add3A_182, %mul3A_183 : i32
        %add3A_185 = arith.addi %mul3A_2, %mul3A_184 : i32
        %dma_start3A_186 = tpu.memref_slice %arg2[%add3A_185] : memref<51200xi32, #tpu.memory_space<hbm>> -> memref<64xi32, #tpu.memory_space<hbm>>
        %dma_start3A_187 = tpu.memref_slice %arg2[%add3A_185] : memref<51200xi32, #tpu.memory_space<hbm>> -> memref<64xi32, #tpu.memory_space<hbm>>
        tpu.enqueue_dma source(%dma_start3A_187 : memref<64xi32, #tpu.memory_space<hbm>>) target(%arg5 : memref<64xi32, #tpu.memory_space<vmem>>) target_semaphore(%arg15 : memref<!tpu.dma_semaphore, #tpu.memory_space<semaphore_mem>>)
      } else {
      }
      %dma_wait3A_115 = arith.constant 0 : i32
      %dma_wait3A_116 = arith.constant 0 : i32
      %dma_wait3A_117 = tpu.memref_slice %arg3[%dma_wait3A_115, %dma_wait3A_116] : memref<100000x128xf32, #tpu.memory_space<hbm>> -> memref<100000x128xf32, #tpu.memory_space<hbm>>
      tpu.wait_indirect_dma semaphore(%arg22 : memref<!tpu.dma_semaphore, #tpu.memory_space<semaphore_mem>>) src(%dma_wait3A_117 : memref<100000x128xf32, #tpu.memory_space<hbm>>) dst(%arg12 : memref<64x128xf32, #tpu.memory_space<vmem>>)
      %mul3A_118 = arith.constant 64 : i32
      %mul3A_119 = arith.muli %add3A_100, %mul3A_118 : i32
      %add3A_120 = arith.addi %mul3A_2, %mul3A_119 : i32
      %dma_start3A_121 = arith.constant 0 : i32
      %dma_start3A_122 = tpu.memref_slice %arg4[%add3A_120, %dma_start3A_121] : memref<51200x128xf32, #tpu.memory_space<hbm>> -> memref<64x128xf32, #tpu.memory_space<hbm>>
      %dma_start3A_123 = arith.constant 0 : i32
      %dma_start3A_124 = tpu.memref_slice %arg4[%add3A_120, %dma_start3A_123] : memref<51200x128xf32, #tpu.memory_space<hbm>> -> memref<64x128xf32, #tpu.memory_space<hbm>>
      tpu.enqueue_dma source(%arg12 : memref<64x128xf32, #tpu.memory_space<vmem>>) target(%dma_start3A_124 : memref<64x128xf32, #tpu.memory_space<hbm>>) target_semaphore(%arg27 : memref<!tpu.dma_semaphore, #tpu.memory_space<semaphore_mem>>)
      %mul3A_125 = arith.constant 5 : i32
      %mul3A_126 = arith.muli %scan3A_43, %mul3A_125 : i32
      %add3A_127 = arith.constant 3 : i32
      %add3A_128 = arith.addi %mul3A_126, %add3A_127 : i32
      %add3A_129 = arith.constant 1 : i32
      %add3A_130 = arith.addi %add3A_128, %add3A_129 : i32
      %lt3A_131 = arith.constant 25 : i32
      %lt3A_132 = arith.cmpi slt, %add3A_130, %lt3A_131 : i32
      %convert_element_type3A_133 = arith.extui %lt3A_132 : i1 to i32
      %cond3A_134 = arith.constant 0 : i32
      %cond3A_135 = arith.cmpi ne, %convert_element_type3A_133, %cond3A_134 : i32
      scf.if %cond3A_135 {
        %add3A_181 = arith.constant 1 : i32
        %add3A_182 = arith.addi %add3A_128, %add3A_181 : i32
        %ge3A = arith.constant 5 : i32
        %ge3A_183 = arith.cmpi sge, %add3A_182, %ge3A : i32
        %convert_element_type3A_184 = arith.extui %ge3A_183 : i1 to i32
        %cond3A_185 = arith.constant 0 : i32
        %cond3A_186 = arith.cmpi ne, %convert_element_type3A_184, %cond3A_185 : i32
        scf.if %cond3A_186 {
          %dma_wait3A_192 = arith.constant 0 : i32
          %dma_wait3A_193 = tpu.memref_slice %arg4[%mul3A_2, %dma_wait3A_192] : memref<51200x128xf32, #tpu.memory_space<hbm>> -> memref<64x128xf32, #tpu.memory_space<hbm>>
          %dma_wait3A_194 = arith.constant 0 : i32
          %dma_wait3A_195 = tpu.memref_slice %arg4[%mul3A_2, %dma_wait3A_194] : memref<51200x128xf32, #tpu.memory_space<hbm>> -> memref<64x128xf32, #tpu.memory_space<hbm>>
          tpu.wait_dma2 semaphore(%arg29 : memref<!tpu.dma_semaphore, #tpu.memory_space<semaphore_mem>>) src(%arg14 : memref<64x128xf32, #tpu.memory_space<vmem>>) dst(%dma_wait3A_195 : memref<64x128xf32, #tpu.memory_space<hbm>>)
        } else {
        }
        %dma_wait3A_187 = tpu.memref_slice %arg2[%mul3A_2] : memref<51200xi32, #tpu.memory_space<hbm>> -> memref<64xi32, #tpu.memory_space<hbm>>
        %dma_wait3A_188 = tpu.memref_slice %arg2[%mul3A_2] : memref<51200xi32, #tpu.memory_space<hbm>> -> memref<64xi32, #tpu.memory_space<hbm>>
        tpu.wait_dma2 semaphore(%arg19 : memref<!tpu.dma_semaphore, #tpu.memory_space<semaphore_mem>>) src(%dma_wait3A_188 : memref<64xi32, #tpu.memory_space<hbm>>) dst(%arg9 : memref<64xi32, #tpu.memory_space<vmem>>)
        %dma_start3A_189 = arith.constant 0 : i32
        %dma_start3A_190 = arith.constant 0 : i32
        %dma_start3A_191 = tpu.memref_slice %arg3[%dma_start3A_189, %dma_start3A_190] : memref<100000x128xf32, #tpu.memory_space<hbm>> -> memref<100000x128xf32, #tpu.memory_space<hbm>>
        tpu.enqueue_indirect_dma source(%dma_start3A_191 : memref<100000x128xf32, #tpu.memory_space<hbm>>) target(%arg14 : memref<64x128xf32, #tpu.memory_space<vmem>>) offsets(%arg9 : memref<64xi32, #tpu.memory_space<vmem>>) semaphore(%arg24 : memref<!tpu.dma_semaphore, #tpu.memory_space<semaphore_mem>>)
      } else {
      }
      %add3A_136 = arith.constant 3 : i32
      %add3A_137 = arith.addi %add3A_128, %add3A_136 : i32
      %lt3A_138 = arith.constant 25 : i32
      %lt3A_139 = arith.cmpi slt, %add3A_137, %lt3A_138 : i32
      %convert_element_type3A_140 = arith.extui %lt3A_139 : i1 to i32
      %cond3A_141 = arith.constant 0 : i32
      %cond3A_142 = arith.cmpi ne, %convert_element_type3A_140, %cond3A_141 : i32
      scf.if %cond3A_142 {
        %add3A_181 = arith.constant 3 : i32
        %add3A_182 = arith.addi %add3A_128, %add3A_181 : i32
        %mul3A_183 = arith.constant 64 : i32
        %mul3A_184 = arith.muli %add3A_182, %mul3A_183 : i32
        %add3A_185 = arith.addi %mul3A_2, %mul3A_184 : i32
        %dma_start3A_186 = tpu.memref_slice %arg2[%add3A_185] : memref<51200xi32, #tpu.memory_space<hbm>> -> memref<64xi32, #tpu.memory_space<hbm>>
        %dma_start3A_187 = tpu.memref_slice %arg2[%add3A_185] : memref<51200xi32, #tpu.memory_space<hbm>> -> memref<64xi32, #tpu.memory_space<hbm>>
        tpu.enqueue_dma source(%dma_start3A_187 : memref<64xi32, #tpu.memory_space<hbm>>) target(%arg6 : memref<64xi32, #tpu.memory_space<vmem>>) target_semaphore(%arg16 : memref<!tpu.dma_semaphore, #tpu.memory_space<semaphore_mem>>)
      } else {
      }
      %dma_wait3A_143 = arith.constant 0 : i32
      %dma_wait3A_144 = arith.constant 0 : i32
      %dma_wait3A_145 = tpu.memref_slice %arg3[%dma_wait3A_143, %dma_wait3A_144] : memref<100000x128xf32, #tpu.memory_space<hbm>> -> memref<100000x128xf32, #tpu.memory_space<hbm>>
      tpu.wait_indirect_dma semaphore(%arg23 : memref<!tpu.dma_semaphore, #tpu.memory_space<semaphore_mem>>) src(%dma_wait3A_145 : memref<100000x128xf32, #tpu.memory_space<hbm>>) dst(%arg13 : memref<64x128xf32, #tpu.memory_space<vmem>>)
      %mul3A_146 = arith.constant 64 : i32
      %mul3A_147 = arith.muli %add3A_128, %mul3A_146 : i32
      %add3A_148 = arith.addi %mul3A_2, %mul3A_147 : i32
      %dma_start3A_149 = arith.constant 0 : i32
      %dma_start3A_150 = tpu.memref_slice %arg4[%add3A_148, %dma_start3A_149] : memref<51200x128xf32, #tpu.memory_space<hbm>> -> memref<64x128xf32, #tpu.memory_space<hbm>>
      %dma_start3A_151 = arith.constant 0 : i32
      %dma_start3A_152 = tpu.memref_slice %arg4[%add3A_148, %dma_start3A_151] : memref<51200x128xf32, #tpu.memory_space<hbm>> -> memref<64x128xf32, #tpu.memory_space<hbm>>
      tpu.enqueue_dma source(%arg13 : memref<64x128xf32, #tpu.memory_space<vmem>>) target(%dma_start3A_152 : memref<64x128xf32, #tpu.memory_space<hbm>>) target_semaphore(%arg28 : memref<!tpu.dma_semaphore, #tpu.memory_space<semaphore_mem>>)
      %mul3A_153 = arith.constant 5 : i32
      %mul3A_154 = arith.muli %scan3A_43, %mul3A_153 : i32
      %add3A_155 = arith.constant 4 : i32
      %add3A_156 = arith.addi %mul3A_154, %add3A_155 : i32
      %add3A_157 = arith.constant 1 : i32
      %add3A_158 = arith.addi %add3A_156, %add3A_157 : i32
      %lt3A_159 = arith.constant 25 : i32
      %lt3A_160 = arith.cmpi slt, %add3A_158, %lt3A_159 : i32
      %convert_element_type3A_161 = arith.extui %lt3A_160 : i1 to i32
      %cond3A_162 = arith.constant 0 : i32
      %cond3A_163 = arith.cmpi ne, %convert_element_type3A_161, %cond3A_162 : i32
      scf.if %cond3A_163 {
        %add3A_181 = arith.constant 1 : i32
        %add3A_182 = arith.addi %add3A_156, %add3A_181 : i32
        %ge3A = arith.constant 5 : i32
        %ge3A_183 = arith.cmpi sge, %add3A_182, %ge3A : i32
        %convert_element_type3A_184 = arith.extui %ge3A_183 : i1 to i32
        %cond3A_185 = arith.constant 0 : i32
        %cond3A_186 = arith.cmpi ne, %convert_element_type3A_184, %cond3A_185 : i32
        scf.if %cond3A_186 {
          %dma_wait3A_192 = arith.constant 0 : i32
          %dma_wait3A_193 = tpu.memref_slice %arg4[%mul3A_2, %dma_wait3A_192] : memref<51200x128xf32, #tpu.memory_space<hbm>> -> memref<64x128xf32, #tpu.memory_space<hbm>>
          %dma_wait3A_194 = arith.constant 0 : i32
          %dma_wait3A_195 = tpu.memref_slice %arg4[%mul3A_2, %dma_wait3A_194] : memref<51200x128xf32, #tpu.memory_space<hbm>> -> memref<64x128xf32, #tpu.memory_space<hbm>>
          tpu.wait_dma2 semaphore(%arg25 : memref<!tpu.dma_semaphore, #tpu.memory_space<semaphore_mem>>) src(%arg10 : memref<64x128xf32, #tpu.memory_space<vmem>>) dst(%dma_wait3A_195 : memref<64x128xf32, #tpu.memory_space<hbm>>)
        } else {
        }
        %dma_wait3A_187 = tpu.memref_slice %arg2[%mul3A_2] : memref<51200xi32, #tpu.memory_space<hbm>> -> memref<64xi32, #tpu.memory_space<hbm>>
        %dma_wait3A_188 = tpu.memref_slice %arg2[%mul3A_2] : memref<51200xi32, #tpu.memory_space<hbm>> -> memref<64xi32, #tpu.memory_space<hbm>>
        tpu.wait_dma2 semaphore(%arg15 : memref<!tpu.dma_semaphore, #tpu.memory_space<semaphore_mem>>) src(%dma_wait3A_188 : memref<64xi32, #tpu.memory_space<hbm>>) dst(%arg5 : memref<64xi32, #tpu.memory_space<vmem>>)
        %dma_start3A_189 = arith.constant 0 : i32
        %dma_start3A_190 = arith.constant 0 : i32
        %dma_start3A_191 = tpu.memref_slice %arg3[%dma_start3A_189, %dma_start3A_190] : memref<100000x128xf32, #tpu.memory_space<hbm>> -> memref<100000x128xf32, #tpu.memory_space<hbm>>
        tpu.enqueue_indirect_dma source(%dma_start3A_191 : memref<100000x128xf32, #tpu.memory_space<hbm>>) target(%arg10 : memref<64x128xf32, #tpu.memory_space<vmem>>) offsets(%arg5 : memref<64xi32, #tpu.memory_space<vmem>>) semaphore(%arg20 : memref<!tpu.dma_semaphore, #tpu.memory_space<semaphore_mem>>)
      } else {
      }
      %add3A_164 = arith.constant 3 : i32
      %add3A_165 = arith.addi %add3A_156, %add3A_164 : i32
      %lt3A_166 = arith.constant 25 : i32
      %lt3A_167 = arith.cmpi slt, %add3A_165, %lt3A_166 : i32
      %convert_element_type3A_168 = arith.extui %lt3A_167 : i1 to i32
      %cond3A_169 = arith.constant 0 : i32
      %cond3A_170 = arith.cmpi ne, %convert_element_type3A_168, %cond3A_169 : i32
      scf.if %cond3A_170 {
        %add3A_181 = arith.constant 3 : i32
        %add3A_182 = arith.addi %add3A_156, %add3A_181 : i32
        %mul3A_183 = arith.constant 64 : i32
        %mul3A_184 = arith.muli %add3A_182, %mul3A_183 : i32
        %add3A_185 = arith.addi %mul3A_2, %mul3A_184 : i32
        %dma_start3A_186 = tpu.memref_slice %arg2[%add3A_185] : memref<51200xi32, #tpu.memory_space<hbm>> -> memref<64xi32, #tpu.memory_space<hbm>>
        %dma_start3A_187 = tpu.memref_slice %arg2[%add3A_185] : memref<51200xi32, #tpu.memory_space<hbm>> -> memref<64xi32, #tpu.memory_space<hbm>>
        tpu.enqueue_dma source(%dma_start3A_187 : memref<64xi32, #tpu.memory_space<hbm>>) target(%arg7 : memref<64xi32, #tpu.memory_space<vmem>>) target_semaphore(%arg17 : memref<!tpu.dma_semaphore, #tpu.memory_space<semaphore_mem>>)
      } else {
      }
      %dma_wait3A_171 = arith.constant 0 : i32
      %dma_wait3A_172 = arith.constant 0 : i32
      %dma_wait3A_173 = tpu.memref_slice %arg3[%dma_wait3A_171, %dma_wait3A_172] : memref<100000x128xf32, #tpu.memory_space<hbm>> -> memref<100000x128xf32, #tpu.memory_space<hbm>>
      tpu.wait_indirect_dma semaphore(%arg24 : memref<!tpu.dma_semaphore, #tpu.memory_space<semaphore_mem>>) src(%dma_wait3A_173 : memref<100000x128xf32, #tpu.memory_space<hbm>>) dst(%arg14 : memref<64x128xf32, #tpu.memory_space<vmem>>)
      %mul3A_174 = arith.constant 64 : i32
      %mul3A_175 = arith.muli %add3A_156, %mul3A_174 : i32
      %add3A_176 = arith.addi %mul3A_2, %mul3A_175 : i32
      %dma_start3A_177 = arith.constant 0 : i32
      %dma_start3A_178 = tpu.memref_slice %arg4[%add3A_176, %dma_start3A_177] : memref<51200x128xf32, #tpu.memory_space<hbm>> -> memref<64x128xf32, #tpu.memory_space<hbm>>
      %dma_start3A_179 = arith.constant 0 : i32
      %dma_start3A_180 = tpu.memref_slice %arg4[%add3A_176, %dma_start3A_179] : memref<51200x128xf32, #tpu.memory_space<hbm>> -> memref<64x128xf32, #tpu.memory_space<hbm>>
      tpu.enqueue_dma source(%arg14 : memref<64x128xf32, #tpu.memory_space<vmem>>) target(%dma_start3A_180 : memref<64x128xf32, #tpu.memory_space<hbm>>) target_semaphore(%arg29 : memref<!tpu.dma_semaphore, #tpu.memory_space<semaphore_mem>>)
    }
    %scan3A_22 = arith.constant 5 : i32
    %dma_wait3A_23 = arith.constant 0 : i32
    %dma_wait3A_24 = tpu.memref_slice %arg4[%mul3A_2, %dma_wait3A_23] : memref<51200x128xf32, #tpu.memory_space<hbm>> -> memref<64x128xf32, #tpu.memory_space<hbm>>
    %dma_wait3A_25 = arith.constant 0 : i32
    %dma_wait3A_26 = tpu.memref_slice %arg4[%mul3A_2, %dma_wait3A_25] : memref<51200x128xf32, #tpu.memory_space<hbm>> -> memref<64x128xf32, #tpu.memory_space<hbm>>
    tpu.wait_dma2 semaphore(%arg25 : memref<!tpu.dma_semaphore, #tpu.memory_space<semaphore_mem>>) src(%arg10 : memref<64x128xf32, #tpu.memory_space<vmem>>) dst(%dma_wait3A_26 : memref<64x128xf32, #tpu.memory_space<hbm>>)
    %dma_wait3A_27 = arith.constant 0 : i32
    %dma_wait3A_28 = tpu.memref_slice %arg4[%mul3A_2, %dma_wait3A_27] : memref<51200x128xf32, #tpu.memory_space<hbm>> -> memref<64x128xf32, #tpu.memory_space<hbm>>
    %dma_wait3A_29 = arith.constant 0 : i32
    %dma_wait3A_30 = tpu.memref_slice %arg4[%mul3A_2, %dma_wait3A_29] : memref<51200x128xf32, #tpu.memory_space<hbm>> -> memref<64x128xf32, #tpu.memory_space<hbm>>
    tpu.wait_dma2 semaphore(%arg26 : memref<!tpu.dma_semaphore, #tpu.memory_space<semaphore_mem>>) src(%arg11 : memref<64x128xf32, #tpu.memory_space<vmem>>) dst(%dma_wait3A_30 : memref<64x128xf32, #tpu.memory_space<hbm>>)
    %dma_wait3A_31 = arith.constant 0 : i32
    %dma_wait3A_32 = tpu.memref_slice %arg4[%mul3A_2, %dma_wait3A_31] : memref<51200x128xf32, #tpu.memory_space<hbm>> -> memref<64x128xf32, #tpu.memory_space<hbm>>
    %dma_wait3A_33 = arith.constant 0 : i32
    %dma_wait3A_34 = tpu.memref_slice %arg4[%mul3A_2, %dma_wait3A_33] : memref<51200x128xf32, #tpu.memory_space<hbm>> -> memref<64x128xf32, #tpu.memory_space<hbm>>
    tpu.wait_dma2 semaphore(%arg27 : memref<!tpu.dma_semaphore, #tpu.memory_space<semaphore_mem>>) src(%arg12 : memref<64x128xf32, #tpu.memory_space<vmem>>) dst(%dma_wait3A_34 : memref<64x128xf32, #tpu.memory_space<hbm>>)
    %dma_wait3A_35 = arith.constant 0 : i32
    %dma_wait3A_36 = tpu.memref_slice %arg4[%mul3A_2, %dma_wait3A_35] : memref<51200x128xf32, #tpu.memory_space<hbm>> -> memref<64x128xf32, #tpu.memory_space<hbm>>
    %dma_wait3A_37 = arith.constant 0 : i32
    %dma_wait3A_38 = tpu.memref_slice %arg4[%mul3A_2, %dma_wait3A_37] : memref<51200x128xf32, #tpu.memory_space<hbm>> -> memref<64x128xf32, #tpu.memory_space<hbm>>
    tpu.wait_dma2 semaphore(%arg28 : memref<!tpu.dma_semaphore, #tpu.memory_space<semaphore_mem>>) src(%arg13 : memref<64x128xf32, #tpu.memory_space<vmem>>) dst(%dma_wait3A_38 : memref<64x128xf32, #tpu.memory_space<hbm>>)
    %dma_wait3A_39 = arith.constant 0 : i32
    %dma_wait3A_40 = tpu.memref_slice %arg4[%mul3A_2, %dma_wait3A_39] : memref<51200x128xf32, #tpu.memory_space<hbm>> -> memref<64x128xf32, #tpu.memory_space<hbm>>
    %dma_wait3A_41 = arith.constant 0 : i32
    %dma_wait3A_42 = tpu.memref_slice %arg4[%mul3A_2, %dma_wait3A_41] : memref<51200x128xf32, #tpu.memory_space<hbm>> -> memref<64x128xf32, #tpu.memory_space<hbm>>
    tpu.wait_dma2 semaphore(%arg29 : memref<!tpu.dma_semaphore, #tpu.memory_space<semaphore_mem>>) src(%arg14 : memref<64x128xf32, #tpu.memory_space<vmem>>) dst(%dma_wait3A_42 : memref<64x128xf32, #tpu.memory_space<hbm>>)
    return
  }
}

#map = affine_map<(d0, d1) -> (0)>
#map1 = affine_map<(d0, d1) -> (0, 0)>
module attributes {stable_mosaic.version = 14 : i64} {
  func.func @_gather_body(%arg0: i32, %arg1: i32, %arg2: memref<51200xi32, #tpu.memory_space<hbm>>, %arg3: memref<100000x128xf32, #tpu.memory_space<hbm>>, %arg4: memref<51200x128xf32, #tpu.memory_space<hbm>>, %arg5: memref<64xi32, #tpu.memory_space<vmem>>, %arg6: memref<64xi32, #tpu.memory_space<vmem>>, %arg7: memref<64xi32, #tpu.memory_space<vmem>>, %arg8: memref<64xi32, #tpu.memory_space<vmem>>, %arg9: memref<64xi32, #tpu.memory_space<vmem>>, %arg10: memref<64x128xf32, #tpu.memory_space<vmem>>, %arg11: memref<64x128xf32, #tpu.memory_space<vmem>>, %arg12: memref<64x128xf32, #tpu.memory_space<vmem>>, %arg13: memref<64x128xf32, #tpu.memory_space<vmem>>, %arg14: memref<64x128xf32, #tpu.memory_space<vmem>>, %arg15: memref<!tpu.dma_semaphore, #tpu.memory_space<semaphore_mem>>, %arg16: memref<!tpu.dma_semaphore, #tpu.memory_space<semaphore_mem>>, %arg17: memref<!tpu.dma_semaphore, #tpu.memory_space<semaphore_mem>>, %arg18: memref<!tpu.dma_semaphore, #tpu.memory_space<semaphore_mem>>, %arg19: memref<!tpu.dma_semaphore, #tpu.memory_space<semaphore_mem>>, %arg20: memref<!tpu.dma_semaphore, #tpu.memory_space<semaphore_mem>>, %arg21: memref<!tpu.dma_semaphore, #tpu.memory_space<semaphore_mem>>, %arg22: memref<!tpu.dma_semaphore, #tpu.memory_space<semaphore_mem>>, %arg23: memref<!tpu.dma_semaphore, #tpu.memory_space<semaphore_mem>>, %arg24: memref<!tpu.dma_semaphore, #tpu.memory_space<semaphore_mem>>, %arg25: memref<!tpu.dma_semaphore, #tpu.memory_space<semaphore_mem>>, %arg26: memref<!tpu.dma_semaphore, #tpu.memory_space<semaphore_mem>>, %arg27: memref<!tpu.dma_semaphore, #tpu.memory_space<semaphore_mem>>, %arg28: memref<!tpu.dma_semaphore, #tpu.memory_space<semaphore_mem>>, %arg29: memref<!tpu.dma_semaphore, #tpu.memory_space<semaphore_mem>>) attributes {dimension_semantics = [#tpu.dimension_semantics<core_parallel>, #tpu.dimension_semantics<subcore_parallel>], iteration_bounds = array<i64: 2, 16>, scalar_prefetch = 0 : i64, scratch_operands = 25 : i64, tpu.core_type = #tpu.core_type<sc_vector_subcore>, window_params = [{transform_indices = #map}, {transform_indices = #map1}, {transform_indices = #map1}]} {
    %mul3A = arith.constant 2 : i32
    %mul3A_0 = arith.muli %arg1, %mul3A : i32
    %add3A = arith.addi %mul3A_0, %arg0 : i32
    %mul3A_1 = arith.constant 1600 : i32
    %mul3A_2 = arith.muli %add3A, %mul3A_1 : i32
    %add3A_3 = arith.constant 0 : i32
    %add3A_4 = arith.addi %mul3A_2, %add3A_3 : i32
    %dma_start3A = tpu.memref_slice %arg2[%add3A_4] : memref<51200xi32, #tpu.memory_space<hbm>> -> memref<64xi32, #tpu.memory_space<hbm>>
    %dma_start3A_5 = tpu.memref_slice %arg2[%add3A_4] : memref<51200xi32, #tpu.memory_space<hbm>> -> memref<64xi32, #tpu.memory_space<hbm>>
    tpu.enqueue_dma source(%dma_start3A_5 : memref<64xi32, #tpu.memory_space<hbm>>) target(%arg5 : memref<64xi32, #tpu.memory_space<vmem>>) target_semaphore(%arg15 : memref<!tpu.dma_semaphore, #tpu.memory_space<semaphore_mem>>)
    %add3A_6 = arith.constant 64 : i32
    %add3A_7 = arith.addi %mul3A_2, %add3A_6 : i32
    %dma_start3A_8 = tpu.memref_slice %arg2[%add3A_7] : memref<51200xi32, #tpu.memory_space<hbm>> -> memref<64xi32, #tpu.memory_space<hbm>>
    %dma_start3A_9 = tpu.memref_slice %arg2[%add3A_7] : memref<51200xi32, #tpu.memory_space<hbm>> -> memref<64xi32, #tpu.memory_space<hbm>>
    tpu.enqueue_dma source(%dma_start3A_9 : memref<64xi32, #tpu.memory_space<hbm>>) target(%arg6 : memref<64xi32, #tpu.memory_space<vmem>>) target_semaphore(%arg16 : memref<!tpu.dma_semaphore, #tpu.memory_space<semaphore_mem>>)
    %add3A_10 = arith.constant 128 : i32
    %add3A_11 = arith.addi %mul3A_2, %add3A_10 : i32
    %dma_start3A_12 = tpu.memref_slice %arg2[%add3A_11] : memref<51200xi32, #tpu.memory_space<hbm>> -> memref<64xi32, #tpu.memory_space<hbm>>
    %dma_start3A_13 = tpu.memref_slice %arg2[%add3A_11] : memref<51200xi32, #tpu.memory_space<hbm>> -> memref<64xi32, #tpu.memory_space<hbm>>
    tpu.enqueue_dma source(%dma_start3A_13 : memref<64xi32, #tpu.memory_space<hbm>>) target(%arg7 : memref<64xi32, #tpu.memory_space<vmem>>) target_semaphore(%arg17 : memref<!tpu.dma_semaphore, #tpu.memory_space<semaphore_mem>>)
    %dma_wait3A = tpu.memref_slice %arg2[%mul3A_2] : memref<51200xi32, #tpu.memory_space<hbm>> -> memref<64xi32, #tpu.memory_space<hbm>>
    %dma_wait3A_14 = tpu.memref_slice %arg2[%mul3A_2] : memref<51200xi32, #tpu.memory_space<hbm>> -> memref<64xi32, #tpu.memory_space<hbm>>
    tpu.wait_dma2 semaphore(%arg15 : memref<!tpu.dma_semaphore, #tpu.memory_space<semaphore_mem>>) src(%dma_wait3A_14 : memref<64xi32, #tpu.memory_space<hbm>>) dst(%arg5 : memref<64xi32, #tpu.memory_space<vmem>>)
    %dma_start3A_15 = arith.constant 0 : i32
    %dma_start3A_16 = arith.constant 0 : i32
    %dma_start3A_17 = tpu.memref_slice %arg3[%dma_start3A_15, %dma_start3A_16] : memref<100000x128xf32, #tpu.memory_space<hbm>> -> memref<100000x128xf32, #tpu.memory_space<hbm>>
    tpu.enqueue_indirect_dma source(%dma_start3A_17 : memref<100000x128xf32, #tpu.memory_space<hbm>>) target(%arg10 : memref<64x128xf32, #tpu.memory_space<vmem>>) offsets(%arg5 : memref<64xi32, #tpu.memory_space<vmem>>) semaphore(%arg20 : memref<!tpu.dma_semaphore, #tpu.memory_space<semaphore_mem>>)
    %scan3A = arith.constant 0 : i32
    %scan3A_18 = arith.constant 0 : i32
    %scan3A_19 = arith.constant 5 : i32
    %scan3A_20 = arith.addi %scan3A_18, %scan3A_19 : i32
    %scan3A_21 = arith.constant 1 : i32
    scf.for %scan3A_43 = %scan3A_18 to %scan3A_20 step %scan3A_21  : i32 {
      %mul3A_44 = arith.constant 5 : i32
      %mul3A_45 = arith.muli %scan3A_43, %mul3A_44 : i32
      %add3A_46 = arith.constant 0 : i32
      %add3A_47 = arith.addi %mul3A_45, %add3A_46 : i32
      %add3A_48 = arith.constant 1 : i32
      %add3A_49 = arith.addi %add3A_47, %add3A_48 : i32
      %lt3A = arith.constant 25 : i32
      %lt3A_50 = arith.cmpi slt, %add3A_49, %lt3A : i32
      %convert_element_type3A = arith.extui %lt3A_50 : i1 to i32
      %cond3A = arith.constant 0 : i32
      %cond3A_51 = arith.cmpi ne, %convert_element_type3A, %cond3A : i32
      scf.if %cond3A_51 {
        %add3A_181 = arith.constant 1 : i32
        %add3A_182 = arith.addi %add3A_47, %add3A_181 : i32
        %ge3A = arith.constant 5 : i32
        %ge3A_183 = arith.cmpi sge, %add3A_182, %ge3A : i32
        %convert_element_type3A_184 = arith.extui %ge3A_183 : i1 to i32
        %cond3A_185 = arith.constant 0 : i32
        %cond3A_186 = arith.cmpi ne, %convert_element_type3A_184, %cond3A_185 : i32
        scf.if %cond3A_186 {
          %dma_wait3A_192 = arith.constant 0 : i32
          %dma_wait3A_193 = tpu.memref_slice %arg4[%mul3A_2, %dma_wait3A_192] : memref<51200x128xf32, #tpu.memory_space<hbm>> -> memref<64x128xf32, #tpu.memory_space<hbm>>
          %dma_wait3A_194 = arith.constant 0 : i32
          %dma_wait3A_195 = tpu.memref_slice %arg4[%mul3A_2, %dma_wait3A_194] : memref<51200x128xf32, #tpu.memory_space<hbm>> -> memref<64x128xf32, #tpu.memory_space<hbm>>
          tpu.wait_dma2 semaphore(%arg26 : memref<!tpu.dma_semaphore, #tpu.memory_space<semaphore_mem>>) src(%arg11 : memref<64x128xf32, #tpu.memory_space<vmem>>) dst(%dma_wait3A_195 : memref<64x128xf32, #tpu.memory_space<hbm>>)
        } else {
        }
        %dma_wait3A_187 = tpu.memref_slice %arg2[%mul3A_2] : memref<51200xi32, #tpu.memory_space<hbm>> -> memref<64xi32, #tpu.memory_space<hbm>>
        %dma_wait3A_188 = tpu.memref_slice %arg2[%mul3A_2] : memref<51200xi32, #tpu.memory_space<hbm>> -> memref<64xi32, #tpu.memory_space<hbm>>
        tpu.wait_dma2 semaphore(%arg16 : memref<!tpu.dma_semaphore, #tpu.memory_space<semaphore_mem>>) src(%dma_wait3A_188 : memref<64xi32, #tpu.memory_space<hbm>>) dst(%arg6 : memref<64xi32, #tpu.memory_space<vmem>>)
        %dma_start3A_189 = arith.constant 0 : i32
        %dma_start3A_190 = arith.constant 0 : i32
        %dma_start3A_191 = tpu.memref_slice %arg3[%dma_start3A_189, %dma_start3A_190] : memref<100000x128xf32, #tpu.memory_space<hbm>> -> memref<100000x128xf32, #tpu.memory_space<hbm>>
        tpu.enqueue_indirect_dma source(%dma_start3A_191 : memref<100000x128xf32, #tpu.memory_space<hbm>>) target(%arg11 : memref<64x128xf32, #tpu.memory_space<vmem>>) offsets(%arg6 : memref<64xi32, #tpu.memory_space<vmem>>) semaphore(%arg21 : memref<!tpu.dma_semaphore, #tpu.memory_space<semaphore_mem>>)
      } else {
      }
      %add3A_52 = arith.constant 3 : i32
      %add3A_53 = arith.addi %add3A_47, %add3A_52 : i32
      %lt3A_54 = arith.constant 25 : i32
      %lt3A_55 = arith.cmpi slt, %add3A_53, %lt3A_54 : i32
      %convert_element_type3A_56 = arith.extui %lt3A_55 : i1 to i32
      %cond3A_57 = arith.constant 0 : i32
      %cond3A_58 = arith.cmpi ne, %convert_element_type3A_56, %cond3A_57 : i32
      scf.if %cond3A_58 {
        %add3A_181 = arith.constant 3 : i32
        %add3A_182 = arith.addi %add3A_47, %add3A_181 : i32
        %mul3A_183 = arith.constant 64 : i32
        %mul3A_184 = arith.muli %add3A_182, %mul3A_183 : i32
        %add3A_185 = arith.addi %mul3A_2, %mul3A_184 : i32
        %dma_start3A_186 = tpu.memref_slice %arg2[%add3A_185] : memref<51200xi32, #tpu.memory_space<hbm>> -> memref<64xi32, #tpu.memory_space<hbm>>
        %dma_start3A_187 = tpu.memref_slice %arg2[%add3A_185] : memref<51200xi32, #tpu.memory_space<hbm>> -> memref<64xi32, #tpu.memory_space<hbm>>
        tpu.enqueue_dma source(%dma_start3A_187 : memref<64xi32, #tpu.memory_space<hbm>>) target(%arg8 : memref<64xi32, #tpu.memory_space<vmem>>) target_semaphore(%arg18 : memref<!tpu.dma_semaphore, #tpu.memory_space<semaphore_mem>>)
      } else {
      }
      %dma_wait3A_59 = arith.constant 0 : i32
      %dma_wait3A_60 = arith.constant 0 : i32
      %dma_wait3A_61 = tpu.memref_slice %arg3[%dma_wait3A_59, %dma_wait3A_60] : memref<100000x128xf32, #tpu.memory_space<hbm>> -> memref<100000x128xf32, #tpu.memory_space<hbm>>
      tpu.wait_indirect_dma semaphore(%arg20 : memref<!tpu.dma_semaphore, #tpu.memory_space<semaphore_mem>>) src(%dma_wait3A_61 : memref<100000x128xf32, #tpu.memory_space<hbm>>) dst(%arg10 : memref<64x128xf32, #tpu.memory_space<vmem>>)
      %mul3A_62 = arith.constant 64 : i32
      %mul3A_63 = arith.muli %add3A_47, %mul3A_62 : i32
      %add3A_64 = arith.addi %mul3A_2, %mul3A_63 : i32
      %dma_start3A_65 = arith.constant 0 : i32
      %dma_start3A_66 = tpu.memref_slice %arg4[%add3A_64, %dma_start3A_65] : memref<51200x128xf32, #tpu.memory_space<hbm>> -> memref<64x128xf32, #tpu.memory_space<hbm>>
      %dma_start3A_67 = arith.constant 0 : i32
      %dma_start3A_68 = tpu.memref_slice %arg4[%add3A_64, %dma_start3A_67] : memref<51200x128xf32, #tpu.memory_space<hbm>> -> memref<64x128xf32, #tpu.memory_space<hbm>>
      tpu.enqueue_dma source(%arg10 : memref<64x128xf32, #tpu.memory_space<vmem>>) target(%dma_start3A_68 : memref<64x128xf32, #tpu.memory_space<hbm>>) target_semaphore(%arg25 : memref<!tpu.dma_semaphore, #tpu.memory_space<semaphore_mem>>)
      %mul3A_69 = arith.constant 5 : i32
      %mul3A_70 = arith.muli %scan3A_43, %mul3A_69 : i32
      %add3A_71 = arith.constant 1 : i32
      %add3A_72 = arith.addi %mul3A_70, %add3A_71 : i32
      %add3A_73 = arith.constant 1 : i32
      %add3A_74 = arith.addi %add3A_72, %add3A_73 : i32
      %lt3A_75 = arith.constant 25 : i32
      %lt3A_76 = arith.cmpi slt, %add3A_74, %lt3A_75 : i32
      %convert_element_type3A_77 = arith.extui %lt3A_76 : i1 to i32
      %cond3A_78 = arith.constant 0 : i32
      %cond3A_79 = arith.cmpi ne, %convert_element_type3A_77, %cond3A_78 : i32
      scf.if %cond3A_79 {
        %add3A_181 = arith.constant 1 : i32
        %add3A_182 = arith.addi %add3A_72, %add3A_181 : i32
        %ge3A = arith.constant 5 : i32
        %ge3A_183 = arith.cmpi sge, %add3A_182, %ge3A : i32
        %convert_element_type3A_184 = arith.extui %ge3A_183 : i1 to i32
        %cond3A_185 = arith.constant 0 : i32
        %cond3A_186 = arith.cmpi ne, %convert_element_type3A_184, %cond3A_185 : i32
        scf.if %cond3A_186 {
          %dma_wait3A_192 = arith.constant 0 : i32
          %dma_wait3A_193 = tpu.memref_slice %arg4[%mul3A_2, %dma_wait3A_192] : memref<51200x128xf32, #tpu.memory_space<hbm>> -> memref<64x128xf32, #tpu.memory_space<hbm>>
          %dma_wait3A_194 = arith.constant 0 : i32
          %dma_wait3A_195 = tpu.memref_slice %arg4[%mul3A_2, %dma_wait3A_194] : memref<51200x128xf32, #tpu.memory_space<hbm>> -> memref<64x128xf32, #tpu.memory_space<hbm>>
          tpu.wait_dma2 semaphore(%arg27 : memref<!tpu.dma_semaphore, #tpu.memory_space<semaphore_mem>>) src(%arg12 : memref<64x128xf32, #tpu.memory_space<vmem>>) dst(%dma_wait3A_195 : memref<64x128xf32, #tpu.memory_space<hbm>>)
        } else {
        }
        %dma_wait3A_187 = tpu.memref_slice %arg2[%mul3A_2] : memref<51200xi32, #tpu.memory_space<hbm>> -> memref<64xi32, #tpu.memory_space<hbm>>
        %dma_wait3A_188 = tpu.memref_slice %arg2[%mul3A_2] : memref<51200xi32, #tpu.memory_space<hbm>> -> memref<64xi32, #tpu.memory_space<hbm>>
        tpu.wait_dma2 semaphore(%arg17 : memref<!tpu.dma_semaphore, #tpu.memory_space<semaphore_mem>>) src(%dma_wait3A_188 : memref<64xi32, #tpu.memory_space<hbm>>) dst(%arg7 : memref<64xi32, #tpu.memory_space<vmem>>)
        %dma_start3A_189 = arith.constant 0 : i32
        %dma_start3A_190 = arith.constant 0 : i32
        %dma_start3A_191 = tpu.memref_slice %arg3[%dma_start3A_189, %dma_start3A_190] : memref<100000x128xf32, #tpu.memory_space<hbm>> -> memref<100000x128xf32, #tpu.memory_space<hbm>>
        tpu.enqueue_indirect_dma source(%dma_start3A_191 : memref<100000x128xf32, #tpu.memory_space<hbm>>) target(%arg12 : memref<64x128xf32, #tpu.memory_space<vmem>>) offsets(%arg7 : memref<64xi32, #tpu.memory_space<vmem>>) semaphore(%arg22 : memref<!tpu.dma_semaphore, #tpu.memory_space<semaphore_mem>>)
      } else {
      }
      %add3A_80 = arith.constant 3 : i32
      %add3A_81 = arith.addi %add3A_72, %add3A_80 : i32
      %lt3A_82 = arith.constant 25 : i32
      %lt3A_83 = arith.cmpi slt, %add3A_81, %lt3A_82 : i32
      %convert_element_type3A_84 = arith.extui %lt3A_83 : i1 to i32
      %cond3A_85 = arith.constant 0 : i32
      %cond3A_86 = arith.cmpi ne, %convert_element_type3A_84, %cond3A_85 : i32
      scf.if %cond3A_86 {
        %add3A_181 = arith.constant 3 : i32
        %add3A_182 = arith.addi %add3A_72, %add3A_181 : i32
        %mul3A_183 = arith.constant 64 : i32
        %mul3A_184 = arith.muli %add3A_182, %mul3A_183 : i32
        %add3A_185 = arith.addi %mul3A_2, %mul3A_184 : i32
        %dma_start3A_186 = tpu.memref_slice %arg2[%add3A_185] : memref<51200xi32, #tpu.memory_space<hbm>> -> memref<64xi32, #tpu.memory_space<hbm>>
        %dma_start3A_187 = tpu.memref_slice %arg2[%add3A_185] : memref<51200xi32, #tpu.memory_space<hbm>> -> memref<64xi32, #tpu.memory_space<hbm>>
        tpu.enqueue_dma source(%dma_start3A_187 : memref<64xi32, #tpu.memory_space<hbm>>) target(%arg9 : memref<64xi32, #tpu.memory_space<vmem>>) target_semaphore(%arg19 : memref<!tpu.dma_semaphore, #tpu.memory_space<semaphore_mem>>)
      } else {
      }
      %dma_wait3A_87 = arith.constant 0 : i32
      %dma_wait3A_88 = arith.constant 0 : i32
      %dma_wait3A_89 = tpu.memref_slice %arg3[%dma_wait3A_87, %dma_wait3A_88] : memref<100000x128xf32, #tpu.memory_space<hbm>> -> memref<100000x128xf32, #tpu.memory_space<hbm>>
      tpu.wait_indirect_dma semaphore(%arg21 : memref<!tpu.dma_semaphore, #tpu.memory_space<semaphore_mem>>) src(%dma_wait3A_89 : memref<100000x128xf32, #tpu.memory_space<hbm>>) dst(%arg11 : memref<64x128xf32, #tpu.memory_space<vmem>>)
      %mul3A_90 = arith.constant 64 : i32
      %mul3A_91 = arith.muli %add3A_72, %mul3A_90 : i32
      %add3A_92 = arith.addi %mul3A_2, %mul3A_91 : i32
      %dma_start3A_93 = arith.constant 0 : i32
      %dma_start3A_94 = tpu.memref_slice %arg4[%add3A_92, %dma_start3A_93] : memref<51200x128xf32, #tpu.memory_space<hbm>> -> memref<64x128xf32, #tpu.memory_space<hbm>>
      %dma_start3A_95 = arith.constant 0 : i32
      %dma_start3A_96 = tpu.memref_slice %arg4[%add3A_92, %dma_start3A_95] : memref<51200x128xf32, #tpu.memory_space<hbm>> -> memref<64x128xf32, #tpu.memory_space<hbm>>
      tpu.enqueue_dma source(%arg11 : memref<64x128xf32, #tpu.memory_space<vmem>>) target(%dma_start3A_96 : memref<64x128xf32, #tpu.memory_space<hbm>>) target_semaphore(%arg26 : memref<!tpu.dma_semaphore, #tpu.memory_space<semaphore_mem>>)
      %mul3A_97 = arith.constant 5 : i32
      %mul3A_98 = arith.muli %scan3A_43, %mul3A_97 : i32
      %add3A_99 = arith.constant 2 : i32
      %add3A_100 = arith.addi %mul3A_98, %add3A_99 : i32
      %add3A_101 = arith.constant 1 : i32
      %add3A_102 = arith.addi %add3A_100, %add3A_101 : i32
      %lt3A_103 = arith.constant 25 : i32
      %lt3A_104 = arith.cmpi slt, %add3A_102, %lt3A_103 : i32
      %convert_element_type3A_105 = arith.extui %lt3A_104 : i1 to i32
      %cond3A_106 = arith.constant 0 : i32
      %cond3A_107 = arith.cmpi ne, %convert_element_type3A_105, %cond3A_106 : i32
      scf.if %cond3A_107 {
        %add3A_181 = arith.constant 1 : i32
        %add3A_182 = arith.addi %add3A_100, %add3A_181 : i32
        %ge3A = arith.constant 5 : i32
        %ge3A_183 = arith.cmpi sge, %add3A_182, %ge3A : i32
        %convert_element_type3A_184 = arith.extui %ge3A_183 : i1 to i32
        %cond3A_185 = arith.constant 0 : i32
        %cond3A_186 = arith.cmpi ne, %convert_element_type3A_184, %cond3A_185 : i32
        scf.if %cond3A_186 {
          %dma_wait3A_192 = arith.constant 0 : i32
          %dma_wait3A_193 = tpu.memref_slice %arg4[%mul3A_2, %dma_wait3A_192] : memref<51200x128xf32, #tpu.memory_space<hbm>> -> memref<64x128xf32, #tpu.memory_space<hbm>>
          %dma_wait3A_194 = arith.constant 0 : i32
          %dma_wait3A_195 = tpu.memref_slice %arg4[%mul3A_2, %dma_wait3A_194] : memref<51200x128xf32, #tpu.memory_space<hbm>> -> memref<64x128xf32, #tpu.memory_space<hbm>>
          tpu.wait_dma2 semaphore(%arg28 : memref<!tpu.dma_semaphore, #tpu.memory_space<semaphore_mem>>) src(%arg13 : memref<64x128xf32, #tpu.memory_space<vmem>>) dst(%dma_wait3A_195 : memref<64x128xf32, #tpu.memory_space<hbm>>)
        } else {
        }
        %dma_wait3A_187 = tpu.memref_slice %arg2[%mul3A_2] : memref<51200xi32, #tpu.memory_space<hbm>> -> memref<64xi32, #tpu.memory_space<hbm>>
        %dma_wait3A_188 = tpu.memref_slice %arg2[%mul3A_2] : memref<51200xi32, #tpu.memory_space<hbm>> -> memref<64xi32, #tpu.memory_space<hbm>>
        tpu.wait_dma2 semaphore(%arg18 : memref<!tpu.dma_semaphore, #tpu.memory_space<semaphore_mem>>) src(%dma_wait3A_188 : memref<64xi32, #tpu.memory_space<hbm>>) dst(%arg8 : memref<64xi32, #tpu.memory_space<vmem>>)
        %dma_start3A_189 = arith.constant 0 : i32
        %dma_start3A_190 = arith.constant 0 : i32
        %dma_start3A_191 = tpu.memref_slice %arg3[%dma_start3A_189, %dma_start3A_190] : memref<100000x128xf32, #tpu.memory_space<hbm>> -> memref<100000x128xf32, #tpu.memory_space<hbm>>
        tpu.enqueue_indirect_dma source(%dma_start3A_191 : memref<100000x128xf32, #tpu.memory_space<hbm>>) target(%arg13 : memref<64x128xf32, #tpu.memory_space<vmem>>) offsets(%arg8 : memref<64xi32, #tpu.memory_space<vmem>>) semaphore(%arg23 : memref<!tpu.dma_semaphore, #tpu.memory_space<semaphore_mem>>)
      } else {
      }
      %add3A_108 = arith.constant 3 : i32
      %add3A_109 = arith.addi %add3A_100, %add3A_108 : i32
      %lt3A_110 = arith.constant 25 : i32
      %lt3A_111 = arith.cmpi slt, %add3A_109, %lt3A_110 : i32
      %convert_element_type3A_112 = arith.extui %lt3A_111 : i1 to i32
      %cond3A_113 = arith.constant 0 : i32
      %cond3A_114 = arith.cmpi ne, %convert_element_type3A_112, %cond3A_113 : i32
      scf.if %cond3A_114 {
        %add3A_181 = arith.constant 3 : i32
        %add3A_182 = arith.addi %add3A_100, %add3A_181 : i32
        %mul3A_183 = arith.constant 64 : i32
        %mul3A_184 = arith.muli %add3A_182, %mul3A_183 : i32
        %add3A_185 = arith.addi %mul3A_2, %mul3A_184 : i32
        %dma_start3A_186 = tpu.memref_slice %arg2[%add3A_185] : memref<51200xi32, #tpu.memory_space<hbm>> -> memref<64xi32, #tpu.memory_space<hbm>>
        %dma_start3A_187 = tpu.memref_slice %arg2[%add3A_185] : memref<51200xi32, #tpu.memory_space<hbm>> -> memref<64xi32, #tpu.memory_space<hbm>>
        tpu.enqueue_dma source(%dma_start3A_187 : memref<64xi32, #tpu.memory_space<hbm>>) target(%arg5 : memref<64xi32, #tpu.memory_space<vmem>>) target_semaphore(%arg15 : memref<!tpu.dma_semaphore, #tpu.memory_space<semaphore_mem>>)
      } else {
      }
      %dma_wait3A_115 = arith.constant 0 : i32
      %dma_wait3A_116 = arith.constant 0 : i32
      %dma_wait3A_117 = tpu.memref_slice %arg3[%dma_wait3A_115, %dma_wait3A_116] : memref<100000x128xf32, #tpu.memory_space<hbm>> -> memref<100000x128xf32, #tpu.memory_space<hbm>>
      tpu.wait_indirect_dma semaphore(%arg22 : memref<!tpu.dma_semaphore, #tpu.memory_space<semaphore_mem>>) src(%dma_wait3A_117 : memref<100000x128xf32, #tpu.memory_space<hbm>>) dst(%arg12 : memref<64x128xf32, #tpu.memory_space<vmem>>)
      %mul3A_118 = arith.constant 64 : i32
      %mul3A_119 = arith.muli %add3A_100, %mul3A_118 : i32
      %add3A_120 = arith.addi %mul3A_2, %mul3A_119 : i32
      %dma_start3A_121 = arith.constant 0 : i32
      %dma_start3A_122 = tpu.memref_slice %arg4[%add3A_120, %dma_start3A_121] : memref<51200x128xf32, #tpu.memory_space<hbm>> -> memref<64x128xf32, #tpu.memory_space<hbm>>
      %dma_start3A_123 = arith.constant 0 : i32
      %dma_start3A_124 = tpu.memref_slice %arg4[%add3A_120, %dma_start3A_123] : memref<51200x128xf32, #tpu.memory_space<hbm>> -> memref<64x128xf32, #tpu.memory_space<hbm>>
      tpu.enqueue_dma source(%arg12 : memref<64x128xf32, #tpu.memory_space<vmem>>) target(%dma_start3A_124 : memref<64x128xf32, #tpu.memory_space<hbm>>) target_semaphore(%arg27 : memref<!tpu.dma_semaphore, #tpu.memory_space<semaphore_mem>>)
      %mul3A_125 = arith.constant 5 : i32
      %mul3A_126 = arith.muli %scan3A_43, %mul3A_125 : i32
      %add3A_127 = arith.constant 3 : i32
      %add3A_128 = arith.addi %mul3A_126, %add3A_127 : i32
      %add3A_129 = arith.constant 1 : i32
      %add3A_130 = arith.addi %add3A_128, %add3A_129 : i32
      %lt3A_131 = arith.constant 25 : i32
      %lt3A_132 = arith.cmpi slt, %add3A_130, %lt3A_131 : i32
      %convert_element_type3A_133 = arith.extui %lt3A_132 : i1 to i32
      %cond3A_134 = arith.constant 0 : i32
      %cond3A_135 = arith.cmpi ne, %convert_element_type3A_133, %cond3A_134 : i32
      scf.if %cond3A_135 {
        %add3A_181 = arith.constant 1 : i32
        %add3A_182 = arith.addi %add3A_128, %add3A_181 : i32
        %ge3A = arith.constant 5 : i32
        %ge3A_183 = arith.cmpi sge, %add3A_182, %ge3A : i32
        %convert_element_type3A_184 = arith.extui %ge3A_183 : i1 to i32
        %cond3A_185 = arith.constant 0 : i32
        %cond3A_186 = arith.cmpi ne, %convert_element_type3A_184, %cond3A_185 : i32
        scf.if %cond3A_186 {
          %dma_wait3A_192 = arith.constant 0 : i32
          %dma_wait3A_193 = tpu.memref_slice %arg4[%mul3A_2, %dma_wait3A_192] : memref<51200x128xf32, #tpu.memory_space<hbm>> -> memref<64x128xf32, #tpu.memory_space<hbm>>
          %dma_wait3A_194 = arith.constant 0 : i32
          %dma_wait3A_195 = tpu.memref_slice %arg4[%mul3A_2, %dma_wait3A_194] : memref<51200x128xf32, #tpu.memory_space<hbm>> -> memref<64x128xf32, #tpu.memory_space<hbm>>
          tpu.wait_dma2 semaphore(%arg29 : memref<!tpu.dma_semaphore, #tpu.memory_space<semaphore_mem>>) src(%arg14 : memref<64x128xf32, #tpu.memory_space<vmem>>) dst(%dma_wait3A_195 : memref<64x128xf32, #tpu.memory_space<hbm>>)
        } else {
        }
        %dma_wait3A_187 = tpu.memref_slice %arg2[%mul3A_2] : memref<51200xi32, #tpu.memory_space<hbm>> -> memref<64xi32, #tpu.memory_space<hbm>>
        %dma_wait3A_188 = tpu.memref_slice %arg2[%mul3A_2] : memref<51200xi32, #tpu.memory_space<hbm>> -> memref<64xi32, #tpu.memory_space<hbm>>
        tpu.wait_dma2 semaphore(%arg19 : memref<!tpu.dma_semaphore, #tpu.memory_space<semaphore_mem>>) src(%dma_wait3A_188 : memref<64xi32, #tpu.memory_space<hbm>>) dst(%arg9 : memref<64xi32, #tpu.memory_space<vmem>>)
        %dma_start3A_189 = arith.constant 0 : i32
        %dma_start3A_190 = arith.constant 0 : i32
        %dma_start3A_191 = tpu.memref_slice %arg3[%dma_start3A_189, %dma_start3A_190] : memref<100000x128xf32, #tpu.memory_space<hbm>> -> memref<100000x128xf32, #tpu.memory_space<hbm>>
        tpu.enqueue_indirect_dma source(%dma_start3A_191 : memref<100000x128xf32, #tpu.memory_space<hbm>>) target(%arg14 : memref<64x128xf32, #tpu.memory_space<vmem>>) offsets(%arg9 : memref<64xi32, #tpu.memory_space<vmem>>) semaphore(%arg24 : memref<!tpu.dma_semaphore, #tpu.memory_space<semaphore_mem>>)
      } else {
      }
      %add3A_136 = arith.constant 3 : i32
      %add3A_137 = arith.addi %add3A_128, %add3A_136 : i32
      %lt3A_138 = arith.constant 25 : i32
      %lt3A_139 = arith.cmpi slt, %add3A_137, %lt3A_138 : i32
      %convert_element_type3A_140 = arith.extui %lt3A_139 : i1 to i32
      %cond3A_141 = arith.constant 0 : i32
      %cond3A_142 = arith.cmpi ne, %convert_element_type3A_140, %cond3A_141 : i32
      scf.if %cond3A_142 {
        %add3A_181 = arith.constant 3 : i32
        %add3A_182 = arith.addi %add3A_128, %add3A_181 : i32
        %mul3A_183 = arith.constant 64 : i32
        %mul3A_184 = arith.muli %add3A_182, %mul3A_183 : i32
        %add3A_185 = arith.addi %mul3A_2, %mul3A_184 : i32
        %dma_start3A_186 = tpu.memref_slice %arg2[%add3A_185] : memref<51200xi32, #tpu.memory_space<hbm>> -> memref<64xi32, #tpu.memory_space<hbm>>
        %dma_start3A_187 = tpu.memref_slice %arg2[%add3A_185] : memref<51200xi32, #tpu.memory_space<hbm>> -> memref<64xi32, #tpu.memory_space<hbm>>
        tpu.enqueue_dma source(%dma_start3A_187 : memref<64xi32, #tpu.memory_space<hbm>>) target(%arg6 : memref<64xi32, #tpu.memory_space<vmem>>) target_semaphore(%arg16 : memref<!tpu.dma_semaphore, #tpu.memory_space<semaphore_mem>>)
      } else {
      }
      %dma_wait3A_143 = arith.constant 0 : i32
      %dma_wait3A_144 = arith.constant 0 : i32
      %dma_wait3A_145 = tpu.memref_slice %arg3[%dma_wait3A_143, %dma_wait3A_144] : memref<100000x128xf32, #tpu.memory_space<hbm>> -> memref<100000x128xf32, #tpu.memory_space<hbm>>
      tpu.wait_indirect_dma semaphore(%arg23 : memref<!tpu.dma_semaphore, #tpu.memory_space<semaphore_mem>>) src(%dma_wait3A_145 : memref<100000x128xf32, #tpu.memory_space<hbm>>) dst(%arg13 : memref<64x128xf32, #tpu.memory_space<vmem>>)
      %mul3A_146 = arith.constant 64 : i32
      %mul3A_147 = arith.muli %add3A_128, %mul3A_146 : i32
      %add3A_148 = arith.addi %mul3A_2, %mul3A_147 : i32
      %dma_start3A_149 = arith.constant 0 : i32
      %dma_start3A_150 = tpu.memref_slice %arg4[%add3A_148, %dma_start3A_149] : memref<51200x128xf32, #tpu.memory_space<hbm>> -> memref<64x128xf32, #tpu.memory_space<hbm>>
      %dma_start3A_151 = arith.constant 0 : i32
      %dma_start3A_152 = tpu.memref_slice %arg4[%add3A_148, %dma_start3A_151] : memref<51200x128xf32, #tpu.memory_space<hbm>> -> memref<64x128xf32, #tpu.memory_space<hbm>>
      tpu.enqueue_dma source(%arg13 : memref<64x128xf32, #tpu.memory_space<vmem>>) target(%dma_start3A_152 : memref<64x128xf32, #tpu.memory_space<hbm>>) target_semaphore(%arg28 : memref<!tpu.dma_semaphore, #tpu.memory_space<semaphore_mem>>)
      %mul3A_153 = arith.constant 5 : i32
      %mul3A_154 = arith.muli %scan3A_43, %mul3A_153 : i32
      %add3A_155 = arith.constant 4 : i32
      %add3A_156 = arith.addi %mul3A_154, %add3A_155 : i32
      %add3A_157 = arith.constant 1 : i32
      %add3A_158 = arith.addi %add3A_156, %add3A_157 : i32
      %lt3A_159 = arith.constant 25 : i32
      %lt3A_160 = arith.cmpi slt, %add3A_158, %lt3A_159 : i32
      %convert_element_type3A_161 = arith.extui %lt3A_160 : i1 to i32
      %cond3A_162 = arith.constant 0 : i32
      %cond3A_163 = arith.cmpi ne, %convert_element_type3A_161, %cond3A_162 : i32
      scf.if %cond3A_163 {
        %add3A_181 = arith.constant 1 : i32
        %add3A_182 = arith.addi %add3A_156, %add3A_181 : i32
        %ge3A = arith.constant 5 : i32
        %ge3A_183 = arith.cmpi sge, %add3A_182, %ge3A : i32
        %convert_element_type3A_184 = arith.extui %ge3A_183 : i1 to i32
        %cond3A_185 = arith.constant 0 : i32
        %cond3A_186 = arith.cmpi ne, %convert_element_type3A_184, %cond3A_185 : i32
        scf.if %cond3A_186 {
          %dma_wait3A_192 = arith.constant 0 : i32
          %dma_wait3A_193 = tpu.memref_slice %arg4[%mul3A_2, %dma_wait3A_192] : memref<51200x128xf32, #tpu.memory_space<hbm>> -> memref<64x128xf32, #tpu.memory_space<hbm>>
          %dma_wait3A_194 = arith.constant 0 : i32
          %dma_wait3A_195 = tpu.memref_slice %arg4[%mul3A_2, %dma_wait3A_194] : memref<51200x128xf32, #tpu.memory_space<hbm>> -> memref<64x128xf32, #tpu.memory_space<hbm>>
          tpu.wait_dma2 semaphore(%arg25 : memref<!tpu.dma_semaphore, #tpu.memory_space<semaphore_mem>>) src(%arg10 : memref<64x128xf32, #tpu.memory_space<vmem>>) dst(%dma_wait3A_195 : memref<64x128xf32, #tpu.memory_space<hbm>>)
        } else {
        }
        %dma_wait3A_187 = tpu.memref_slice %arg2[%mul3A_2] : memref<51200xi32, #tpu.memory_space<hbm>> -> memref<64xi32, #tpu.memory_space<hbm>>
        %dma_wait3A_188 = tpu.memref_slice %arg2[%mul3A_2] : memref<51200xi32, #tpu.memory_space<hbm>> -> memref<64xi32, #tpu.memory_space<hbm>>
        tpu.wait_dma2 semaphore(%arg15 : memref<!tpu.dma_semaphore, #tpu.memory_space<semaphore_mem>>) src(%dma_wait3A_188 : memref<64xi32, #tpu.memory_space<hbm>>) dst(%arg5 : memref<64xi32, #tpu.memory_space<vmem>>)
        %dma_start3A_189 = arith.constant 0 : i32
        %dma_start3A_190 = arith.constant 0 : i32
        %dma_start3A_191 = tpu.memref_slice %arg3[%dma_start3A_189, %dma_start3A_190] : memref<100000x128xf32, #tpu.memory_space<hbm>> -> memref<100000x128xf32, #tpu.memory_space<hbm>>
        tpu.enqueue_indirect_dma source(%dma_start3A_191 : memref<100000x128xf32, #tpu.memory_space<hbm>>) target(%arg10 : memref<64x128xf32, #tpu.memory_space<vmem>>) offsets(%arg5 : memref<64xi32, #tpu.memory_space<vmem>>) semaphore(%arg20 : memref<!tpu.dma_semaphore, #tpu.memory_space<semaphore_mem>>)
      } else {
      }
      %add3A_164 = arith.constant 3 : i32
      %add3A_165 = arith.addi %add3A_156, %add3A_164 : i32
      %lt3A_166 = arith.constant 25 : i32
      %lt3A_167 = arith.cmpi slt, %add3A_165, %lt3A_166 : i32
      %convert_element_type3A_168 = arith.extui %lt3A_167 : i1 to i32
      %cond3A_169 = arith.constant 0 : i32
      %cond3A_170 = arith.cmpi ne, %convert_element_type3A_168, %cond3A_169 : i32
      scf.if %cond3A_170 {
        %add3A_181 = arith.constant 3 : i32
        %add3A_182 = arith.addi %add3A_156, %add3A_181 : i32
        %mul3A_183 = arith.constant 64 : i32
        %mul3A_184 = arith.muli %add3A_182, %mul3A_183 : i32
        %add3A_185 = arith.addi %mul3A_2, %mul3A_184 : i32
        %dma_start3A_186 = tpu.memref_slice %arg2[%add3A_185] : memref<51200xi32, #tpu.memory_space<hbm>> -> memref<64xi32, #tpu.memory_space<hbm>>
        %dma_start3A_187 = tpu.memref_slice %arg2[%add3A_185] : memref<51200xi32, #tpu.memory_space<hbm>> -> memref<64xi32, #tpu.memory_space<hbm>>
        tpu.enqueue_dma source(%dma_start3A_187 : memref<64xi32, #tpu.memory_space<hbm>>) target(%arg7 : memref<64xi32, #tpu.memory_space<vmem>>) target_semaphore(%arg17 : memref<!tpu.dma_semaphore, #tpu.memory_space<semaphore_mem>>)
      } else {
      }
      %dma_wait3A_171 = arith.constant 0 : i32
      %dma_wait3A_172 = arith.constant 0 : i32
      %dma_wait3A_173 = tpu.memref_slice %arg3[%dma_wait3A_171, %dma_wait3A_172] : memref<100000x128xf32, #tpu.memory_space<hbm>> -> memref<100000x128xf32, #tpu.memory_space<hbm>>
      tpu.wait_indirect_dma semaphore(%arg24 : memref<!tpu.dma_semaphore, #tpu.memory_space<semaphore_mem>>) src(%dma_wait3A_173 : memref<100000x128xf32, #tpu.memory_space<hbm>>) dst(%arg14 : memref<64x128xf32, #tpu.memory_space<vmem>>)
      %mul3A_174 = arith.constant 64 : i32
      %mul3A_175 = arith.muli %add3A_156, %mul3A_174 : i32
      %add3A_176 = arith.addi %mul3A_2, %mul3A_175 : i32
      %dma_start3A_177 = arith.constant 0 : i32
      %dma_start3A_178 = tpu.memref_slice %arg4[%add3A_176, %dma_start3A_177] : memref<51200x128xf32, #tpu.memory_space<hbm>> -> memref<64x128xf32, #tpu.memory_space<hbm>>
      %dma_start3A_179 = arith.constant 0 : i32
      %dma_start3A_180 = tpu.memref_slice %arg4[%add3A_176, %dma_start3A_179] : memref<51200x128xf32, #tpu.memory_space<hbm>> -> memref<64x128xf32, #tpu.memory_space<hbm>>
      tpu.enqueue_dma source(%arg14 : memref<64x128xf32, #tpu.memory_space<vmem>>) target(%dma_start3A_180 : memref<64x128xf32, #tpu.memory_space<hbm>>) target_semaphore(%arg29 : memref<!tpu.dma_semaphore, #tpu.memory_space<semaphore_mem>>)
    }
    %scan3A_22 = arith.constant 5 : i32
    %dma_wait3A_23 = arith.constant 0 : i32
    %dma_wait3A_24 = tpu.memref_slice %arg4[%mul3A_2, %dma_wait3A_23] : memref<51200x128xf32, #tpu.memory_space<hbm>> -> memref<64x128xf32, #tpu.memory_space<hbm>>
    %dma_wait3A_25 = arith.constant 0 : i32
    %dma_wait3A_26 = tpu.memref_slice %arg4[%mul3A_2, %dma_wait3A_25] : memref<51200x128xf32, #tpu.memory_space<hbm>> -> memref<64x128xf32, #tpu.memory_space<hbm>>
    tpu.wait_dma2 semaphore(%arg25 : memref<!tpu.dma_semaphore, #tpu.memory_space<semaphore_mem>>) src(%arg10 : memref<64x128xf32, #tpu.memory_space<vmem>>) dst(%dma_wait3A_26 : memref<64x128xf32, #tpu.memory_space<hbm>>)
    %dma_wait3A_27 = arith.constant 0 : i32
    %dma_wait3A_28 = tpu.memref_slice %arg4[%mul3A_2, %dma_wait3A_27] : memref<51200x128xf32, #tpu.memory_space<hbm>> -> memref<64x128xf32, #tpu.memory_space<hbm>>
    %dma_wait3A_29 = arith.constant 0 : i32
    %dma_wait3A_30 = tpu.memref_slice %arg4[%mul3A_2, %dma_wait3A_29] : memref<51200x128xf32, #tpu.memory_space<hbm>> -> memref<64x128xf32, #tpu.memory_space<hbm>>
    tpu.wait_dma2 semaphore(%arg26 : memref<!tpu.dma_semaphore, #tpu.memory_space<semaphore_mem>>) src(%arg11 : memref<64x128xf32, #tpu.memory_space<vmem>>) dst(%dma_wait3A_30 : memref<64x128xf32, #tpu.memory_space<hbm>>)
    %dma_wait3A_31 = arith.constant 0 : i32
    %dma_wait3A_32 = tpu.memref_slice %arg4[%mul3A_2, %dma_wait3A_31] : memref<51200x128xf32, #tpu.memory_space<hbm>> -> memref<64x128xf32, #tpu.memory_space<hbm>>
    %dma_wait3A_33 = arith.constant 0 : i32
    %dma_wait3A_34 = tpu.memref_slice %arg4[%mul3A_2, %dma_wait3A_33] : memref<51200x128xf32, #tpu.memory_space<hbm>> -> memref<64x128xf32, #tpu.memory_space<hbm>>
    tpu.wait_dma2 semaphore(%arg27 : memref<!tpu.dma_semaphore, #tpu.memory_space<semaphore_mem>>) src(%arg12 : memref<64x128xf32, #tpu.memory_space<vmem>>) dst(%dma_wait3A_34 : memref<64x128xf32, #tpu.memory_space<hbm>>)
    %dma_wait3A_35 = arith.constant 0 : i32
    %dma_wait3A_36 = tpu.memref_slice %arg4[%mul3A_2, %dma_wait3A_35] : memref<51200x128xf32, #tpu.memory_space<hbm>> -> memref<64x128xf32, #tpu.memory_space<hbm>>
    %dma_wait3A_37 = arith.constant 0 : i32
    %dma_wait3A_38 = tpu.memref_slice %arg4[%mul3A_2, %dma_wait3A_37] : memref<51200x128xf32, #tpu.memory_space<hbm>> -> memref<64x128xf32, #tpu.memory_space<hbm>>
    tpu.wait_dma2 semaphore(%arg28 : memref<!tpu.dma_semaphore, #tpu.memory_space<semaphore_mem>>) src(%arg13 : memref<64x128xf32, #tpu.memory_space<vmem>>) dst(%dma_wait3A_38 : memref<64x128xf32, #tpu.memory_space<hbm>>)
    %dma_wait3A_39 = arith.constant 0 : i32
    %dma_wait3A_40 = tpu.memref_slice %arg4[%mul3A_2, %dma_wait3A_39] : memref<51200x128xf32, #tpu.memory_space<hbm>> -> memref<64x128xf32, #tpu.memory_space<hbm>>
    %dma_wait3A_41 = arith.constant 0 : i32
    %dma_wait3A_42 = tpu.memref_slice %arg4[%mul3A_2, %dma_wait3A_41] : memref<51200x128xf32, #tpu.memory_space<hbm>> -> memref<64x128xf32, #tpu.memory_space<hbm>>
    tpu.wait_dma2 semaphore(%arg29 : memref<!tpu.dma_semaphore, #tpu.memory_space<semaphore_mem>>) src(%arg14 : memref<64x128xf32, #tpu.memory_space<vmem>>) dst(%dma_wait3A_42 : memref<64x128xf32, #tpu.memory_space<hbm>>)
    return
  }
}

#map = affine_map<(d0, d1) -> (0)>
#map1 = affine_map<(d0, d1) -> (0, 0)>
module attributes {stable_mosaic.version = 14 : i64} {
  func.func @_gather_body(%arg0: i32, %arg1: i32, %arg2: memref<51200xi32, #tpu.memory_space<hbm>>, %arg3: memref<100000x128xf32, #tpu.memory_space<hbm>>, %arg4: memref<51200x128xf32, #tpu.memory_space<hbm>>, %arg5: memref<64xi32, #tpu.memory_space<vmem>>, %arg6: memref<64xi32, #tpu.memory_space<vmem>>, %arg7: memref<64xi32, #tpu.memory_space<vmem>>, %arg8: memref<64xi32, #tpu.memory_space<vmem>>, %arg9: memref<64xi32, #tpu.memory_space<vmem>>, %arg10: memref<64x128xf32, #tpu.memory_space<vmem>>, %arg11: memref<64x128xf32, #tpu.memory_space<vmem>>, %arg12: memref<64x128xf32, #tpu.memory_space<vmem>>, %arg13: memref<64x128xf32, #tpu.memory_space<vmem>>, %arg14: memref<64x128xf32, #tpu.memory_space<vmem>>, %arg15: memref<!tpu.dma_semaphore, #tpu.memory_space<semaphore_mem>>, %arg16: memref<!tpu.dma_semaphore, #tpu.memory_space<semaphore_mem>>, %arg17: memref<!tpu.dma_semaphore, #tpu.memory_space<semaphore_mem>>, %arg18: memref<!tpu.dma_semaphore, #tpu.memory_space<semaphore_mem>>, %arg19: memref<!tpu.dma_semaphore, #tpu.memory_space<semaphore_mem>>, %arg20: memref<!tpu.dma_semaphore, #tpu.memory_space<semaphore_mem>>, %arg21: memref<!tpu.dma_semaphore, #tpu.memory_space<semaphore_mem>>, %arg22: memref<!tpu.dma_semaphore, #tpu.memory_space<semaphore_mem>>, %arg23: memref<!tpu.dma_semaphore, #tpu.memory_space<semaphore_mem>>, %arg24: memref<!tpu.dma_semaphore, #tpu.memory_space<semaphore_mem>>, %arg25: memref<!tpu.dma_semaphore, #tpu.memory_space<semaphore_mem>>, %arg26: memref<!tpu.dma_semaphore, #tpu.memory_space<semaphore_mem>>, %arg27: memref<!tpu.dma_semaphore, #tpu.memory_space<semaphore_mem>>, %arg28: memref<!tpu.dma_semaphore, #tpu.memory_space<semaphore_mem>>, %arg29: memref<!tpu.dma_semaphore, #tpu.memory_space<semaphore_mem>>) attributes {dimension_semantics = [#tpu.dimension_semantics<core_parallel>, #tpu.dimension_semantics<subcore_parallel>], iteration_bounds = array<i64: 2, 16>, scalar_prefetch = 0 : i64, scratch_operands = 25 : i64, tpu.core_type = #tpu.core_type<sc_vector_subcore>, window_params = [{transform_indices = #map}, {transform_indices = #map1}, {transform_indices = #map1}]} {
    %mul3A = arith.constant 2 : i32
    %mul3A_0 = arith.muli %arg1, %mul3A : i32
    %add3A = arith.addi %mul3A_0, %arg0 : i32
    %mul3A_1 = arith.constant 1600 : i32
    %mul3A_2 = arith.muli %add3A, %mul3A_1 : i32
    %add3A_3 = arith.constant 0 : i32
    %add3A_4 = arith.addi %mul3A_2, %add3A_3 : i32
    %dma_start3A = tpu.memref_slice %arg2[%add3A_4] : memref<51200xi32, #tpu.memory_space<hbm>> -> memref<64xi32, #tpu.memory_space<hbm>>
    %dma_start3A_5 = tpu.memref_slice %arg2[%add3A_4] : memref<51200xi32, #tpu.memory_space<hbm>> -> memref<64xi32, #tpu.memory_space<hbm>>
    tpu.enqueue_dma source(%dma_start3A_5 : memref<64xi32, #tpu.memory_space<hbm>>) target(%arg5 : memref<64xi32, #tpu.memory_space<vmem>>) target_semaphore(%arg15 : memref<!tpu.dma_semaphore, #tpu.memory_space<semaphore_mem>>)
    %add3A_6 = arith.constant 64 : i32
    %add3A_7 = arith.addi %mul3A_2, %add3A_6 : i32
    %dma_start3A_8 = tpu.memref_slice %arg2[%add3A_7] : memref<51200xi32, #tpu.memory_space<hbm>> -> memref<64xi32, #tpu.memory_space<hbm>>
    %dma_start3A_9 = tpu.memref_slice %arg2[%add3A_7] : memref<51200xi32, #tpu.memory_space<hbm>> -> memref<64xi32, #tpu.memory_space<hbm>>
    tpu.enqueue_dma source(%dma_start3A_9 : memref<64xi32, #tpu.memory_space<hbm>>) target(%arg6 : memref<64xi32, #tpu.memory_space<vmem>>) target_semaphore(%arg16 : memref<!tpu.dma_semaphore, #tpu.memory_space<semaphore_mem>>)
    %add3A_10 = arith.constant 128 : i32
    %add3A_11 = arith.addi %mul3A_2, %add3A_10 : i32
    %dma_start3A_12 = tpu.memref_slice %arg2[%add3A_11] : memref<51200xi32, #tpu.memory_space<hbm>> -> memref<64xi32, #tpu.memory_space<hbm>>
    %dma_start3A_13 = tpu.memref_slice %arg2[%add3A_11] : memref<51200xi32, #tpu.memory_space<hbm>> -> memref<64xi32, #tpu.memory_space<hbm>>
    tpu.enqueue_dma source(%dma_start3A_13 : memref<64xi32, #tpu.memory_space<hbm>>) target(%arg7 : memref<64xi32, #tpu.memory_space<vmem>>) target_semaphore(%arg17 : memref<!tpu.dma_semaphore, #tpu.memory_space<semaphore_mem>>)
    %dma_wait3A = tpu.memref_slice %arg2[%mul3A_2] : memref<51200xi32, #tpu.memory_space<hbm>> -> memref<64xi32, #tpu.memory_space<hbm>>
    %dma_wait3A_14 = tpu.memref_slice %arg2[%mul3A_2] : memref<51200xi32, #tpu.memory_space<hbm>> -> memref<64xi32, #tpu.memory_space<hbm>>
    tpu.wait_dma2 semaphore(%arg15 : memref<!tpu.dma_semaphore, #tpu.memory_space<semaphore_mem>>) src(%dma_wait3A_14 : memref<64xi32, #tpu.memory_space<hbm>>) dst(%arg5 : memref<64xi32, #tpu.memory_space<vmem>>)
    %dma_start3A_15 = arith.constant 0 : i32
    %dma_start3A_16 = arith.constant 0 : i32
    %dma_start3A_17 = tpu.memref_slice %arg3[%dma_start3A_15, %dma_start3A_16] : memref<100000x128xf32, #tpu.memory_space<hbm>> -> memref<100000x128xf32, #tpu.memory_space<hbm>>
    tpu.enqueue_indirect_dma source(%dma_start3A_17 : memref<100000x128xf32, #tpu.memory_space<hbm>>) target(%arg10 : memref<64x128xf32, #tpu.memory_space<vmem>>) offsets(%arg5 : memref<64xi32, #tpu.memory_space<vmem>>) semaphore(%arg20 : memref<!tpu.dma_semaphore, #tpu.memory_space<semaphore_mem>>)
    %scan3A = arith.constant 0 : i32
    %scan3A_18 = arith.constant 0 : i32
    %scan3A_19 = arith.constant 5 : i32
    %scan3A_20 = arith.addi %scan3A_18, %scan3A_19 : i32
    %scan3A_21 = arith.constant 1 : i32
    scf.for %scan3A_43 = %scan3A_18 to %scan3A_20 step %scan3A_21  : i32 {
      %mul3A_44 = arith.constant 5 : i32
      %mul3A_45 = arith.muli %scan3A_43, %mul3A_44 : i32
      %add3A_46 = arith.constant 0 : i32
      %add3A_47 = arith.addi %mul3A_45, %add3A_46 : i32
      %add3A_48 = arith.constant 1 : i32
      %add3A_49 = arith.addi %add3A_47, %add3A_48 : i32
      %lt3A = arith.constant 25 : i32
      %lt3A_50 = arith.cmpi slt, %add3A_49, %lt3A : i32
      %convert_element_type3A = arith.extui %lt3A_50 : i1 to i32
      %cond3A = arith.constant 0 : i32
      %cond3A_51 = arith.cmpi ne, %convert_element_type3A, %cond3A : i32
      scf.if %cond3A_51 {
        %add3A_181 = arith.constant 1 : i32
        %add3A_182 = arith.addi %add3A_47, %add3A_181 : i32
        %ge3A = arith.constant 5 : i32
        %ge3A_183 = arith.cmpi sge, %add3A_182, %ge3A : i32
        %convert_element_type3A_184 = arith.extui %ge3A_183 : i1 to i32
        %cond3A_185 = arith.constant 0 : i32
        %cond3A_186 = arith.cmpi ne, %convert_element_type3A_184, %cond3A_185 : i32
        scf.if %cond3A_186 {
          %dma_wait3A_192 = arith.constant 0 : i32
          %dma_wait3A_193 = tpu.memref_slice %arg4[%mul3A_2, %dma_wait3A_192] : memref<51200x128xf32, #tpu.memory_space<hbm>> -> memref<64x128xf32, #tpu.memory_space<hbm>>
          %dma_wait3A_194 = arith.constant 0 : i32
          %dma_wait3A_195 = tpu.memref_slice %arg4[%mul3A_2, %dma_wait3A_194] : memref<51200x128xf32, #tpu.memory_space<hbm>> -> memref<64x128xf32, #tpu.memory_space<hbm>>
          tpu.wait_dma2 semaphore(%arg26 : memref<!tpu.dma_semaphore, #tpu.memory_space<semaphore_mem>>) src(%arg11 : memref<64x128xf32, #tpu.memory_space<vmem>>) dst(%dma_wait3A_195 : memref<64x128xf32, #tpu.memory_space<hbm>>)
        } else {
        }
        %dma_wait3A_187 = tpu.memref_slice %arg2[%mul3A_2] : memref<51200xi32, #tpu.memory_space<hbm>> -> memref<64xi32, #tpu.memory_space<hbm>>
        %dma_wait3A_188 = tpu.memref_slice %arg2[%mul3A_2] : memref<51200xi32, #tpu.memory_space<hbm>> -> memref<64xi32, #tpu.memory_space<hbm>>
        tpu.wait_dma2 semaphore(%arg16 : memref<!tpu.dma_semaphore, #tpu.memory_space<semaphore_mem>>) src(%dma_wait3A_188 : memref<64xi32, #tpu.memory_space<hbm>>) dst(%arg6 : memref<64xi32, #tpu.memory_space<vmem>>)
        %dma_start3A_189 = arith.constant 0 : i32
        %dma_start3A_190 = arith.constant 0 : i32
        %dma_start3A_191 = tpu.memref_slice %arg3[%dma_start3A_189, %dma_start3A_190] : memref<100000x128xf32, #tpu.memory_space<hbm>> -> memref<100000x128xf32, #tpu.memory_space<hbm>>
        tpu.enqueue_indirect_dma source(%dma_start3A_191 : memref<100000x128xf32, #tpu.memory_space<hbm>>) target(%arg11 : memref<64x128xf32, #tpu.memory_space<vmem>>) offsets(%arg6 : memref<64xi32, #tpu.memory_space<vmem>>) semaphore(%arg21 : memref<!tpu.dma_semaphore, #tpu.memory_space<semaphore_mem>>)
      } else {
      }
      %add3A_52 = arith.constant 3 : i32
      %add3A_53 = arith.addi %add3A_47, %add3A_52 : i32
      %lt3A_54 = arith.constant 25 : i32
      %lt3A_55 = arith.cmpi slt, %add3A_53, %lt3A_54 : i32
      %convert_element_type3A_56 = arith.extui %lt3A_55 : i1 to i32
      %cond3A_57 = arith.constant 0 : i32
      %cond3A_58 = arith.cmpi ne, %convert_element_type3A_56, %cond3A_57 : i32
      scf.if %cond3A_58 {
        %add3A_181 = arith.constant 3 : i32
        %add3A_182 = arith.addi %add3A_47, %add3A_181 : i32
        %mul3A_183 = arith.constant 64 : i32
        %mul3A_184 = arith.muli %add3A_182, %mul3A_183 : i32
        %add3A_185 = arith.addi %mul3A_2, %mul3A_184 : i32
        %dma_start3A_186 = tpu.memref_slice %arg2[%add3A_185] : memref<51200xi32, #tpu.memory_space<hbm>> -> memref<64xi32, #tpu.memory_space<hbm>>
        %dma_start3A_187 = tpu.memref_slice %arg2[%add3A_185] : memref<51200xi32, #tpu.memory_space<hbm>> -> memref<64xi32, #tpu.memory_space<hbm>>
        tpu.enqueue_dma source(%dma_start3A_187 : memref<64xi32, #tpu.memory_space<hbm>>) target(%arg8 : memref<64xi32, #tpu.memory_space<vmem>>) target_semaphore(%arg18 : memref<!tpu.dma_semaphore, #tpu.memory_space<semaphore_mem>>)
      } else {
      }
      %dma_wait3A_59 = arith.constant 0 : i32
      %dma_wait3A_60 = arith.constant 0 : i32
      %dma_wait3A_61 = tpu.memref_slice %arg3[%dma_wait3A_59, %dma_wait3A_60] : memref<100000x128xf32, #tpu.memory_space<hbm>> -> memref<100000x128xf32, #tpu.memory_space<hbm>>
      tpu.wait_indirect_dma semaphore(%arg20 : memref<!tpu.dma_semaphore, #tpu.memory_space<semaphore_mem>>) src(%dma_wait3A_61 : memref<100000x128xf32, #tpu.memory_space<hbm>>) dst(%arg10 : memref<64x128xf32, #tpu.memory_space<vmem>>)
      %mul3A_62 = arith.constant 64 : i32
      %mul3A_63 = arith.muli %add3A_47, %mul3A_62 : i32
      %add3A_64 = arith.addi %mul3A_2, %mul3A_63 : i32
      %dma_start3A_65 = arith.constant 0 : i32
      %dma_start3A_66 = tpu.memref_slice %arg4[%add3A_64, %dma_start3A_65] : memref<51200x128xf32, #tpu.memory_space<hbm>> -> memref<64x128xf32, #tpu.memory_space<hbm>>
      %dma_start3A_67 = arith.constant 0 : i32
      %dma_start3A_68 = tpu.memref_slice %arg4[%add3A_64, %dma_start3A_67] : memref<51200x128xf32, #tpu.memory_space<hbm>> -> memref<64x128xf32, #tpu.memory_space<hbm>>
      tpu.enqueue_dma source(%arg10 : memref<64x128xf32, #tpu.memory_space<vmem>>) target(%dma_start3A_68 : memref<64x128xf32, #tpu.memory_space<hbm>>) target_semaphore(%arg25 : memref<!tpu.dma_semaphore, #tpu.memory_space<semaphore_mem>>)
      %mul3A_69 = arith.constant 5 : i32
      %mul3A_70 = arith.muli %scan3A_43, %mul3A_69 : i32
      %add3A_71 = arith.constant 1 : i32
      %add3A_72 = arith.addi %mul3A_70, %add3A_71 : i32
      %add3A_73 = arith.constant 1 : i32
      %add3A_74 = arith.addi %add3A_72, %add3A_73 : i32
      %lt3A_75 = arith.constant 25 : i32
      %lt3A_76 = arith.cmpi slt, %add3A_74, %lt3A_75 : i32
      %convert_element_type3A_77 = arith.extui %lt3A_76 : i1 to i32
      %cond3A_78 = arith.constant 0 : i32
      %cond3A_79 = arith.cmpi ne, %convert_element_type3A_77, %cond3A_78 : i32
      scf.if %cond3A_79 {
        %add3A_181 = arith.constant 1 : i32
        %add3A_182 = arith.addi %add3A_72, %add3A_181 : i32
        %ge3A = arith.constant 5 : i32
        %ge3A_183 = arith.cmpi sge, %add3A_182, %ge3A : i32
        %convert_element_type3A_184 = arith.extui %ge3A_183 : i1 to i32
        %cond3A_185 = arith.constant 0 : i32
        %cond3A_186 = arith.cmpi ne, %convert_element_type3A_184, %cond3A_185 : i32
        scf.if %cond3A_186 {
          %dma_wait3A_192 = arith.constant 0 : i32
          %dma_wait3A_193 = tpu.memref_slice %arg4[%mul3A_2, %dma_wait3A_192] : memref<51200x128xf32, #tpu.memory_space<hbm>> -> memref<64x128xf32, #tpu.memory_space<hbm>>
          %dma_wait3A_194 = arith.constant 0 : i32
          %dma_wait3A_195 = tpu.memref_slice %arg4[%mul3A_2, %dma_wait3A_194] : memref<51200x128xf32, #tpu.memory_space<hbm>> -> memref<64x128xf32, #tpu.memory_space<hbm>>
          tpu.wait_dma2 semaphore(%arg27 : memref<!tpu.dma_semaphore, #tpu.memory_space<semaphore_mem>>) src(%arg12 : memref<64x128xf32, #tpu.memory_space<vmem>>) dst(%dma_wait3A_195 : memref<64x128xf32, #tpu.memory_space<hbm>>)
        } else {
        }
        %dma_wait3A_187 = tpu.memref_slice %arg2[%mul3A_2] : memref<51200xi32, #tpu.memory_space<hbm>> -> memref<64xi32, #tpu.memory_space<hbm>>
        %dma_wait3A_188 = tpu.memref_slice %arg2[%mul3A_2] : memref<51200xi32, #tpu.memory_space<hbm>> -> memref<64xi32, #tpu.memory_space<hbm>>
        tpu.wait_dma2 semaphore(%arg17 : memref<!tpu.dma_semaphore, #tpu.memory_space<semaphore_mem>>) src(%dma_wait3A_188 : memref<64xi32, #tpu.memory_space<hbm>>) dst(%arg7 : memref<64xi32, #tpu.memory_space<vmem>>)
        %dma_start3A_189 = arith.constant 0 : i32
        %dma_start3A_190 = arith.constant 0 : i32
        %dma_start3A_191 = tpu.memref_slice %arg3[%dma_start3A_189, %dma_start3A_190] : memref<100000x128xf32, #tpu.memory_space<hbm>> -> memref<100000x128xf32, #tpu.memory_space<hbm>>
        tpu.enqueue_indirect_dma source(%dma_start3A_191 : memref<100000x128xf32, #tpu.memory_space<hbm>>) target(%arg12 : memref<64x128xf32, #tpu.memory_space<vmem>>) offsets(%arg7 : memref<64xi32, #tpu.memory_space<vmem>>) semaphore(%arg22 : memref<!tpu.dma_semaphore, #tpu.memory_space<semaphore_mem>>)
      } else {
      }
      %add3A_80 = arith.constant 3 : i32
      %add3A_81 = arith.addi %add3A_72, %add3A_80 : i32
      %lt3A_82 = arith.constant 25 : i32
      %lt3A_83 = arith.cmpi slt, %add3A_81, %lt3A_82 : i32
      %convert_element_type3A_84 = arith.extui %lt3A_83 : i1 to i32
      %cond3A_85 = arith.constant 0 : i32
      %cond3A_86 = arith.cmpi ne, %convert_element_type3A_84, %cond3A_85 : i32
      scf.if %cond3A_86 {
        %add3A_181 = arith.constant 3 : i32
        %add3A_182 = arith.addi %add3A_72, %add3A_181 : i32
        %mul3A_183 = arith.constant 64 : i32
        %mul3A_184 = arith.muli %add3A_182, %mul3A_183 : i32
        %add3A_185 = arith.addi %mul3A_2, %mul3A_184 : i32
        %dma_start3A_186 = tpu.memref_slice %arg2[%add3A_185] : memref<51200xi32, #tpu.memory_space<hbm>> -> memref<64xi32, #tpu.memory_space<hbm>>
        %dma_start3A_187 = tpu.memref_slice %arg2[%add3A_185] : memref<51200xi32, #tpu.memory_space<hbm>> -> memref<64xi32, #tpu.memory_space<hbm>>
        tpu.enqueue_dma source(%dma_start3A_187 : memref<64xi32, #tpu.memory_space<hbm>>) target(%arg9 : memref<64xi32, #tpu.memory_space<vmem>>) target_semaphore(%arg19 : memref<!tpu.dma_semaphore, #tpu.memory_space<semaphore_mem>>)
      } else {
      }
      %dma_wait3A_87 = arith.constant 0 : i32
      %dma_wait3A_88 = arith.constant 0 : i32
      %dma_wait3A_89 = tpu.memref_slice %arg3[%dma_wait3A_87, %dma_wait3A_88] : memref<100000x128xf32, #tpu.memory_space<hbm>> -> memref<100000x128xf32, #tpu.memory_space<hbm>>
      tpu.wait_indirect_dma semaphore(%arg21 : memref<!tpu.dma_semaphore, #tpu.memory_space<semaphore_mem>>) src(%dma_wait3A_89 : memref<100000x128xf32, #tpu.memory_space<hbm>>) dst(%arg11 : memref<64x128xf32, #tpu.memory_space<vmem>>)
      %mul3A_90 = arith.constant 64 : i32
      %mul3A_91 = arith.muli %add3A_72, %mul3A_90 : i32
      %add3A_92 = arith.addi %mul3A_2, %mul3A_91 : i32
      %dma_start3A_93 = arith.constant 0 : i32
      %dma_start3A_94 = tpu.memref_slice %arg4[%add3A_92, %dma_start3A_93] : memref<51200x128xf32, #tpu.memory_space<hbm>> -> memref<64x128xf32, #tpu.memory_space<hbm>>
      %dma_start3A_95 = arith.constant 0 : i32
      %dma_start3A_96 = tpu.memref_slice %arg4[%add3A_92, %dma_start3A_95] : memref<51200x128xf32, #tpu.memory_space<hbm>> -> memref<64x128xf32, #tpu.memory_space<hbm>>
      tpu.enqueue_dma source(%arg11 : memref<64x128xf32, #tpu.memory_space<vmem>>) target(%dma_start3A_96 : memref<64x128xf32, #tpu.memory_space<hbm>>) target_semaphore(%arg26 : memref<!tpu.dma_semaphore, #tpu.memory_space<semaphore_mem>>)
      %mul3A_97 = arith.constant 5 : i32
      %mul3A_98 = arith.muli %scan3A_43, %mul3A_97 : i32
      %add3A_99 = arith.constant 2 : i32
      %add3A_100 = arith.addi %mul3A_98, %add3A_99 : i32
      %add3A_101 = arith.constant 1 : i32
      %add3A_102 = arith.addi %add3A_100, %add3A_101 : i32
      %lt3A_103 = arith.constant 25 : i32
      %lt3A_104 = arith.cmpi slt, %add3A_102, %lt3A_103 : i32
      %convert_element_type3A_105 = arith.extui %lt3A_104 : i1 to i32
      %cond3A_106 = arith.constant 0 : i32
      %cond3A_107 = arith.cmpi ne, %convert_element_type3A_105, %cond3A_106 : i32
      scf.if %cond3A_107 {
        %add3A_181 = arith.constant 1 : i32
        %add3A_182 = arith.addi %add3A_100, %add3A_181 : i32
        %ge3A = arith.constant 5 : i32
        %ge3A_183 = arith.cmpi sge, %add3A_182, %ge3A : i32
        %convert_element_type3A_184 = arith.extui %ge3A_183 : i1 to i32
        %cond3A_185 = arith.constant 0 : i32
        %cond3A_186 = arith.cmpi ne, %convert_element_type3A_184, %cond3A_185 : i32
        scf.if %cond3A_186 {
          %dma_wait3A_192 = arith.constant 0 : i32
          %dma_wait3A_193 = tpu.memref_slice %arg4[%mul3A_2, %dma_wait3A_192] : memref<51200x128xf32, #tpu.memory_space<hbm>> -> memref<64x128xf32, #tpu.memory_space<hbm>>
          %dma_wait3A_194 = arith.constant 0 : i32
          %dma_wait3A_195 = tpu.memref_slice %arg4[%mul3A_2, %dma_wait3A_194] : memref<51200x128xf32, #tpu.memory_space<hbm>> -> memref<64x128xf32, #tpu.memory_space<hbm>>
          tpu.wait_dma2 semaphore(%arg28 : memref<!tpu.dma_semaphore, #tpu.memory_space<semaphore_mem>>) src(%arg13 : memref<64x128xf32, #tpu.memory_space<vmem>>) dst(%dma_wait3A_195 : memref<64x128xf32, #tpu.memory_space<hbm>>)
        } else {
        }
        %dma_wait3A_187 = tpu.memref_slice %arg2[%mul3A_2] : memref<51200xi32, #tpu.memory_space<hbm>> -> memref<64xi32, #tpu.memory_space<hbm>>
        %dma_wait3A_188 = tpu.memref_slice %arg2[%mul3A_2] : memref<51200xi32, #tpu.memory_space<hbm>> -> memref<64xi32, #tpu.memory_space<hbm>>
        tpu.wait_dma2 semaphore(%arg18 : memref<!tpu.dma_semaphore, #tpu.memory_space<semaphore_mem>>) src(%dma_wait3A_188 : memref<64xi32, #tpu.memory_space<hbm>>) dst(%arg8 : memref<64xi32, #tpu.memory_space<vmem>>)
        %dma_start3A_189 = arith.constant 0 : i32
        %dma_start3A_190 = arith.constant 0 : i32
        %dma_start3A_191 = tpu.memref_slice %arg3[%dma_start3A_189, %dma_start3A_190] : memref<100000x128xf32, #tpu.memory_space<hbm>> -> memref<100000x128xf32, #tpu.memory_space<hbm>>
        tpu.enqueue_indirect_dma source(%dma_start3A_191 : memref<100000x128xf32, #tpu.memory_space<hbm>>) target(%arg13 : memref<64x128xf32, #tpu.memory_space<vmem>>) offsets(%arg8 : memref<64xi32, #tpu.memory_space<vmem>>) semaphore(%arg23 : memref<!tpu.dma_semaphore, #tpu.memory_space<semaphore_mem>>)
      } else {
      }
      %add3A_108 = arith.constant 3 : i32
      %add3A_109 = arith.addi %add3A_100, %add3A_108 : i32
      %lt3A_110 = arith.constant 25 : i32
      %lt3A_111 = arith.cmpi slt, %add3A_109, %lt3A_110 : i32
      %convert_element_type3A_112 = arith.extui %lt3A_111 : i1 to i32
      %cond3A_113 = arith.constant 0 : i32
      %cond3A_114 = arith.cmpi ne, %convert_element_type3A_112, %cond3A_113 : i32
      scf.if %cond3A_114 {
        %add3A_181 = arith.constant 3 : i32
        %add3A_182 = arith.addi %add3A_100, %add3A_181 : i32
        %mul3A_183 = arith.constant 64 : i32
        %mul3A_184 = arith.muli %add3A_182, %mul3A_183 : i32
        %add3A_185 = arith.addi %mul3A_2, %mul3A_184 : i32
        %dma_start3A_186 = tpu.memref_slice %arg2[%add3A_185] : memref<51200xi32, #tpu.memory_space<hbm>> -> memref<64xi32, #tpu.memory_space<hbm>>
        %dma_start3A_187 = tpu.memref_slice %arg2[%add3A_185] : memref<51200xi32, #tpu.memory_space<hbm>> -> memref<64xi32, #tpu.memory_space<hbm>>
        tpu.enqueue_dma source(%dma_start3A_187 : memref<64xi32, #tpu.memory_space<hbm>>) target(%arg5 : memref<64xi32, #tpu.memory_space<vmem>>) target_semaphore(%arg15 : memref<!tpu.dma_semaphore, #tpu.memory_space<semaphore_mem>>)
      } else {
      }
      %dma_wait3A_115 = arith.constant 0 : i32
      %dma_wait3A_116 = arith.constant 0 : i32
      %dma_wait3A_117 = tpu.memref_slice %arg3[%dma_wait3A_115, %dma_wait3A_116] : memref<100000x128xf32, #tpu.memory_space<hbm>> -> memref<100000x128xf32, #tpu.memory_space<hbm>>
      tpu.wait_indirect_dma semaphore(%arg22 : memref<!tpu.dma_semaphore, #tpu.memory_space<semaphore_mem>>) src(%dma_wait3A_117 : memref<100000x128xf32, #tpu.memory_space<hbm>>) dst(%arg12 : memref<64x128xf32, #tpu.memory_space<vmem>>)
      %mul3A_118 = arith.constant 64 : i32
      %mul3A_119 = arith.muli %add3A_100, %mul3A_118 : i32
      %add3A_120 = arith.addi %mul3A_2, %mul3A_119 : i32
      %dma_start3A_121 = arith.constant 0 : i32
      %dma_start3A_122 = tpu.memref_slice %arg4[%add3A_120, %dma_start3A_121] : memref<51200x128xf32, #tpu.memory_space<hbm>> -> memref<64x128xf32, #tpu.memory_space<hbm>>
      %dma_start3A_123 = arith.constant 0 : i32
      %dma_start3A_124 = tpu.memref_slice %arg4[%add3A_120, %dma_start3A_123] : memref<51200x128xf32, #tpu.memory_space<hbm>> -> memref<64x128xf32, #tpu.memory_space<hbm>>
      tpu.enqueue_dma source(%arg12 : memref<64x128xf32, #tpu.memory_space<vmem>>) target(%dma_start3A_124 : memref<64x128xf32, #tpu.memory_space<hbm>>) target_semaphore(%arg27 : memref<!tpu.dma_semaphore, #tpu.memory_space<semaphore_mem>>)
      %mul3A_125 = arith.constant 5 : i32
      %mul3A_126 = arith.muli %scan3A_43, %mul3A_125 : i32
      %add3A_127 = arith.constant 3 : i32
      %add3A_128 = arith.addi %mul3A_126, %add3A_127 : i32
      %add3A_129 = arith.constant 1 : i32
      %add3A_130 = arith.addi %add3A_128, %add3A_129 : i32
      %lt3A_131 = arith.constant 25 : i32
      %lt3A_132 = arith.cmpi slt, %add3A_130, %lt3A_131 : i32
      %convert_element_type3A_133 = arith.extui %lt3A_132 : i1 to i32
      %cond3A_134 = arith.constant 0 : i32
      %cond3A_135 = arith.cmpi ne, %convert_element_type3A_133, %cond3A_134 : i32
      scf.if %cond3A_135 {
        %add3A_181 = arith.constant 1 : i32
        %add3A_182 = arith.addi %add3A_128, %add3A_181 : i32
        %ge3A = arith.constant 5 : i32
        %ge3A_183 = arith.cmpi sge, %add3A_182, %ge3A : i32
        %convert_element_type3A_184 = arith.extui %ge3A_183 : i1 to i32
        %cond3A_185 = arith.constant 0 : i32
        %cond3A_186 = arith.cmpi ne, %convert_element_type3A_184, %cond3A_185 : i32
        scf.if %cond3A_186 {
          %dma_wait3A_192 = arith.constant 0 : i32
          %dma_wait3A_193 = tpu.memref_slice %arg4[%mul3A_2, %dma_wait3A_192] : memref<51200x128xf32, #tpu.memory_space<hbm>> -> memref<64x128xf32, #tpu.memory_space<hbm>>
          %dma_wait3A_194 = arith.constant 0 : i32
          %dma_wait3A_195 = tpu.memref_slice %arg4[%mul3A_2, %dma_wait3A_194] : memref<51200x128xf32, #tpu.memory_space<hbm>> -> memref<64x128xf32, #tpu.memory_space<hbm>>
          tpu.wait_dma2 semaphore(%arg29 : memref<!tpu.dma_semaphore, #tpu.memory_space<semaphore_mem>>) src(%arg14 : memref<64x128xf32, #tpu.memory_space<vmem>>) dst(%dma_wait3A_195 : memref<64x128xf32, #tpu.memory_space<hbm>>)
        } else {
        }
        %dma_wait3A_187 = tpu.memref_slice %arg2[%mul3A_2] : memref<51200xi32, #tpu.memory_space<hbm>> -> memref<64xi32, #tpu.memory_space<hbm>>
        %dma_wait3A_188 = tpu.memref_slice %arg2[%mul3A_2] : memref<51200xi32, #tpu.memory_space<hbm>> -> memref<64xi32, #tpu.memory_space<hbm>>
        tpu.wait_dma2 semaphore(%arg19 : memref<!tpu.dma_semaphore, #tpu.memory_space<semaphore_mem>>) src(%dma_wait3A_188 : memref<64xi32, #tpu.memory_space<hbm>>) dst(%arg9 : memref<64xi32, #tpu.memory_space<vmem>>)
        %dma_start3A_189 = arith.constant 0 : i32
        %dma_start3A_190 = arith.constant 0 : i32
        %dma_start3A_191 = tpu.memref_slice %arg3[%dma_start3A_189, %dma_start3A_190] : memref<100000x128xf32, #tpu.memory_space<hbm>> -> memref<100000x128xf32, #tpu.memory_space<hbm>>
        tpu.enqueue_indirect_dma source(%dma_start3A_191 : memref<100000x128xf32, #tpu.memory_space<hbm>>) target(%arg14 : memref<64x128xf32, #tpu.memory_space<vmem>>) offsets(%arg9 : memref<64xi32, #tpu.memory_space<vmem>>) semaphore(%arg24 : memref<!tpu.dma_semaphore, #tpu.memory_space<semaphore_mem>>)
      } else {
      }
      %add3A_136 = arith.constant 3 : i32
      %add3A_137 = arith.addi %add3A_128, %add3A_136 : i32
      %lt3A_138 = arith.constant 25 : i32
      %lt3A_139 = arith.cmpi slt, %add3A_137, %lt3A_138 : i32
      %convert_element_type3A_140 = arith.extui %lt3A_139 : i1 to i32
      %cond3A_141 = arith.constant 0 : i32
      %cond3A_142 = arith.cmpi ne, %convert_element_type3A_140, %cond3A_141 : i32
      scf.if %cond3A_142 {
        %add3A_181 = arith.constant 3 : i32
        %add3A_182 = arith.addi %add3A_128, %add3A_181 : i32
        %mul3A_183 = arith.constant 64 : i32
        %mul3A_184 = arith.muli %add3A_182, %mul3A_183 : i32
        %add3A_185 = arith.addi %mul3A_2, %mul3A_184 : i32
        %dma_start3A_186 = tpu.memref_slice %arg2[%add3A_185] : memref<51200xi32, #tpu.memory_space<hbm>> -> memref<64xi32, #tpu.memory_space<hbm>>
        %dma_start3A_187 = tpu.memref_slice %arg2[%add3A_185] : memref<51200xi32, #tpu.memory_space<hbm>> -> memref<64xi32, #tpu.memory_space<hbm>>
        tpu.enqueue_dma source(%dma_start3A_187 : memref<64xi32, #tpu.memory_space<hbm>>) target(%arg6 : memref<64xi32, #tpu.memory_space<vmem>>) target_semaphore(%arg16 : memref<!tpu.dma_semaphore, #tpu.memory_space<semaphore_mem>>)
      } else {
      }
      %dma_wait3A_143 = arith.constant 0 : i32
      %dma_wait3A_144 = arith.constant 0 : i32
      %dma_wait3A_145 = tpu.memref_slice %arg3[%dma_wait3A_143, %dma_wait3A_144] : memref<100000x128xf32, #tpu.memory_space<hbm>> -> memref<100000x128xf32, #tpu.memory_space<hbm>>
      tpu.wait_indirect_dma semaphore(%arg23 : memref<!tpu.dma_semaphore, #tpu.memory_space<semaphore_mem>>) src(%dma_wait3A_145 : memref<100000x128xf32, #tpu.memory_space<hbm>>) dst(%arg13 : memref<64x128xf32, #tpu.memory_space<vmem>>)
      %mul3A_146 = arith.constant 64 : i32
      %mul3A_147 = arith.muli %add3A_128, %mul3A_146 : i32
      %add3A_148 = arith.addi %mul3A_2, %mul3A_147 : i32
      %dma_start3A_149 = arith.constant 0 : i32
      %dma_start3A_150 = tpu.memref_slice %arg4[%add3A_148, %dma_start3A_149] : memref<51200x128xf32, #tpu.memory_space<hbm>> -> memref<64x128xf32, #tpu.memory_space<hbm>>
      %dma_start3A_151 = arith.constant 0 : i32
      %dma_start3A_152 = tpu.memref_slice %arg4[%add3A_148, %dma_start3A_151] : memref<51200x128xf32, #tpu.memory_space<hbm>> -> memref<64x128xf32, #tpu.memory_space<hbm>>
      tpu.enqueue_dma source(%arg13 : memref<64x128xf32, #tpu.memory_space<vmem>>) target(%dma_start3A_152 : memref<64x128xf32, #tpu.memory_space<hbm>>) target_semaphore(%arg28 : memref<!tpu.dma_semaphore, #tpu.memory_space<semaphore_mem>>)
      %mul3A_153 = arith.constant 5 : i32
      %mul3A_154 = arith.muli %scan3A_43, %mul3A_153 : i32
      %add3A_155 = arith.constant 4 : i32
      %add3A_156 = arith.addi %mul3A_154, %add3A_155 : i32
      %add3A_157 = arith.constant 1 : i32
      %add3A_158 = arith.addi %add3A_156, %add3A_157 : i32
      %lt3A_159 = arith.constant 25 : i32
      %lt3A_160 = arith.cmpi slt, %add3A_158, %lt3A_159 : i32
      %convert_element_type3A_161 = arith.extui %lt3A_160 : i1 to i32
      %cond3A_162 = arith.constant 0 : i32
      %cond3A_163 = arith.cmpi ne, %convert_element_type3A_161, %cond3A_162 : i32
      scf.if %cond3A_163 {
        %add3A_181 = arith.constant 1 : i32
        %add3A_182 = arith.addi %add3A_156, %add3A_181 : i32
        %ge3A = arith.constant 5 : i32
        %ge3A_183 = arith.cmpi sge, %add3A_182, %ge3A : i32
        %convert_element_type3A_184 = arith.extui %ge3A_183 : i1 to i32
        %cond3A_185 = arith.constant 0 : i32
        %cond3A_186 = arith.cmpi ne, %convert_element_type3A_184, %cond3A_185 : i32
        scf.if %cond3A_186 {
          %dma_wait3A_192 = arith.constant 0 : i32
          %dma_wait3A_193 = tpu.memref_slice %arg4[%mul3A_2, %dma_wait3A_192] : memref<51200x128xf32, #tpu.memory_space<hbm>> -> memref<64x128xf32, #tpu.memory_space<hbm>>
          %dma_wait3A_194 = arith.constant 0 : i32
          %dma_wait3A_195 = tpu.memref_slice %arg4[%mul3A_2, %dma_wait3A_194] : memref<51200x128xf32, #tpu.memory_space<hbm>> -> memref<64x128xf32, #tpu.memory_space<hbm>>
          tpu.wait_dma2 semaphore(%arg25 : memref<!tpu.dma_semaphore, #tpu.memory_space<semaphore_mem>>) src(%arg10 : memref<64x128xf32, #tpu.memory_space<vmem>>) dst(%dma_wait3A_195 : memref<64x128xf32, #tpu.memory_space<hbm>>)
        } else {
        }
        %dma_wait3A_187 = tpu.memref_slice %arg2[%mul3A_2] : memref<51200xi32, #tpu.memory_space<hbm>> -> memref<64xi32, #tpu.memory_space<hbm>>
        %dma_wait3A_188 = tpu.memref_slice %arg2[%mul3A_2] : memref<51200xi32, #tpu.memory_space<hbm>> -> memref<64xi32, #tpu.memory_space<hbm>>
        tpu.wait_dma2 semaphore(%arg15 : memref<!tpu.dma_semaphore, #tpu.memory_space<semaphore_mem>>) src(%dma_wait3A_188 : memref<64xi32, #tpu.memory_space<hbm>>) dst(%arg5 : memref<64xi32, #tpu.memory_space<vmem>>)
        %dma_start3A_189 = arith.constant 0 : i32
        %dma_start3A_190 = arith.constant 0 : i32
        %dma_start3A_191 = tpu.memref_slice %arg3[%dma_start3A_189, %dma_start3A_190] : memref<100000x128xf32, #tpu.memory_space<hbm>> -> memref<100000x128xf32, #tpu.memory_space<hbm>>
        tpu.enqueue_indirect_dma source(%dma_start3A_191 : memref<100000x128xf32, #tpu.memory_space<hbm>>) target(%arg10 : memref<64x128xf32, #tpu.memory_space<vmem>>) offsets(%arg5 : memref<64xi32, #tpu.memory_space<vmem>>) semaphore(%arg20 : memref<!tpu.dma_semaphore, #tpu.memory_space<semaphore_mem>>)
      } else {
      }
      %add3A_164 = arith.constant 3 : i32
      %add3A_165 = arith.addi %add3A_156, %add3A_164 : i32
      %lt3A_166 = arith.constant 25 : i32
      %lt3A_167 = arith.cmpi slt, %add3A_165, %lt3A_166 : i32
      %convert_element_type3A_168 = arith.extui %lt3A_167 : i1 to i32
      %cond3A_169 = arith.constant 0 : i32
      %cond3A_170 = arith.cmpi ne, %convert_element_type3A_168, %cond3A_169 : i32
      scf.if %cond3A_170 {
        %add3A_181 = arith.constant 3 : i32
        %add3A_182 = arith.addi %add3A_156, %add3A_181 : i32
        %mul3A_183 = arith.constant 64 : i32
        %mul3A_184 = arith.muli %add3A_182, %mul3A_183 : i32
        %add3A_185 = arith.addi %mul3A_2, %mul3A_184 : i32
        %dma_start3A_186 = tpu.memref_slice %arg2[%add3A_185] : memref<51200xi32, #tpu.memory_space<hbm>> -> memref<64xi32, #tpu.memory_space<hbm>>
        %dma_start3A_187 = tpu.memref_slice %arg2[%add3A_185] : memref<51200xi32, #tpu.memory_space<hbm>> -> memref<64xi32, #tpu.memory_space<hbm>>
        tpu.enqueue_dma source(%dma_start3A_187 : memref<64xi32, #tpu.memory_space<hbm>>) target(%arg7 : memref<64xi32, #tpu.memory_space<vmem>>) target_semaphore(%arg17 : memref<!tpu.dma_semaphore, #tpu.memory_space<semaphore_mem>>)
      } else {
      }
      %dma_wait3A_171 = arith.constant 0 : i32
      %dma_wait3A_172 = arith.constant 0 : i32
      %dma_wait3A_173 = tpu.memref_slice %arg3[%dma_wait3A_171, %dma_wait3A_172] : memref<100000x128xf32, #tpu.memory_space<hbm>> -> memref<100000x128xf32, #tpu.memory_space<hbm>>
      tpu.wait_indirect_dma semaphore(%arg24 : memref<!tpu.dma_semaphore, #tpu.memory_space<semaphore_mem>>) src(%dma_wait3A_173 : memref<100000x128xf32, #tpu.memory_space<hbm>>) dst(%arg14 : memref<64x128xf32, #tpu.memory_space<vmem>>)
      %mul3A_174 = arith.constant 64 : i32
      %mul3A_175 = arith.muli %add3A_156, %mul3A_174 : i32
      %add3A_176 = arith.addi %mul3A_2, %mul3A_175 : i32
      %dma_start3A_177 = arith.constant 0 : i32
      %dma_start3A_178 = tpu.memref_slice %arg4[%add3A_176, %dma_start3A_177] : memref<51200x128xf32, #tpu.memory_space<hbm>> -> memref<64x128xf32, #tpu.memory_space<hbm>>
      %dma_start3A_179 = arith.constant 0 : i32
      %dma_start3A_180 = tpu.memref_slice %arg4[%add3A_176, %dma_start3A_179] : memref<51200x128xf32, #tpu.memory_space<hbm>> -> memref<64x128xf32, #tpu.memory_space<hbm>>
      tpu.enqueue_dma source(%arg14 : memref<64x128xf32, #tpu.memory_space<vmem>>) target(%dma_start3A_180 : memref<64x128xf32, #tpu.memory_space<hbm>>) target_semaphore(%arg29 : memref<!tpu.dma_semaphore, #tpu.memory_space<semaphore_mem>>)
    }
    %scan3A_22 = arith.constant 5 : i32
    %dma_wait3A_23 = arith.constant 0 : i32
    %dma_wait3A_24 = tpu.memref_slice %arg4[%mul3A_2, %dma_wait3A_23] : memref<51200x128xf32, #tpu.memory_space<hbm>> -> memref<64x128xf32, #tpu.memory_space<hbm>>
    %dma_wait3A_25 = arith.constant 0 : i32
    %dma_wait3A_26 = tpu.memref_slice %arg4[%mul3A_2, %dma_wait3A_25] : memref<51200x128xf32, #tpu.memory_space<hbm>> -> memref<64x128xf32, #tpu.memory_space<hbm>>
    tpu.wait_dma2 semaphore(%arg25 : memref<!tpu.dma_semaphore, #tpu.memory_space<semaphore_mem>>) src(%arg10 : memref<64x128xf32, #tpu.memory_space<vmem>>) dst(%dma_wait3A_26 : memref<64x128xf32, #tpu.memory_space<hbm>>)
    %dma_wait3A_27 = arith.constant 0 : i32
    %dma_wait3A_28 = tpu.memref_slice %arg4[%mul3A_2, %dma_wait3A_27] : memref<51200x128xf32, #tpu.memory_space<hbm>> -> memref<64x128xf32, #tpu.memory_space<hbm>>
    %dma_wait3A_29 = arith.constant 0 : i32
    %dma_wait3A_30 = tpu.memref_slice %arg4[%mul3A_2, %dma_wait3A_29] : memref<51200x128xf32, #tpu.memory_space<hbm>> -> memref<64x128xf32, #tpu.memory_space<hbm>>
    tpu.wait_dma2 semaphore(%arg26 : memref<!tpu.dma_semaphore, #tpu.memory_space<semaphore_mem>>) src(%arg11 : memref<64x128xf32, #tpu.memory_space<vmem>>) dst(%dma_wait3A_30 : memref<64x128xf32, #tpu.memory_space<hbm>>)
    %dma_wait3A_31 = arith.constant 0 : i32
    %dma_wait3A_32 = tpu.memref_slice %arg4[%mul3A_2, %dma_wait3A_31] : memref<51200x128xf32, #tpu.memory_space<hbm>> -> memref<64x128xf32, #tpu.memory_space<hbm>>
    %dma_wait3A_33 = arith.constant 0 : i32
    %dma_wait3A_34 = tpu.memref_slice %arg4[%mul3A_2, %dma_wait3A_33] : memref<51200x128xf32, #tpu.memory_space<hbm>> -> memref<64x128xf32, #tpu.memory_space<hbm>>
    tpu.wait_dma2 semaphore(%arg27 : memref<!tpu.dma_semaphore, #tpu.memory_space<semaphore_mem>>) src(%arg12 : memref<64x128xf32, #tpu.memory_space<vmem>>) dst(%dma_wait3A_34 : memref<64x128xf32, #tpu.memory_space<hbm>>)
    %dma_wait3A_35 = arith.constant 0 : i32
    %dma_wait3A_36 = tpu.memref_slice %arg4[%mul3A_2, %dma_wait3A_35] : memref<51200x128xf32, #tpu.memory_space<hbm>> -> memref<64x128xf32, #tpu.memory_space<hbm>>
    %dma_wait3A_37 = arith.constant 0 : i32
    %dma_wait3A_38 = tpu.memref_slice %arg4[%mul3A_2, %dma_wait3A_37] : memref<51200x128xf32, #tpu.memory_space<hbm>> -> memref<64x128xf32, #tpu.memory_space<hbm>>
    tpu.wait_dma2 semaphore(%arg28 : memref<!tpu.dma_semaphore, #tpu.memory_space<semaphore_mem>>) src(%arg13 : memref<64x128xf32, #tpu.memory_space<vmem>>) dst(%dma_wait3A_38 : memref<64x128xf32, #tpu.memory_space<hbm>>)
    %dma_wait3A_39 = arith.constant 0 : i32
    %dma_wait3A_40 = tpu.memref_slice %arg4[%mul3A_2, %dma_wait3A_39] : memref<51200x128xf32, #tpu.memory_space<hbm>> -> memref<64x128xf32, #tpu.memory_space<hbm>>
    %dma_wait3A_41 = arith.constant 0 : i32
    %dma_wait3A_42 = tpu.memref_slice %arg4[%mul3A_2, %dma_wait3A_41] : memref<51200x128xf32, #tpu.memory_space<hbm>> -> memref<64x128xf32, #tpu.memory_space<hbm>>
    tpu.wait_dma2 semaphore(%arg29 : memref<!tpu.dma_semaphore, #tpu.memory_space<semaphore_mem>>) src(%arg14 : memref<64x128xf32, #tpu.memory_space<vmem>>) dst(%dma_wait3A_42 : memref<64x128xf32, #tpu.memory_space<hbm>>)
    return
  }
}

module attributes {stable_mosaic.version = 14 : i64} {
  func.func @_add_body(%arg0: i32, %arg1: memref<32x200x128xf32, #tpu.memory_space<vmem>>, %arg2: memref<1x200x128xf32, #tpu.memory_space<vmem>>, %arg3: memref<32x200x128xf32, #tpu.memory_space<vmem>>) attributes {dimension_semantics = [#tpu.dimension_semantics<arbitrary>], iteration_bounds = array<i64: 8>, scalar_prefetch = 0 : i64, scratch_operands = 0 : i64, tpu.core_type = #tpu.core_type<tc>, window_params = [{transform_indices = @transform_0, window_bounds = array<i64: 32, 200, 128>}, {pipeline_mode = #tpu.pipeline_mode<synchronous>, transform_indices = @transform_1, window_bounds = array<i64: 1, 200, 128>}, {transform_indices = @transform_2, window_bounds = array<i64: 32, 200, 128>}]} {
    %get3A = arith.constant 0 : index
    %get3A_0 = arith.constant 0 : index
    %get3A_1 = arith.constant 0 : index
    %get3A_2 = vector.load %arg1[%get3A, %get3A_0, %get3A_1] : memref<32x200x128xf32, #tpu.memory_space<vmem>>, vector<32x200x128xf32>
    %get3A_3 = arith.constant 0 : index
    %get3A_4 = arith.constant 0 : index
    %get3A_5 = arith.constant 0 : index
    %get3A_6 = vector.load %arg2[%get3A_3, %get3A_4, %get3A_5] : memref<1x200x128xf32, #tpu.memory_space<vmem>>, vector<1x200x128xf32>
    %add3A = vector.broadcast %get3A_6 : vector<1x200x128xf32> to vector<32x200x128xf32>
    %add3A_7 = arith.addf %get3A_2, %add3A : vector<32x200x128xf32>
    %swap3A = arith.constant 0 : index
    %swap3A_8 = arith.constant 0 : index
    %swap3A_9 = arith.constant 0 : index
    %swap3A_10 = vector.load %arg3[%swap3A, %swap3A_8, %swap3A_9] : memref<32x200x128xf32, #tpu.memory_space<vmem>>, vector<32x200x128xf32>
    tpu.vector_store %arg3[%swap3A, %swap3A_8, %swap3A_9], %add3A_7 {strides = array<i32>} : memref<32x200x128xf32, #tpu.memory_space<vmem>>, vector<32x200x128xf32>,
    return
  }
  func.func @transform_0(%arg0: i32) -> (i32, i32, i32) {
    %c0_i32 = arith.constant 0 : i32
    %c0_i32_0 = arith.constant 0 : i32
    %c0_i32_1 = arith.constant 0 : i32
    return %arg0, %c0_i32, %c0_i32_0 : i32, i32, i32
  }
  func.func @transform_1(%arg0: i32) -> (i32, i32, i32) {
    %c0_i32 = arith.constant 0 : i32
    %c0_i32_0 = arith.constant 0 : i32
    %c0_i32_1 = arith.constant 0 : i32
    %c0_i32_2 = arith.constant 0 : i32
    return %c0_i32, %c0_i32_0, %c0_i32_1 : i32, i32, i32
  }
  func.func @transform_2(%arg0: i32) -> (i32, i32, i32) {
    %c0_i32 = arith.constant 0 : i32
    %c0_i32_0 = arith.constant 0 : i32
    %c0_i32_1 = arith.constant 0 : i32
    return %arg0, %c0_i32, %c0_i32_0 : i32, i32, i32
  }
}

</mosaic_0001>

<sc_bundles>
// kernel: kernel.10.cloned.1.call-start
scs
__scs_entry_jumppad:
0x0: {  	(pc) =	sbr.rel $0x88, $3  }
0x1: {  	(tag) =	ssettag $0x0;
	lr =	simm.s32 $0x1  }
0x2: {  	[smem:$0x3F9F] =	sst lr;
	_ =	strace $0xD0000000  }
0x3: {  	_ = 	snop  }
0x4: {  	_ = 	snop  }
0x5: {  	_ = 	snop  }
0x6: {  	_ = 	snop  }
0x7: {  	_ = 	snop  }
__scs_overlays_trampoline_lowered:
0x8: {  	[smem:$0x3FAE] =	sst s0  }
0x9: {  	[smem:$0x3FAF] =	sst s1  }
0xa: {  	[smem:$0x3FB0] =	sst s2  }
0xb: {  	[smem:$0x3FB1] =	sst s3  }
0xc: {  	[smem:$0x3FB2] =	sst s4  }
0xd: {  	[smem:$0x3FB3] =	sst s5  }
0xe: {  	[smem:$0x3FB4] =	sst s6  }
0xf: {  	[smem:$0x3FB5] =	sst s7  }
0x10: {  	[smem:$0x3FB6] =	sst s8  }
0x11: {  	[smem:$0x3FB7] =	sst s9;
	s0 =	simm.s32 @!p0 $0x0  }
0x12: {  	s1 =	sld [smem:$0x3F9D];
	s0 =	simm.s32 @p0 $0x1  }
0x13: {  	[smem:$0x3FB8] =	sst s0;
	s0 =	simm.s32 @!p1 $0x0  }
0x14: {  	s2 =	sld [smem:$0x3F9C];
	s0 =	simm.s32 @p1 $0x1  }
0x15: {  	[smem:$0x3FB9] =	sst s0;
	s0 =	simm.s32 @!p2 $0x0  }
0x16: {  	s3 =	sld [smem:$0x3FDB];
	s0 =	simm.s32 @p2 $0x1  }
0x17: {  	s4 =	simm.s32 $0x1BF5;
	[smem:$0x3FBB] =	sst s0  }
0x18: {  	s0 =	sld [smem:$0x3F9E];
	_ =	swait.ge [sflag:s4], $0x0  }
0x19: {  	s7 =	sld [smem:$0x3F9F]  }
0x1a: {  	s8 =	sadd.s32 $0xFFFFE003, lr  }
0x1b: {  	s9 =	sadd.s32 $0xFFFFFEF7, lr;
	s5 =	simm.s32 $0xFFFFFFFF;
	p2 =	slt.u32 s8, $0xFFFFF086  }
0x1c: {  	p1 =	slt.u32 s9, $0xF7A;
	s5 =	simm.s32 @!p2 $0x0  }
0x1d: {  	s5 =	simm.s32 @p1 $0x1;
	p0 =	seq.s32 s7, s2  }
0x1e: {  	s7 =	smul.u32 @!p0 $0xF7A, s2;
	p2 =	seq.s32 @!p0 s5, $0x0  }
0x1f: {  	s9 =	smul.u32 $0xF7A, s1;
	s8 =	simm.s32 @!p0 $0x1BF5;
	p2 =	por !p2, p0  }
0x20: {  	[sflag:s8] =	ssyncset.s32 @!p0 $0xFFFFF086;
	s6 =	sadd.s32 @!p0 s3, s7;
	s7 =	simm.s32 @!p0 $0x108  }
0x21: {  	s3 =	sadd.s32 s3, s9;
	s6 =	sadd.s32 @!p0 $0x88, s6;
	s7 =	simm.s32 @p2 $0x1082  }
0x22: {  	[simem:s7], [sflag:s8] =	dma.local @!p0 [hbm:s6], $0xF7A  }
0x23: {  	s9 =	sor.u32 $0xD0000000, s2;
	s6 =	simm.s32 $0x108;
	_ =	swait.ge @!p0 [sflag:s8], $0x0  }
0x24: {  	s3 =	sadd.s32 $0x88, s3;
	s6 =	simm.s32 @!p1 $0x1082;
	[sflag:s4] =	ssyncset.s32 $0xFFFFF086  }
0x25: {  	[simem:s6], [sflag:s4] =	dma.local [hbm:s3], $0xF7A  }
0x26: {  	[smem:$0x3F9F] =	sst s1;
	(tag) =	ssettag s2;
	_ =	strace s9  }
0x27: {  	s1 =	sld [smem:$0x3FAF]  }
0x28: {  	s2 =	sld [smem:$0x3FB0]  }
0x29: {  	s4 =	sld [smem:$0x3FB2]  }
0x2a: {  	p0 =	seq.s32 s5, $0x0;
	s5 =	sld [smem:$0x3FB3]  }
0x2b: {  	s6 =	sld [smem:$0x3FB4]  }
0x2c: {  	s7 =	sld [smem:$0x3FB5]  }
0x2d: {  	s3 =	simm.s32 $0x108;
	s8 =	sld [smem:$0x3FB6]  }
0x2e: {  	s3 =	simm.s32 @!p0 $0x1082;
	s9 =	sld [smem:$0x3FB7]  }
0x2f: {  	lr =	sadd.s32 s0, s3;
	s0 =	sld [smem:$0x3FAE]  }
0x30: {  	s3 =	sld [smem:$0x3FB1]  }
0x31: {  	[smem:$0x3FBA] =	sst s10  }
0x32: {  	s10 =	sld [smem:$0x3FB8];
	_ =	sdelay $0x3  }
0x33: {  	p0 =	seq.s32 s10, $0x1;
	s10 =	sld [smem:$0x3FBA];
	_ =	sdelay $0x3  }
0x34: {  	[smem:$0x3FBA] =	sst s10  }
0x35: {  	s10 =	sld [smem:$0x3FB9];
	_ =	sdelay $0x3  }
0x36: {  	p1 =	seq.s32 s10, $0x1;
	s10 =	sld [smem:$0x3FBA];
	_ =	sdelay $0x3  }
0x37: {  	[smem:$0x3FBA] =	sst s10  }
0x38: {  	s10 =	sld [smem:$0x3FBB]  }
0x39: {  	_ = 	snop;
	(pc) =	sbr.ind lr, $3  }
0x3a: {  	_ = 	snop  }
0x3b: {  	_ = 	snop  }
0x3c: {  	p2 =	seq.s32 s10, $0x1;
	s10 =	sld [smem:$0x3FBA]  }
0x3d: {  	_ =	shalt  }
0x3e: {  	_ =	shalt  }
0x3f: {  	_ =	shalt  }
0x40: {  	_ =	shalt  }
0x41: {  	_ =	shalt  }
0x42: {  	_ =	shalt  }
0x43: {  	_ =	shalt  }
0x44: {  	_ =	shalt  }
0x45: {  	_ =	shalt  }
0x46: {  	_ =	shalt  }
0x47: {  	_ =	shalt  }
0x48: {  	_ =	shalt  }
0x49: {  	_ =	shalt  }
0x4a: {  	_ =	shalt  }
0x4b: {  	_ =	shalt  }
0x4c: {  	_ =	shalt  }
0x4d: {  	_ =	shalt  }
0x4e: {  	_ =	shalt  }
0x4f: {  	_ =	shalt  }
0x50: {  	_ =	shalt  }
0x51: {  	_ =	shalt  }
0x52: {  	_ =	shalt  }
0x53: {  	_ =	shalt  }
0x54: {  	_ =	shalt  }
0x55: {  	_ =	shalt  }
0x56: {  	_ =	shalt  }
0x57: {  	_ =	shalt  }
0x58: {  	_ =	shalt  }
0x59: {  	_ =	shalt  }
0x5a: {  	_ =	shalt  }
0x5b: {  	_ =	shalt  }
0x5c: {  	_ =	shalt  }
0x5d: {  	_ =	shalt  }
0x5e: {  	_ =	shalt  }
0x5f: {  	_ =	shalt  }
0x60: {  	_ =	shalt  }
0x61: {  	_ =	shalt  }
0x62: {  	_ =	shalt  }
0x63: {  	_ =	shalt  }
0x64: {  	_ =	shalt  }
0x65: {  	_ =	shalt  }
0x66: {  	_ =	shalt  }
0x67: {  	_ =	shalt  }
0x68: {  	_ =	shalt  }
0x69: {  	_ =	shalt  }
0x6a: {  	_ =	shalt  }
0x6b: {  	_ =	shalt  }
0x6c: {  	_ =	shalt  }
0x6d: {  	_ =	shalt  }
0x6e: {  	_ =	shalt  }
0x6f: {  	_ =	shalt  }
0x70: {  	_ =	shalt  }
0x71: {  	_ =	shalt  }
0x72: {  	_ =	shalt  }
0x73: {  	_ =	shalt  }
0x74: {  	_ =	shalt  }
0x75: {  	_ =	shalt  }
0x76: {  	_ =	shalt  }
0x77: {  	_ =	shalt  }
0x78: {  	_ =	shalt  }
0x79: {  	_ =	shalt  }
0x7a: {  	_ =	shalt  }
0x7b: {  	_ =	shalt  }
0x7c: {  	_ =	shalt  }
0x7d: {  	_ =	shalt  }
0x7e: {  	_ =	shalt  }
0x7f: {  	_ =	shalt  }
0x80: {  	_ =	shalt  }
0x81: {  	_ =	shalt  }
0x82: {  	_ =	shalt  }
0x83: {  	_ =	shalt  }
0x84: {  	_ =	shalt  }
0x85: {  	_ =	shalt  }
0x86: {  	_ =	shalt  }
0x87: {  	_ =	shalt  }
.Lfunc_end0:
.L_simem_size_0:
called_computation_lowered:
.L_overlay_start_0:
0x88: {  	s2 =	sld [smem:$0x3FD9]  }
0x89: {  	s3 =	sld [smem:$0x3FFE];
	_ =	sdelay $0x1  }
0x8a: {  	s1 =	srdreg.scid  }
0x8b: {  	s0 =	sand.u32 $0x1, s1  }
0x8c: {  	s17 =	sshll.u32 s0, $0xA;
	s2 =	sadd.s32 s3, s2  }
0x8d: {  	s2 =	sadd.s32 s2, s17  }
0x8e: {  	[smem:$0x3FC6] =	sst s2  }
0x8f: {  	_ = 	snop  }
0x90: {  	s18 =	sld [smem:$0x3FC8];
	(tm) =	ssettm $0x1  }
0x91: {  	s19 =	sld [smem:$0x3FFB];
	_ =	sdelay $0x3  }
0x92: {  	_ =	strace s19  }
0x93: {  	s2 =	sld [smem:$0x3FFC];
	_ =	sdelay $0x3  }
0x94: {  	_ =	strace s2  }
0x95: {  	s2 =	sld [smem:$0x3FFD];
	_ =	sdelay $0x3  }
0x96: {  	_ =	strace s2  }
0x97: {  	_ =	strace $0x8FFFFFFF  }
0x98: {  	s20 =	sld [smem:$0x3FDB];
	_ =	sdelay $0x1  }
0x99: {  	s4 =	simm.s32 $_scs_section_size  }
0x9a: {  	s5 =	simm.s32 $_size__tile_overlayer_lowered;
	s6 =	simm.s32 $_tile_overlayer_lowered  }
0x9b: {  	s7 =	simm.s32 $0x1BFF;
	s21 =	sshll.u32 s6, $0x1;
	s4 =	sadd.s32 s4, s20  }
0x9c: {  	s22 =	simm.s32 $0x0;
	s5 =	sshll.u32 s5, $0x1;
	s6 =	sadd.s32 s21, s4  }
0x9d: {  	[timem:s22], [sflag:s7] =	dma.local [hbm:s6], s5  }
0x9e: {  	_ =	swait.ge [sflag:s7], s5  }
0x9f: {  	s5 =	ssub.s32 $0x0, s5;
	[sflag:s7] =	ssyncset.done $0x0  }
0xa0: {  	[sflag:s7] =	ssyncadd.s32 s5;
	_ =	sdelay $0x1  }
0xa1: {  	s23 =	simm.s32 $0x1B8B  }
0xa2: {  	_ =	swait.ge [sflag:s23], $0x1  }
0xa3: {  	[sflag:s23] =	ssyncset.done $0x0  }
0xa4: {  	[sflag:s23] =	ssyncadd.s32 $0xFFFFFFFF  }
0xa5: {  	s5 =	sld [smem:$0x0]  }
0xa6: {  	s6 =	sand.u32 $0xFFFFFFFE, s1  }
0xa7: {  	p0 =	sne.s32 s1, s6  }
0xa8: {  	s6 =	sshll.u32 @p0 s6, $0xE  }
0xa9: {  	s6 =	sadd.s32 @p0 $0x11B8D, s6;
	s7 =	sshll.u32 @p0 s5, $0x11  }
0xaa: {  	s6 =	sor.u32 @p0 s7, s6  }
0xab: {  	[sflag:s6] =	ssyncadd.remote.s32 @p0 $0x1;
	_ =	sdelay $0x1  }
0xac: {  	s6 =	simm.s32 @p0 $0x1B8D  }
0xad: {  	_ =	swait.eq @p0 [sflag:s6], $0x1  }
0xae: {  	[sflag:s6] =	ssyncadd.s32 @p0 $0xFFFFFFFF  }
0xaf: {  	s7 =	sshll.u32 @!p0 s1, $0xE  }
0xb0: {  	s7 =	sor.u32 @!p0 $0x4000, s7;
	s6 =	simm.s32 @!p0 $0x1B8D  }
0xb1: {  	s5 =	sshll.u32 @!p0 s5, $0x11;
	s7 =	sadd.s32 @!p0 $0x11B8D, s7;
	_ =	swait.eq @!p0 [sflag:s6], $0x1  }
0xb2: {  	s5 =	sor.u32 @!p0 s5, s7;
	[sflag:s6] =	ssyncadd.s32 @!p0 $0xFFFFFFFF  }
0xb3: {  	s25 =	simm.s32 $0x1B8E;
	s24 =	sld [smem:$0x3FFE];
	[sflag:s5] =	ssyncadd.remote.s32 @!p0 $0x1  }
0xb4: {  	s26 =	simm.s32 $execute0_lowered;
	[smem:$0x3FD2] =	sst s25  }
0xb5: {  	s6 =	sshll.u32 s26, $0x1;
	_ =	strace $0x8000004F;
	[dreg:$0x1] =	wrdreg $0xFFFFFFFF  }
0xb6: {  	s28 =	simm.s32 $_size_execute0_lowered;
	s4 =	sadd.s32 s4, s6;
	[dreg:$0x0] =	wrdreg $0x0  }
0xb7: {  	s6 =	sshll.u32 s28, $0x1;
	[dreg:$0x2] =	wrdreg s4  }
0xb8: {  	[dreg:$0x3] =	wrdreg s6  }
0xb9: {  	[dreg:$0x4] =	wrdreg $0xC0  }
0xba: {  	_ =	task [dreg:s22], $0x5FFFF  }
0xbb: {  	[dreg:$0x1] =	wrdreg $0xFFFFFFFF  }
0xbc: {  	[dreg:$0x0] =	wrdreg $0x60  }
0xbd: {  	[dreg:$0x2] =	wrdreg s24  }
0xbe: {  	[dreg:$0x3] =	wrdreg s18  }
0xbf: {  	[dreg:$0x4] =	wrdreg $0x9  }
0xc0: {  	_ =	task.clear_ibuf [dreg:s22], $0x5FFFF;
	_ =	strace $0x9000004F  }
0xc1: {  	s29 =	simm.s32 $0x9;
	_ =	strace $0x80000051  }
0xc2: {  	_ =	swait.ge [sflag:s29], $0x1  }
0xc3: {  	[sflag:s29] =	ssyncadd.s32 $0xFFFFFFFF  }
0xc4: {  	_ =	strace $0x90000051  }
0xc5: {  	_ =	sfence  }
0xc6: {  	s30 =	sld [smem:$0x0];
	_ =	sdelay $0x2  }
0xc7: {  	s31 =	sshll.u32 s1, $0xD;
	s1 =	sshrl.u32 s1, $0x2  }
0xc8: {  	s4 =	sand.u32 $0x4000, s31;
	s1 =	sadd.s32 s1, s30  }
0xc9: {  	s0 =	sor.u32 s4, s0;
	s1 =	sshll.u32 s1, $0x11  }
0xca: {  	s0 =	sor.u32 s1, s0  }
0xcb: {  	s0 =	sadd.s32 $0x8F2B, s0  }
0xcc: {  	[sflag:s0] =	ssyncadd.remote.s32 $0x1  }
0xcd: {  	_ =	sfence.sel $0xFFFF  }
0xce: {  	[dreg:$0x0] =	wrdreg $0xFFFFFFFF;
	(pc) =	sbr.abs _section_cstart, $3  }
0xcf: {  	[dreg:$0x1] =	wrdreg $0xFFFFFFFF  }
0xd0: {  	_ =	task.clear_ibuf [dreg:s22], $0x2FFFF;
	_ =	strace $0x9FFFFFFF  }
0xd1: {  	(tm) =	ssettm $0x7FFFFFFF  }
tec
execute0_lowered:
.L_overlay_start_1:
0x0: {  	(tag) =	ssettag $0x1  }
0x1: {  	s0 =	rddreg [dreg:$0x0]  }
0x2: {  	s1 =	srdreg.scid;
	s9 =	stileid.u32  }
0x3: {  	s2 =	rddreg [dreg:$0x1];
	s3 =	simm.s32 $0x0;
	s7 =	smul.u32 $0xC80, s9  }
0x4: {  	s28 =	simm.s32 $0x4;
	s29 =	simm.s32 $0x6280;
	s11 =	smul.u32 $0xC800, s9  }
0x5: {  	s30 =	simm.s32 $0x8;
	s1 =	sand.u32 $0x1, s1;
	s13 =	smul.u32 $0x64000, s9  }
0x6: {  	s31 =	simm.s32 $0x5;
	s4 =	sshll.u32 s9, $0x1;
	s25 =	smul.u32 $0x640, s1  }
0x7: {  	[smem:$0x7FF] =	sst s3;
	s4 =	sor.u32 s1, s4;
	s15 =	smul.u32 $0x32000, s1  }
0x8: {  	_ =	strace $0x80000050;
	s6 =	ssub.s32 $0x2, s1;
	s5 =	smul.u32 $0x640, s4  }
0x9: {  	s4 =	sadd.s32 $0x25F800, s0;
	s8 =	sshrl.u32 s6, $0x1;
	s0 =	sadd.s32 $0x261200, s0  }
0xa: {  	s1 =	smul.u32 $0x6400, s1;
	s6 =	ssub.s32 s6, s8;
	s17 =	sadd.s32 s11, s0  }
0xb: {  	s18 =	sadd.s32 s15, s13;
	s8 =	simm.s32 $0x0;
	s5 =	sshrl.u32 s5, $0x3  }
0xc: {  	s6 =	smax.u32 s6, $0x1;
	s1 =	sadd.s32 s1, s17;
	s20 =	sadd.s32 $0x8000, s18  }
0xd: {  	s22 =	sadd.s32 $0x6000, s18;
	s17 =	simm.s32 $0x40;
	[dreg:$0xb] =	wrdreg s6  }
0xe: {  	s10 =	sadd.s32 s4, s5;
	s5 =	sadd.s32 s25, s7;
	[dreg:$0x3] =	wrdreg s1  }
0xf: {  	s21 =	sshrl.u32 s20, $0x3;
	s25 =	sadd.s32 $0x4000, s18;
	s20 =	simm.s32 $0x2280  }
0x10: {  	s26 =	sadd.s32 $0x8, s10;
	[dreg:$0x8] =	wrdreg s10;
	s10 =	sadd.s32 $0x10, s10  }
0x11: {  	s12 =	sadd.s32 $0x1C0, s5;
	s14 =	sadd.s32 $0x180, s5;
	s19 =	sadd.s32 $0x140, s5  }
0x12: {  	s1 =	sadd.s32 s21, s0;
	s23 =	sadd.s32 $0x100, s5;
	[dreg:$0x9] =	wrdreg s26  }
0x13: {  	s5 =	sadd.s32 $0xC0, s5;
	s21 =	simm.s32 $0x180;
	[dreg:$0xa] =	wrdreg s10  }
0x14: {  	s6 =	sshrl.u32 s12, $0x3;
	s16 =	sshrl.u32 s14, $0x3;
	[dreg:$0xe] =	wrdreg s19  }
0x15: {  	[dreg:$0x4] =	wrdreg s1;
	s24 =	sshrl.u32 s23, $0x3;
	s26 =	sadd.s32 $0x2000, s18  }
0x16: {  	s5 =	sshrl.u32 s5, $0x3;
	s19 =	simm.s32 $0x2;
	s6 =	sadd.s32 s6, s4  }
0x17: {  	s23 =	simm.s32 $0x3;
	s1 =	sadd.s32 s24, s4;
	[dreg:$0xc] =	wrdreg s6  }
0x18: {  	s5 =	sadd.s32 s5, s4;
	s24 =	simm.s32 $0x4280;
	[dreg:$0xf] =	wrdreg s1  }
0x19: {  	s6 =	sadd.s32 s16, s4;
	s1 =	sshrl.u32 s25, $0x3;
	[dreg:$0x10] =	wrdreg s5  }
0x1a: {  	[dreg:$0xd] =	wrdreg s6;
	s6 =	sshrl.u32 s22, $0x3;
	s1 =	sadd.s32 s1, s0  }
0x1b: {  	s25 =	simm.s32 $0x200;
	s6 =	sadd.s32 s6, s0;
	[dreg:$0x6] =	wrdreg s1  }
0x1c: {  	s22 =	simm.s32 $0x6;
	[dreg:$0x5] =	wrdreg s6;
	s6 =	sshrl.u32 s26, $0x3  }
0x1d: {  	s1 =	simm.s32 $0x8280;
	s26 =	simm.s32 $0x7;
	s0 =	sadd.s32 s6, s0  }
0x1e: {  	s6 =	simm.s32 $0xA;
	[dreg:$0x7] =	wrdreg s0;
	s0 =	simm.s32 $0x9  }
.LBB2_1:
0x1f: {  	[dreg:$0x11] =	wrdreg s8  }
0x20: {  	s5 =	rddreg [dreg:$0x8]  }
0x21: {  	[tilespmem:s3], [sflag:$0x1] =	stream.linear.gather [hbm4b:s5+s3], $0x40, $0x38;
	[tilespmem:$0xA280] =	vst v63  }
0x22: {  	s10 =	rddreg [dreg:$0x9];
	s7 =	simm.s32 $0x80  }
0x23: {  	[tilespmem:s7], [sflag:$0x2] =	stream.linear.gather [hbm4b:s10+s3], $0x40, $0x38;
	[tilespmem:$0xA280] =	vst v63  }
0x24: {  	s11 =	rddreg [dreg:$0xa];
	s12 =	simm.s32 $0x100;
	s13 =	simm.s32 $0x1  }
0x25: {  	[tilespmem:s12], [sflag:$0x3] =	stream.linear.gather [hbm4b:s11+s3], $0x40, $0x38;
	[tilespmem:$0xA280] =	vst v63  }
0x26: {  	p0 =	por $0x1, $0x1;
	_ =	swait.ge [sflag:s13], $0x40  }
0x27: {  	p0 =	por p0, p0;
	[sflag:s13] =	ssyncset.done $0x0  }
0x28: {  	s9 =	simm.s32 $0x280;
	s5 =	simm.s32 @!p0 $0xC;
	[sflag:s13] =	ssyncadd.s32 $0xFFFFFFC0  }
0x29: {  	[tilespmem:s9], [sflag:$0x6] =	stream.indirect.gather [hbm4b:s2+s17], $0x80, s3, s17, $0xb8;
	[tilespmem:$0xA280] =	vst v63  }
0x2a: {  	_ =	swait.ge @!p0 [sflag:s5], $0x2000  }
0x2b: {  	[sflag:s5] =	ssyncset.done @!p0 $0x0  }
0x2c: {  	[sflag:s5] =	ssyncadd.s32 @!p0 $0xFFFFE000  }
0x2d: {  	_ =	swait.ge [sflag:s19], $0x40  }
0x2e: {  	[sflag:s19] =	ssyncset.done $0x0  }
0x2f: {  	[sflag:s19] =	ssyncadd.s32 $0xFFFFFFC0  }
0x30: {  	[tilespmem:s20], [sflag:$0x7] =	stream.indirect.gather [hbm4b:s2+s17], $0x80, s7, s17, $0xb8;
	[tilespmem:$0xA280] =	vst v63  }
0x31: {  	s11 =	rddreg [dreg:$0x10]  }
0x32: {  	[tilespmem:s21], [sflag:$0x4] =	stream.linear.gather [hbm4b:s11+s3], $0x40, $0x38;
	[tilespmem:$0xA280] =	vst v63  }
0x33: {  	_ =	swait.ge [sflag:s22], $0x2000  }
0x34: {  	s14 =	rddreg [dreg:$0x3];
	[sflag:s22] =	ssyncset.done $0x0  }
0x35: {  	s7 =	simm.s32 @!p0 $0xD;
	[sflag:s22] =	ssyncadd.s32 $0xFFFFE000;
	s5 =	sadd.s32 $0x0, s14  }
0x36: {  	[hbm4b:s5+s3] =	stream.linear.scatter [tilespmem:s9], [sflag:$0xB], $0x2000, $0x38;
	[tilespmem:$0xA280] =	vst v63  }
0x37: {  	_ =	swait.ge @!p0 [sflag:s7], $0x2000  }
0x38: {  	[sflag:s7] =	ssyncset.done @!p0 $0x0  }
0x39: {  	[sflag:s7] =	ssyncadd.s32 @!p0 $0xFFFFE000  }
0x3a: {  	_ =	swait.ge [sflag:s23], $0x40  }
0x3b: {  	[sflag:s23] =	ssyncset.done $0x0  }
0x3c: {  	[sflag:s23] =	ssyncadd.s32 $0xFFFFFFC0  }
0x3d: {  	[tilespmem:s24], [sflag:$0x8] =	stream.indirect.gather [hbm4b:s2+s17], $0x80, s12, s17, $0xb8;
	[tilespmem:$0xA280] =	vst v63  }
0x3e: {  	s10 =	rddreg [dreg:$0xf]  }
0x3f: {  	[tilespmem:s25], [sflag:$0x5] =	stream.linear.gather [hbm4b:s10+s3], $0x40, $0x38;
	[tilespmem:$0xA280] =	vst v63  }
0x40: {  	_ =	swait.ge [sflag:s26], $0x2000  }
0x41: {  	s15 =	rddreg [dreg:$0x7];
	[sflag:s26] =	ssyncset.done $0x0  }
0x42: {  	s7 =	simm.s32 @!p0 $0xE;
	[sflag:s26] =	ssyncadd.s32 $0xFFFFE000;
	s5 =	sadd.s32 $0x0, s15  }
0x43: {  	[hbm4b:s5+s3] =	stream.linear.scatter [tilespmem:s20], [sflag:$0xC], $0x2000, $0x38;
	[tilespmem:$0xA280] =	vst v63  }
0x44: {  	_ =	swait.ge @!p0 [sflag:s7], $0x2000  }
0x45: {  	[sflag:s7] =	ssyncset.done @!p0 $0x0  }
0x46: {  	[sflag:s7] =	ssyncadd.s32 @!p0 $0xFFFFE000  }
0x47: {  	_ =	swait.ge [sflag:s28], $0x40  }
0x48: {  	p1 =	por $0x0, $0x0;
	[sflag:s28] =	ssyncset.done $0x0;
	s14 =	rddreg [dreg:$0xe]  }
0x49: {  	[sflag:s28] =	ssyncadd.s32 $0xFFFFFFC0;
	s5 =	sshrl.u32 @!p1 s14, $0x3  }
0x4a: {  	[tilespmem:s29], [sflag:$0x9] =	stream.indirect.gather [hbm4b:s2+s17], $0x80, s21, s17, $0xb8;
	[tilespmem:$0xA280] =	vst v63  }
0x4b: {  	s7 =	simm.s32 @!p1 $0x0;
	s5 =	sadd.s32 @!p1 s4, s5  }
0x4c: {  	[tilespmem:s7], [sflag:$0x1] =	stream.linear.gather @!p1 [hbm4b:s5+s7], $0x40, $0x38;
	[tilespmem:$0xA280] =	vst v63  }
0x4d: {  	_ =	swait.ge [sflag:s30], $0x2000  }
0x4e: {  	s16 =	rddreg [dreg:$0x6];
	[sflag:s30] =	ssyncset.done $0x0  }
0x4f: {  	s8 =	simm.s32 @!p0 $0xF;
	[sflag:s30] =	ssyncadd.s32 $0xFFFFE000;
	s5 =	sadd.s32 $0x0, s16  }
0x50: {  	[hbm4b:s5+s3] =	stream.linear.scatter [tilespmem:s24], [sflag:$0xD], $0x2000, $0x38;
	[tilespmem:$0xA280] =	vst v63  }
0x51: {  	_ =	swait.ge @!p0 [sflag:s8], $0x2000  }
0x52: {  	[sflag:s8] =	ssyncset.done @!p0 $0x0  }
0x53: {  	[sflag:s8] =	ssyncadd.s32 @!p0 $0xFFFFE000  }
0x54: {  	_ =	swait.ge [sflag:s31], $0x40  }
0x55: {  	[sflag:s31] =	ssyncset.done $0x0  }
0x56: {  	[sflag:s31] =	ssyncadd.s32 $0xFFFFFFC0  }
0x57: {  	[tilespmem:s1], [sflag:$0xA] =	stream.indirect.gather [hbm4b:s2+s17], $0x80, s25, s17, $0xb8;
	[tilespmem:$0xA280] =	vst v63  }
0x58: {  	s5 =	simm.s32 @!p1 $0x80;
	s13 =	rddreg [dreg:$0xd]  }
0x59: {  	[tilespmem:s5], [sflag:$0x2] =	stream.linear.gather @!p1 [hbm4b:s13+s7], $0x40, $0x38;
	[tilespmem:$0xA280] =	vst v63  }
0x5a: {  	_ =	swait.ge [sflag:s0], $0x2000  }
0x5b: {  	s18 =	rddreg [dreg:$0x5];
	[sflag:s0] =	ssyncset.done $0x0  }
0x5c: {  	s8 =	simm.s32 @!p1 $0xB;
	[sflag:s0] =	ssyncadd.s32 $0xFFFFE000;
	s5 =	sadd.s32 $0x0, s18  }
0x5d: {  	[hbm4b:s5+s3] =	stream.linear.scatter [tilespmem:s29], [sflag:$0xE], $0x2000, $0x38;
	[tilespmem:$0xA280] =	vst v63  }
0x5e: {  	_ =	swait.ge @!p1 [sflag:s8], $0x2000  }
0x5f: {  	[sflag:s8] =	ssyncset.done @!p1 $0x0  }
0x60: {  	s5 =	simm.s32 @!p1 $0x1;
	[sflag:s8] =	ssyncadd.s32 @!p1 $0xFFFFE000  }
0x61: {  	p6 =	por $0x0, $0x0;
	s11 =	sadd.s32 $0x28, s11;
	_ =	swait.ge @!p1 [sflag:s5], $0x40  }
0x62: {  	s9 =	simm.s32 @!p1 $0x280;
	s12 =	simm.s32 $0x2800;
	[sflag:s5] =	ssyncset.done @!p1 $0x0  }
0x63: {  	s10 =	sadd.s32 $0x28, s10;
	s8 =	simm.s32 @!p1 $0x40;
	[sflag:s5] =	ssyncadd.s32 @!p1 $0xFFFFFFC0  }
0x64: {  	[tilespmem:s9], [sflag:$0x6] =	stream.indirect.gather @!p1 [hbm4b:s2+s8], $0x80, s7, s8, $0xb8;
	[tilespmem:$0xA280] =	vst v63  }
0x65: {  	p0 =	por p6, p6;
	s5 =	simm.s32 @!p1 $0x100;
	s9 =	rddreg [dreg:$0xc]  }
0x66: {  	[tilespmem:s5], [sflag:$0x3] =	stream.linear.gather @!p1 [hbm4b:s9+s7], $0x40, $0x38;
	[tilespmem:$0xA280] =	vst v63  }
0x67: {  	s16 =	sadd.s32 $0x28, s9;
	s5 =	simm.s32 $0x1400;
	_ =	swait.ge [sflag:s6], $0x2000  }
0x68: {  	s7 =	sadd.s32 $0x28, s13;
	s9 =	sadd.s32 $0x140, s14;
	[sflag:s6] =	ssyncset.done $0x0  }
0x69: {  	s13 =	simm.s32 $0x0;
	s8 =	rddreg [dreg:$0x4];
	[sflag:s6] =	ssyncadd.s32 $0xFFFFE000  }
.LBB2_2:
0x6a: {  	s14 =	simm.s32 @!p0 $0xC;
	s8 =	sadd.s32 s13, s8  }
0x6b: {  	[hbm4b:s8+s3] =	stream.linear.scatter [tilespmem:s1], [sflag:$0xF], $0x2000, $0x38;
	[tilespmem:$0xA280] =	vst v63  }
0x6c: {  	_ =	swait.ge @!p0 [sflag:s14], $0x2000  }
0x6d: {  	[sflag:s14] =	ssyncset.done @!p0 $0x0  }
0x6e: {  	[sflag:s14] =	ssyncadd.s32 @!p0 $0xFFFFE000  }
0x6f: {  	_ =	swait.ge [sflag:s19], $0x40  }
0x70: {  	[sflag:s19] =	ssyncset.done $0x0  }
0x71: {  	s14 =	simm.s32 $0x80;
	[sflag:s19] =	ssyncadd.s32 $0xFFFFFFC0  }
0x72: {  	[tilespmem:s20], [sflag:$0x7] =	stream.indirect.gather [hbm4b:s2+s17], $0x80, s14, s17, $0xb8;
	[tilespmem:$0xA280] =	vst v63  }
0x73: {  	_ = 	snop  }
0x74: {  	[tilespmem:s21], [sflag:$0x4] =	stream.linear.gather [hbm4b:s11+s3], $0x40, $0x38;
	[tilespmem:$0xA280] =	vst v63  }
0x75: {  	s13 =	smov.u32 s5;
	_ =	swait.ge [sflag:s22], $0x2000  }
0x76: {  	s14 =	simm.s32 @!p0 $0xD;
	s15 =	rddreg [dreg:$0x3];
	[sflag:s22] =	ssyncset.done $0x0  }
0x77: {  	[sflag:s22] =	ssyncadd.s32 $0xFFFFE000;
	s8 =	sadd.s32 s13, s15;
	s15 =	simm.s32 $0x280  }
0x78: {  	[hbm4b:s8+s3] =	stream.linear.scatter [tilespmem:s15], [sflag:$0xB], $0x2000, $0x38;
	[tilespmem:$0xA280] =	vst v63  }
0x79: {  	_ =	swait.ge @!p0 [sflag:s14], $0x2000  }
0x7a: {  	[sflag:s14] =	ssyncset.done @!p0 $0x0  }
0x7b: {  	[sflag:s14] =	ssyncadd.s32 @!p0 $0xFFFFE000  }
0x7c: {  	_ =	swait.ge [sflag:s23], $0x40  }
0x7d: {  	[sflag:s23] =	ssyncset.done $0x0  }
0x7e: {  	s18 =	simm.s32 $0x100;
	[sflag:s23] =	ssyncadd.s32 $0xFFFFFFC0  }
0x7f: {  	[tilespmem:s24], [sflag:$0x8] =	stream.indirect.gather [hbm4b:s2+s17], $0x80, s18, s17, $0xb8;
	[tilespmem:$0xA280] =	vst v63  }
0x80: {  	_ = 	snop  }
0x81: {  	[tilespmem:s25], [sflag:$0x5] =	stream.linear.gather [hbm4b:s10+s3], $0x40, $0x38;
	[tilespmem:$0xA280] =	vst v63  }
0x82: {  	_ =	swait.ge [sflag:s26], $0x2000  }
0x83: {  	s14 =	rddreg [dreg:$0x7];
	[sflag:s26] =	ssyncset.done $0x0  }
0x84: {  	[sflag:s26] =	ssyncadd.s32 $0xFFFFE000;
	s8 =	sadd.s32 s13, s14;
	s14 =	simm.s32 @!p0 $0xE  }
0x85: {  	[hbm4b:s8+s3] =	stream.linear.scatter [tilespmem:s20], [sflag:$0xC], $0x2000, $0x38;
	[tilespmem:$0xA280] =	vst v63  }
0x86: {  	_ =	swait.ge @!p0 [sflag:s14], $0x2000  }
0x87: {  	[sflag:s14] =	ssyncset.done @!p0 $0x0  }
0x88: {  	[sflag:s14] =	ssyncadd.s32 @!p0 $0xFFFFE000  }
0x89: {  	_ =	swait.ge [sflag:s28], $0x40  }
0x8a: {  	p3 =	seq.s32 s13, $0x5000;
	[sflag:s28] =	ssyncset.done $0x0  }
0x8b: {  	s14 =	sshrl.u32 @!p3 s9, $0x3;
	[sflag:s28] =	ssyncadd.s32 $0xFFFFFFC0  }
0x8c: {  	[tilespmem:s29], [sflag:$0x9] =	stream.indirect.gather [hbm4b:s2+s17], $0x80, s21, s17, $0xb8;
	[tilespmem:$0xA280] =	vst v63  }
0x8d: {  	s8 =	simm.s32 @!p3 $0x0;
	s14 =	sadd.s32 @!p3 s4, s14  }
0x8e: {  	[tilespmem:s8], [sflag:$0x1] =	stream.linear.gather @!p3 [hbm4b:s14+s8], $0x40, $0x38;
	[tilespmem:$0xA280] =	vst v63  }
0x8f: {  	_ =	swait.ge [sflag:s30], $0x2000  }
0x90: {  	s15 =	rddreg [dreg:$0x6];
	[sflag:s30] =	ssyncset.done $0x0  }
0x91: {  	[sflag:s30] =	ssyncadd.s32 $0xFFFFE000;
	s14 =	sadd.s32 s13, s15;
	s15 =	simm.s32 @!p0 $0xF  }
0x92: {  	[hbm4b:s14+s3] =	stream.linear.scatter [tilespmem:s24], [sflag:$0xD], $0x2000, $0x38;
	[tilespmem:$0xA280] =	vst v63  }
0x93: {  	_ =	swait.ge @!p0 [sflag:s15], $0x2000  }
0x94: {  	[sflag:s15] =	ssyncset.done @!p0 $0x0  }
0x95: {  	[sflag:s15] =	ssyncadd.s32 @!p0 $0xFFFFE000  }
0x96: {  	_ =	swait.ge [sflag:s31], $0x40  }
0x97: {  	[sflag:s31] =	ssyncset.done $0x0  }
0x98: {  	[sflag:s31] =	ssyncadd.s32 $0xFFFFFFC0  }
0x99: {  	[tilespmem:s1], [sflag:$0xA] =	stream.indirect.gather [hbm4b:s2+s17], $0x80, s25, s17, $0xb8;
	[tilespmem:$0xA280] =	vst v63  }
0x9a: {  	s14 =	simm.s32 @!p3 $0x80  }
0x9b: {  	[tilespmem:s14], [sflag:$0x2] =	stream.linear.gather @!p3 [hbm4b:s7+s8], $0x40, $0x38;
	[tilespmem:$0xA280] =	vst v63  }
0x9c: {  	_ =	swait.ge [sflag:s0], $0x2000  }
0x9d: {  	s18 =	rddreg [dreg:$0x5];
	[sflag:s0] =	ssyncset.done $0x0  }
0x9e: {  	s15 =	simm.s32 @!p3 $0xB;
	[sflag:s0] =	ssyncadd.s32 $0xFFFFE000;
	s14 =	sadd.s32 s13, s18  }
0x9f: {  	[hbm4b:s14+s3] =	stream.linear.scatter [tilespmem:s29], [sflag:$0xE], $0x2000, $0x38;
	[tilespmem:$0xA280] =	vst v63  }
0xa0: {  	_ =	swait.ge @!p3 [sflag:s15], $0x2000  }
0xa1: {  	[sflag:s15] =	ssyncset.done @!p3 $0x0  }
0xa2: {  	p2 =	seq.s32 s12, $0x0;
	s14 =	simm.s32 @!p3 $0x1;
	[sflag:s15] =	ssyncadd.s32 @!p3 $0xFFFFE000  }
0xa3: {  	s5 =	smov.u32 s12;
	s12 =	sadd.s32 $0x1400, s12;
	_ =	swait.ge @!p3 [sflag:s14], $0x40  }
0xa4: {  	p1 =	sne.s32 s12, $0x6400;
	[sflag:s14] =	ssyncset.done @!p3 $0x0  }
0xa5: {  	s18 =	simm.s32 @!p3 $0x280;
	s15 =	simm.s32 @!p3 $0x40;
	[sflag:s14] =	ssyncadd.s32 @!p3 $0xFFFFFFC0  }
0xa6: {  	[tilespmem:s18], [sflag:$0x6] =	stream.indirect.gather @!p3 [hbm4b:s2+s15], $0x80, s8, s15, $0xb8;
	[tilespmem:$0xA280] =	vst v63  }
.Ltmp0:
0xa7: {  	s11 =	sadd.s32 $0x28, s11;
	s14 =	simm.s32 @!p3 $0x100;
	(pc) =	sbr.rel @p1 .LBB2_2-.Ltmp0, $4  }
0xa8: {  	[tilespmem:s14], [sflag:$0x3] =	stream.linear.gather @!p3 [hbm4b:s16+s8], $0x40, $0x38;
	[tilespmem:$0xA280] =	vst v63  }
0xa9: {  	s10 =	sadd.s32 $0x28, s10;
	s9 =	sadd.s32 $0x140, s9;
	_ =	swait.ge [sflag:s6], $0x2000  }
0xaa: {  	p0 =	por p2, p2;
	s7 =	sadd.s32 $0x28, s7;
	[sflag:s6] =	ssyncset.done $0x0  }
0xab: {  	s16 =	sadd.s32 $0x28, s16;
	s8 =	rddreg [dreg:$0x4];
	[sflag:s6] =	ssyncadd.s32 $0xFFFFE000  }
0xac: {  	s8 =	sadd.s32 s13, s8  }
0xad: {  	[hbm4b:s8+s3] =	stream.linear.scatter [tilespmem:s1], [sflag:$0xF], $0x2000, $0x38;
	[tilespmem:$0xA280] =	vst v63  }
0xae: {  	s8 =	simm.s32 @!p0 $0xC  }
0xaf: {  	_ =	swait.ge @!p0 [sflag:s8], $0x2000  }
0xb0: {  	[sflag:s8] =	ssyncset.done @!p0 $0x0  }
0xb1: {  	[sflag:s8] =	ssyncadd.s32 @!p0 $0xFFFFE000  }
0xb2: {  	_ =	swait.ge [sflag:s19], $0x40  }
0xb3: {  	[sflag:s19] =	ssyncset.done $0x0  }
0xb4: {  	s18 =	simm.s32 $0x80;
	[sflag:s19] =	ssyncadd.s32 $0xFFFFFFC0  }
0xb5: {  	[tilespmem:s20], [sflag:$0x7] =	stream.indirect.gather [hbm4b:s2+s17], $0x80, s18, s17, $0xb8;
	[tilespmem:$0xA280] =	vst v63  }
0xb6: {  	_ = 	snop  }
0xb7: {  	[tilespmem:s21], [sflag:$0x4] =	stream.linear.gather [hbm4b:s11+s3], $0x40, $0x38;
	[tilespmem:$0xA280] =	vst v63  }
0xb8: {  	_ =	swait.ge [sflag:s22], $0x2000  }
0xb9: {  	s12 =	rddreg [dreg:$0x3];
	[sflag:s22] =	ssyncset.done $0x0  }
0xba: {  	s13 =	simm.s32 $0x280;
	[sflag:s22] =	ssyncadd.s32 $0xFFFFE000;
	s8 =	sadd.s32 s5, s12  }
0xbb: {  	[hbm4b:s8+s3] =	stream.linear.scatter [tilespmem:s13], [sflag:$0xB], $0x2000, $0x38;
	[tilespmem:$0xA280] =	vst v63  }
0xbc: {  	s8 =	simm.s32 @!p0 $0xD  }
0xbd: {  	_ =	swait.ge @!p0 [sflag:s8], $0x2000  }
0xbe: {  	[sflag:s8] =	ssyncset.done @!p0 $0x0  }
0xbf: {  	[sflag:s8] =	ssyncadd.s32 @!p0 $0xFFFFE000  }
0xc0: {  	_ =	swait.ge [sflag:s23], $0x40  }
0xc1: {  	[sflag:s23] =	ssyncset.done $0x0  }
0xc2: {  	s14 =	simm.s32 $0x100;
	[sflag:s23] =	ssyncadd.s32 $0xFFFFFFC0  }
0xc3: {  	[tilespmem:s24], [sflag:$0x8] =	stream.indirect.gather [hbm4b:s2+s17], $0x80, s14, s17, $0xb8;
	[tilespmem:$0xA280] =	vst v63  }
0xc4: {  	_ = 	snop  }
0xc5: {  	[tilespmem:s25], [sflag:$0x5] =	stream.linear.gather [hbm4b:s10+s3], $0x40, $0x38;
	[tilespmem:$0xA280] =	vst v63  }
0xc6: {  	_ =	swait.ge [sflag:s26], $0x2000  }
0xc7: {  	s15 =	rddreg [dreg:$0x7];
	[sflag:s26] =	ssyncset.done $0x0  }
0xc8: {  	[sflag:s26] =	ssyncadd.s32 $0xFFFFE000;
	s8 =	sadd.s32 s5, s15  }
0xc9: {  	[hbm4b:s8+s3] =	stream.linear.scatter [tilespmem:s20], [sflag:$0xC], $0x2000, $0x38;
	[tilespmem:$0xA280] =	vst v63  }
0xca: {  	s8 =	simm.s32 @!p0 $0xE  }
0xcb: {  	_ =	swait.ge @!p0 [sflag:s8], $0x2000  }
0xcc: {  	[sflag:s8] =	ssyncset.done @!p0 $0x0  }
0xcd: {  	[sflag:s8] =	ssyncadd.s32 @!p0 $0xFFFFE000  }
0xce: {  	_ =	swait.ge [sflag:s28], $0x40  }
0xcf: {  	p1 =	seq.s32 s5, $0x5000;
	[sflag:s28] =	ssyncset.done $0x0  }
0xd0: {  	s8 =	sshrl.u32 @!p1 s9, $0x3;
	[sflag:s28] =	ssyncadd.s32 $0xFFFFFFC0  }
0xd1: {  	[tilespmem:s29], [sflag:$0x9] =	stream.indirect.gather [hbm4b:s2+s17], $0x80, s21, s17, $0xb8;
	[tilespmem:$0xA280] =	vst v63  }
0xd2: {  	s9 =	simm.s32 @!p1 $0x0;
	s8 =	sadd.s32 @!p1 s4, s8  }
0xd3: {  	[tilespmem:s9], [sflag:$0x1] =	stream.linear.gather @!p1 [hbm4b:s8+s9], $0x40, $0x38;
	[tilespmem:$0xA280] =	vst v63  }
0xd4: {  	_ =	swait.ge [sflag:s30], $0x2000  }
0xd5: {  	s18 =	rddreg [dreg:$0x6];
	[sflag:s30] =	ssyncset.done $0x0  }
0xd6: {  	[sflag:s30] =	ssyncadd.s32 $0xFFFFE000;
	s8 =	sadd.s32 s5, s18  }
0xd7: {  	[hbm4b:s8+s3] =	stream.linear.scatter [tilespmem:s24], [sflag:$0xD], $0x2000, $0x38;
	[tilespmem:$0xA280] =	vst v63  }
0xd8: {  	s8 =	simm.s32 @!p0 $0xF  }
0xd9: {  	_ =	swait.ge @!p0 [sflag:s8], $0x2000  }
0xda: {  	[sflag:s8] =	ssyncset.done @!p0 $0x0  }
0xdb: {  	[sflag:s8] =	ssyncadd.s32 @!p0 $0xFFFFE000  }
0xdc: {  	_ =	swait.ge [sflag:s31], $0x40  }
0xdd: {  	[sflag:s31] =	ssyncset.done $0x0  }
0xde: {  	[sflag:s31] =	ssyncadd.s32 $0xFFFFFFC0  }
0xdf: {  	[tilespmem:s1], [sflag:$0xA] =	stream.indirect.gather [hbm4b:s2+s17], $0x80, s25, s17, $0xb8;
	[tilespmem:$0xA280] =	vst v63  }
0xe0: {  	s8 =	simm.s32 @!p1 $0x80  }
0xe1: {  	[tilespmem:s8], [sflag:$0x2] =	stream.linear.gather @!p1 [hbm4b:s7+s9], $0x40, $0x38;
	[tilespmem:$0xA280] =	vst v63  }
0xe2: {  	_ =	swait.ge [sflag:s0], $0x2000  }
0xe3: {  	s8 =	rddreg [dreg:$0x5];
	[sflag:s0] =	ssyncset.done $0x0  }
0xe4: {  	[sflag:s0] =	ssyncadd.s32 $0xFFFFE000;
	s7 =	sadd.s32 s5, s8;
	s8 =	simm.s32 @!p1 $0xB  }
0xe5: {  	[hbm4b:s7+s3] =	stream.linear.scatter [tilespmem:s29], [sflag:$0xE], $0x2000, $0x38;
	[tilespmem:$0xA280] =	vst v63  }
0xe6: {  	_ =	swait.ge @!p1 [sflag:s8], $0x2000  }
0xe7: {  	[sflag:s8] =	ssyncset.done @!p1 $0x0  }
0xe8: {  	s7 =	simm.s32 @!p1 $0x1;
	[sflag:s8] =	ssyncadd.s32 @!p1 $0xFFFFE000  }
0xe9: {  	_ =	swait.ge @!p1 [sflag:s7], $0x40  }
0xea: {  	[sflag:s7] =	ssyncset.done @!p1 $0x0  }
0xeb: {  	s8 =	simm.s32 @!p1 $0x40;
	[sflag:s7] =	ssyncadd.s32 @!p1 $0xFFFFFFC0;
	s7 =	simm.s32 @!p1 $0x280  }
0xec: {  	[tilespmem:s7], [sflag:$0x6] =	stream.indirect.gather @!p1 [hbm4b:s2+s8], $0x80, s9, s8, $0xb8;
	[tilespmem:$0xA280] =	vst v63  }
0xed: {  	s7 =	simm.s32 @!p1 $0x100  }
0xee: {  	[tilespmem:s7], [sflag:$0x3] =	stream.linear.gather @!p1 [hbm4b:s16+s9], $0x40, $0x38;
	[tilespmem:$0xA280] =	vst v63  }
0xef: {  	_ =	swait.ge [sflag:s6], $0x2000  }
0xf0: {  	s9 =	rddreg [dreg:$0x4];
	[sflag:s6] =	ssyncset.done $0x0  }
0xf1: {  	s11 =	simm.s32 $0xB;
	s10 =	sadd.s32 s5, s9;
	[sflag:s6] =	ssyncadd.s32 $0xFFFFE000  }
0xf2: {  	[hbm4b:s10+s3] =	stream.linear.scatter [tilespmem:s1], [sflag:$0xF], $0x2000, $0x38;
	[tilespmem:$0xA280] =	vst v63  }
0xf3: {  	_ =	swait.ge [sflag:s11], $0x2000  }
0xf4: {  	[sflag:s11] =	ssyncset.done $0x0  }
0xf5: {  	s12 =	simm.s32 $0xC;
	[sflag:s11] =	ssyncadd.s32 $0xFFFFE000  }
0xf6: {  	_ =	swait.ge [sflag:s12], $0x2000  }
0xf7: {  	[sflag:s12] =	ssyncset.done $0x0  }
0xf8: {  	s13 =	simm.s32 $0xD;
	[sflag:s12] =	ssyncadd.s32 $0xFFFFE000  }
0xf9: {  	_ =	swait.ge [sflag:s13], $0x2000  }
0xfa: {  	[sflag:s13] =	ssyncset.done $0x0  }
0xfb: {  	s14 =	simm.s32 $0xE;
	[sflag:s13] =	ssyncadd.s32 $0xFFFFE000  }
0xfc: {  	_ =	swait.ge [sflag:s14], $0x2000  }
0xfd: {  	[sflag:s14] =	ssyncset.done $0x0  }
0xfe: {  	s15 =	simm.s32 $0xF;
	[sflag:s14] =	ssyncadd.s32 $0xFFFFE000  }
0xff: {  	_ =	swait.ge [sflag:s15], $0x2000  }
0x100: {  	s16 =	rddreg [dreg:$0x11]  }
0x101: {  	s18 =	rddreg [dreg:$0xb];
	s8 =	sadd.s32 $0x1, s16  }
0x102: {  	p0 =	sne.s32 s8, s18  }
.Ltmp1:
0x103: {  	_ = 	snop;
	(pc) =	sbr.rel @p0 .LBB2_1-.Ltmp1, $3  }
0x104: {  	_ =	sdelay $0x1  }
0x105: {  	[sflag:s15] =	ssyncset.done $0x0  }
0x106: {  	[sflag:s15] =	ssyncadd.s32 $0xFFFFE000  }
0x107: {  	_ =	sfence.sel $0x180000  }
0x108: {  	[bflag:$0x0] =	sbarrier.arrive $0xFFFF  }
0x109: {  	_ =	strace $0x90000050  }
0x10a: {  	s0 =	stileid.u32;
	[bflag:$0x2] =	sbarrier.arrive $0xFFFF  }
0x10b: {  	p0 =	sne.s32 s0, $0x0;
	s0 =	rddreg [dreg:$0x2]  }
0x10c: {  	s0 =	sadd.s32 @!p0 $0x100000, s0  }
0x10d: {  	[sflag:s0] =	ssyncadd.tile.s32 @!p0 $0x1;
	_ =	shalt  }
.Lfunc_end2:
_tile_overlayer_lowered:
.L_overlay_start_2:
0x10e: {  	(tag) =	ssettag $0x2  }
0x10f: {  	s0 =	rddreg [dreg:$0x0];
	s2 =	stileid.u32  }
0x110: {  	s1 =	rddreg [dreg:$0x1];
	p0 =	sne.s32 s2, $0x0  }
0x111: {  	s3 =	rddreg [dreg:$0x2];
	[bflag:$0x3] =	sbarrier.arrive $0xFFFF;
	s2 =	simm.s32 @!p0 $0x1C10  }
0x112: {  	[timem:s3], [sflag:s2] =	dma.local @!p0 [hbm:s0], s1  }
0x113: {  	s0 =	simm.s32 @!p0 $0x10  }
0x114: {  	_ =	swait.ge @!p0 [sflag:s0], s1  }
0x115: {  	s1 =	ssub.s32 @!p0 $0x0, s1;
	[sflag:s0] =	ssyncset.done @!p0 $0x0  }
0x116: {  	[sflag:s0] =	ssyncadd.s32 @!p0 s1  }
0x117: {  	[bflag:$0x3] =	sbarrier.arrive $0xFFFF  }
0x118: {  	_ =	shalt  }

// kernel: kernel.13.cloned.1.call-start
scs
__scs_entry_jumppad:
0x0: {  	(pc) =	sbr.rel $0x88, $3  }
0x1: {  	(tag) =	ssettag $0x0;
	lr =	simm.s32 $0x1  }
0x2: {  	[smem:$0x3F9F] =	sst lr;
	_ =	strace $0xD0000000  }
0x3: {  	_ = 	snop  }
0x4: {  	_ = 	snop  }
0x5: {  	_ = 	snop  }
0x6: {  	_ = 	snop  }
0x7: {  	_ = 	snop  }
__scs_overlays_trampoline_lowered:
0x8: {  	[smem:$0x3FAE] =	sst s0  }
0x9: {  	[smem:$0x3FAF] =	sst s1  }
0xa: {  	[smem:$0x3FB0] =	sst s2  }
0xb: {  	[smem:$0x3FB1] =	sst s3  }
0xc: {  	[smem:$0x3FB2] =	sst s4  }
0xd: {  	[smem:$0x3FB3] =	sst s5  }
0xe: {  	[smem:$0x3FB4] =	sst s6  }
0xf: {  	[smem:$0x3FB5] =	sst s7  }
0x10: {  	[smem:$0x3FB6] =	sst s8  }
0x11: {  	[smem:$0x3FB7] =	sst s9;
	s0 =	simm.s32 @!p0 $0x0  }
0x12: {  	s1 =	sld [smem:$0x3F9D];
	s0 =	simm.s32 @p0 $0x1  }
0x13: {  	[smem:$0x3FB8] =	sst s0;
	s0 =	simm.s32 @!p1 $0x0  }
0x14: {  	s2 =	sld [smem:$0x3F9C];
	s0 =	simm.s32 @p1 $0x1  }
0x15: {  	[smem:$0x3FB9] =	sst s0;
	s0 =	simm.s32 @!p2 $0x0  }
0x16: {  	s3 =	sld [smem:$0x3FDB];
	s0 =	simm.s32 @p2 $0x1  }
0x17: {  	s4 =	simm.s32 $0x1BF5;
	[smem:$0x3FBB] =	sst s0  }
0x18: {  	s0 =	sld [smem:$0x3F9E];
	_ =	swait.ge [sflag:s4], $0x0  }
0x19: {  	s7 =	sld [smem:$0x3F9F]  }
0x1a: {  	s8 =	sadd.s32 $0xFFFFE003, lr  }
0x1b: {  	s9 =	sadd.s32 $0xFFFFFEF7, lr;
	s5 =	simm.s32 $0xFFFFFFFF;
	p2 =	slt.u32 s8, $0xFFFFF086  }
0x1c: {  	p1 =	slt.u32 s9, $0xF7A;
	s5 =	simm.s32 @!p2 $0x0  }
0x1d: {  	s5 =	simm.s32 @p1 $0x1;
	p0 =	seq.s32 s7, s2  }
0x1e: {  	s7 =	smul.u32 @!p0 $0xF7A, s2;
	p2 =	seq.s32 @!p0 s5, $0x0  }
0x1f: {  	s9 =	smul.u32 $0xF7A, s1;
	s8 =	simm.s32 @!p0 $0x1BF5;
	p2 =	por !p2, p0  }
0x20: {  	[sflag:s8] =	ssyncset.s32 @!p0 $0xFFFFF086;
	s6 =	sadd.s32 @!p0 s3, s7;
	s7 =	simm.s32 @!p0 $0x108  }
0x21: {  	s3 =	sadd.s32 s3, s9;
	s6 =	sadd.s32 @!p0 $0x88, s6;
	s7 =	simm.s32 @p2 $0x1082  }
0x22: {  	[simem:s7], [sflag:s8] =	dma.local @!p0 [hbm:s6], $0xF7A  }
0x23: {  	s9 =	sor.u32 $0xD0000000, s2;
	s6 =	simm.s32 $0x108;
	_ =	swait.ge @!p0 [sflag:s8], $0x0  }
0x24: {  	s3 =	sadd.s32 $0x88, s3;
	s6 =	simm.s32 @!p1 $0x1082;
	[sflag:s4] =	ssyncset.s32 $0xFFFFF086  }
0x25: {  	[simem:s6], [sflag:s4] =	dma.local [hbm:s3], $0xF7A  }
0x26: {  	[smem:$0x3F9F] =	sst s1;
	(tag) =	ssettag s2;
	_ =	strace s9  }
0x27: {  	s1 =	sld [smem:$0x3FAF]  }
0x28: {  	s2 =	sld [smem:$0x3FB0]  }
0x29: {  	s4 =	sld [smem:$0x3FB2]  }
0x2a: {  	p0 =	seq.s32 s5, $0x0;
	s5 =	sld [smem:$0x3FB3]  }
0x2b: {  	s6 =	sld [smem:$0x3FB4]  }
0x2c: {  	s7 =	sld [smem:$0x3FB5]  }
0x2d: {  	s3 =	simm.s32 $0x108;
	s8 =	sld [smem:$0x3FB6]  }
0x2e: {  	s3 =	simm.s32 @!p0 $0x1082;
	s9 =	sld [smem:$0x3FB7]  }
0x2f: {  	lr =	sadd.s32 s0, s3;
	s0 =	sld [smem:$0x3FAE]  }
0x30: {  	s3 =	sld [smem:$0x3FB1]  }
0x31: {  	[smem:$0x3FBA] =	sst s10  }
0x32: {  	s10 =	sld [smem:$0x3FB8];
	_ =	sdelay $0x3  }
0x33: {  	p0 =	seq.s32 s10, $0x1;
	s10 =	sld [smem:$0x3FBA];
	_ =	sdelay $0x3  }
0x34: {  	[smem:$0x3FBA] =	sst s10  }
0x35: {  	s10 =	sld [smem:$0x3FB9];
	_ =	sdelay $0x3  }
0x36: {  	p1 =	seq.s32 s10, $0x1;
	s10 =	sld [smem:$0x3FBA];
	_ =	sdelay $0x3  }
0x37: {  	[smem:$0x3FBA] =	sst s10  }
0x38: {  	s10 =	sld [smem:$0x3FBB]  }
0x39: {  	_ = 	snop;
	(pc) =	sbr.ind lr, $3  }
0x3a: {  	_ = 	snop  }
0x3b: {  	_ = 	snop  }
0x3c: {  	p2 =	seq.s32 s10, $0x1;
	s10 =	sld [smem:$0x3FBA]  }
0x3d: {  	_ =	shalt  }
0x3e: {  	_ =	shalt  }
0x3f: {  	_ =	shalt  }
0x40: {  	_ =	shalt  }
0x41: {  	_ =	shalt  }
0x42: {  	_ =	shalt  }
0x43: {  	_ =	shalt  }
0x44: {  	_ =	shalt  }
0x45: {  	_ =	shalt  }
0x46: {  	_ =	shalt  }
0x47: {  	_ =	shalt  }
0x48: {  	_ =	shalt  }
0x49: {  	_ =	shalt  }
0x4a: {  	_ =	shalt  }
0x4b: {  	_ =	shalt  }
0x4c: {  	_ =	shalt  }
0x4d: {  	_ =	shalt  }
0x4e: {  	_ =	shalt  }
0x4f: {  	_ =	shalt  }
0x50: {  	_ =	shalt  }
0x51: {  	_ =	shalt  }
0x52: {  	_ =	shalt  }
0x53: {  	_ =	shalt  }
0x54: {  	_ =	shalt  }
0x55: {  	_ =	shalt  }
0x56: {  	_ =	shalt  }
0x57: {  	_ =	shalt  }
0x58: {  	_ =	shalt  }
0x59: {  	_ =	shalt  }
0x5a: {  	_ =	shalt  }
0x5b: {  	_ =	shalt  }
0x5c: {  	_ =	shalt  }
0x5d: {  	_ =	shalt  }
0x5e: {  	_ =	shalt  }
0x5f: {  	_ =	shalt  }
0x60: {  	_ =	shalt  }
0x61: {  	_ =	shalt  }
0x62: {  	_ =	shalt  }
0x63: {  	_ =	shalt  }
0x64: {  	_ =	shalt  }
0x65: {  	_ =	shalt  }
0x66: {  	_ =	shalt  }
0x67: {  	_ =	shalt  }
0x68: {  	_ =	shalt  }
0x69: {  	_ =	shalt  }
0x6a: {  	_ =	shalt  }
0x6b: {  	_ =	shalt  }
0x6c: {  	_ =	shalt  }
0x6d: {  	_ =	shalt  }
0x6e: {  	_ =	shalt  }
0x6f: {  	_ =	shalt  }
0x70: {  	_ =	shalt  }
0x71: {  	_ =	shalt  }
0x72: {  	_ =	shalt  }
0x73: {  	_ =	shalt  }
0x74: {  	_ =	shalt  }
0x75: {  	_ =	shalt  }
0x76: {  	_ =	shalt  }
0x77: {  	_ =	shalt  }
0x78: {  	_ =	shalt  }
0x79: {  	_ =	shalt  }
0x7a: {  	_ =	shalt  }
0x7b: {  	_ =	shalt  }
0x7c: {  	_ =	shalt  }
0x7d: {  	_ =	shalt  }
0x7e: {  	_ =	shalt  }
0x7f: {  	_ =	shalt  }
0x80: {  	_ =	shalt  }
0x81: {  	_ =	shalt  }
0x82: {  	_ =	shalt  }
0x83: {  	_ =	shalt  }
0x84: {  	_ =	shalt  }
0x85: {  	_ =	shalt  }
0x86: {  	_ =	shalt  }
0x87: {  	_ =	shalt  }
.Lfunc_end0:
.L_simem_size_0:
called_computation.1_lowered:
.L_overlay_start_0:
0x88: {  	s2 =	sld [smem:$0x3FD9]  }
0x89: {  	s3 =	sld [smem:$0x3FFE];
	_ =	sdelay $0x1  }
0x8a: {  	s1 =	srdreg.scid  }
0x8b: {  	s0 =	sand.u32 $0x1, s1  }
0x8c: {  	s17 =	sshll.u32 s0, $0xA;
	s2 =	sadd.s32 s3, s2  }
0x8d: {  	s2 =	sadd.s32 s2, s17  }
0x8e: {  	[smem:$0x3FC6] =	sst s2  }
0x8f: {  	_ = 	snop  }
0x90: {  	s2 =	sld [smem:$0x3FC8];
	(tm) =	ssettm $0x1  }
0x91: {  	s18 =	sld [smem:$0x3FFB];
	_ =	sdelay $0x3  }
0x92: {  	_ =	strace s18  }
0x93: {  	s3 =	sld [smem:$0x3FFC];
	_ =	sdelay $0x3  }
0x94: {  	_ =	strace s3  }
0x95: {  	s3 =	sld [smem:$0x3FFD];
	_ =	sdelay $0x3  }
0x96: {  	_ =	strace s3  }
0x97: {  	_ =	strace $0x8FFFFFFF  }
0x98: {  	s19 =	sld [smem:$0x3FDB];
	_ =	sdelay $0x1  }
0x99: {  	s4 =	simm.s32 $_scs_section_size  }
0x9a: {  	s5 =	simm.s32 $_size__tile_overlayer_lowered;
	s6 =	simm.s32 $_tile_overlayer_lowered  }
0x9b: {  	s22 =	simm.s32 $0x1BFF;
	s21 =	sshll.u32 s6, $0x1;
	s3 =	sadd.s32 s4, s19  }
0x9c: {  	s7 =	simm.s32 $0x0;
	s20 =	sshll.u32 s5, $0x1;
	s5 =	sadd.s32 s21, s3  }
0x9d: {  	[timem:s7], [sflag:s22] =	dma.local [hbm:s5], s20  }
0x9e: {  	_ =	swait.ge [sflag:s22], s20  }
0x9f: {  	s4 =	ssub.s32 $0x0, s20;
	[sflag:s22] =	ssyncset.done $0x0  }
0xa0: {  	[sflag:s22] =	ssyncadd.s32 s4;
	_ =	sdelay $0x1  }
0xa1: {  	s23 =	simm.s32 $0x1B8B  }
0xa2: {  	_ =	swait.ge [sflag:s23], $0x1  }
0xa3: {  	[sflag:s23] =	ssyncset.done $0x0  }
0xa4: {  	s25 =	simm.s32 $0x1B8E;
	s24 =	sld [smem:$0x3FFE];
	[sflag:s23] =	ssyncadd.s32 $0xFFFFFFFF  }
0xa5: {  	s26 =	simm.s32 $execute0_lowered;
	[smem:$0x3FD2] =	sst s25  }
0xa6: {  	s5 =	sshll.u32 s26, $0x1;
	_ =	strace $0x80000046;
	[dreg:$0x1] =	wrdreg $0xFFFFFFFF  }
0xa7: {  	s28 =	simm.s32 $_size_execute0_lowered;
	s3 =	sadd.s32 s3, s5;
	[dreg:$0x0] =	wrdreg $0x0  }
0xa8: {  	s5 =	sshll.u32 s28, $0x1;
	[dreg:$0x2] =	wrdreg s3  }
0xa9: {  	[dreg:$0x3] =	wrdreg s5  }
0xaa: {  	[dreg:$0x4] =	wrdreg $0xC0  }
0xab: {  	_ =	task [dreg:s7], $0x5FFFF  }
0xac: {  	[dreg:$0x1] =	wrdreg $0xFFFFFFFF  }
0xad: {  	[dreg:$0x0] =	wrdreg $0x60  }
0xae: {  	[dreg:$0x2] =	wrdreg s24  }
0xaf: {  	[dreg:$0x3] =	wrdreg s2  }
0xb0: {  	[dreg:$0x4] =	wrdreg $0xA  }
0xb1: {  	_ =	task.clear_ibuf [dreg:s7], $0x5FFFF;
	_ =	strace $0x90000046  }
0xb2: {  	s29 =	simm.s32 $0xA;
	_ =	strace $0x80000048  }
0xb3: {  	_ =	swait.ge [sflag:s29], $0x1  }
0xb4: {  	[sflag:s29] =	ssyncadd.s32 $0xFFFFFFFF  }
0xb5: {  	_ =	strace $0x90000048  }
0xb6: {  	_ =	sfence  }
0xb7: {  	s30 =	sld [smem:$0x0];
	_ =	sdelay $0x2  }
0xb8: {  	s31 =	sshll.u32 s1, $0xD;
	s1 =	sshrl.u32 s1, $0x2  }
0xb9: {  	s3 =	sand.u32 $0x4000, s31;
	s1 =	sadd.s32 s1, s30  }
0xba: {  	s0 =	sor.u32 s3, s0;
	s1 =	sshll.u32 s1, $0x11  }
0xbb: {  	s0 =	sor.u32 s1, s0  }
0xbc: {  	s0 =	sadd.s32 $0x8F2B, s0  }
0xbd: {  	[sflag:s0] =	ssyncadd.remote.s32 $0x1  }
0xbe: {  	_ =	sfence.sel $0xFFFF  }
0xbf: {  	[dreg:$0x0] =	wrdreg $0xFFFFFFFF;
	(pc) =	sbr.abs _section_cstart, $3  }
0xc0: {  	[dreg:$0x1] =	wrdreg $0xFFFFFFFF  }
0xc1: {  	_ =	task.clear_ibuf [dreg:s7], $0x2FFFF;
	_ =	strace $0x9FFFFFFF  }
0xc2: {  	(tm) =	ssettm $0x7FFFFFFF  }
0xc3: {  	_ =	shalt  }
tec
execute0_lowered:
.L_overlay_start_1:
0x0: {  	(tag) =	ssettag $0x1  }
0x1: {  	s0 =	rddreg [dreg:$0x0]  }
0x2: {  	s1 =	srdreg.scid;
	s9 =	stileid.u32  }
0x3: {  	s2 =	rddreg [dreg:$0x1];
	s3 =	simm.s32 $0x0;
	s7 =	smul.u32 $0xC80, s9  }
0x4: {  	s28 =	simm.s32 $0x4;
	s29 =	simm.s32 $0x6280;
	s11 =	smul.u32 $0xC800, s9  }
0x5: {  	s30 =	simm.s32 $0x8;
	s1 =	sand.u32 $0x1, s1;
	s13 =	smul.u32 $0x64000, s9  }
0x6: {  	s31 =	simm.s32 $0x5;
	s4 =	sshll.u32 s9, $0x1;
	s25 =	smul.u32 $0x640, s1  }
0x7: {  	[smem:$0x7FF] =	sst s3;
	s4 =	sor.u32 s1, s4;
	s15 =	smul.u32 $0x32000, s1  }
0x8: {  	_ =	strace $0x80000047;
	s6 =	ssub.s32 $0x2, s1;
	s5 =	smul.u32 $0x640, s4  }
0x9: {  	s4 =	sadd.s32 $0x2A00, s0;
	s8 =	sshrl.u32 s6, $0x1;
	s0 =	sadd.s32 $0x4400, s0  }
0xa: {  	s1 =	smul.u32 $0x6400, s1;
	s6 =	ssub.s32 s6, s8;
	s17 =	sadd.s32 s11, s0  }
0xb: {  	s18 =	sadd.s32 s15, s13;
	s8 =	simm.s32 $0x0;
	s5 =	sshrl.u32 s5, $0x3  }
0xc: {  	s6 =	smax.u32 s6, $0x1;
	s1 =	sadd.s32 s1, s17;
	s20 =	sadd.s32 $0x8000, s18  }
0xd: {  	s22 =	sadd.s32 $0x6000, s18;
	s17 =	simm.s32 $0x40;
	[dreg:$0xb] =	wrdreg s6  }
0xe: {  	s10 =	sadd.s32 s4, s5;
	s5 =	sadd.s32 s25, s7;
	[dreg:$0x3] =	wrdreg s1  }
0xf: {  	s21 =	sshrl.u32 s20, $0x3;
	s25 =	sadd.s32 $0x4000, s18;
	s20 =	simm.s32 $0x2280  }
0x10: {  	s26 =	sadd.s32 $0x8, s10;
	[dreg:$0x8] =	wrdreg s10;
	s10 =	sadd.s32 $0x10, s10  }
0x11: {  	s12 =	sadd.s32 $0x1C0, s5;
	s14 =	sadd.s32 $0x180, s5;
	s19 =	sadd.s32 $0x140, s5  }
0x12: {  	s1 =	sadd.s32 s21, s0;
	s23 =	sadd.s32 $0x100, s5;
	[dreg:$0x9] =	wrdreg s26  }
0x13: {  	s5 =	sadd.s32 $0xC0, s5;
	s21 =	simm.s32 $0x180;
	[dreg:$0xa] =	wrdreg s10  }
0x14: {  	s6 =	sshrl.u32 s12, $0x3;
	s16 =	sshrl.u32 s14, $0x3;
	[dreg:$0xe] =	wrdreg s19  }
0x15: {  	[dreg:$0x4] =	wrdreg s1;
	s24 =	sshrl.u32 s23, $0x3;
	s26 =	sadd.s32 $0x2000, s18  }
0x16: {  	s5 =	sshrl.u32 s5, $0x3;
	s19 =	simm.s32 $0x2;
	s6 =	sadd.s32 s6, s4  }
0x17: {  	s23 =	simm.s32 $0x3;
	s1 =	sadd.s32 s24, s4;
	[dreg:$0xc] =	wrdreg s6  }
0x18: {  	s5 =	sadd.s32 s5, s4;
	s24 =	simm.s32 $0x4280;
	[dreg:$0xf] =	wrdreg s1  }
0x19: {  	s6 =	sadd.s32 s16, s4;
	s1 =	sshrl.u32 s25, $0x3;
	[dreg:$0x10] =	wrdreg s5  }
0x1a: {  	[dreg:$0xd] =	wrdreg s6;
	s6 =	sshrl.u32 s22, $0x3;
	s1 =	sadd.s32 s1, s0  }
0x1b: {  	s25 =	simm.s32 $0x200;
	s6 =	sadd.s32 s6, s0;
	[dreg:$0x6] =	wrdreg s1  }
0x1c: {  	s22 =	simm.s32 $0x6;
	[dreg:$0x5] =	wrdreg s6;
	s6 =	sshrl.u32 s26, $0x3  }
0x1d: {  	s1 =	simm.s32 $0x8280;
	s26 =	simm.s32 $0x7;
	s0 =	sadd.s32 s6, s0  }
0x1e: {  	s6 =	simm.s32 $0xA;
	[dreg:$0x7] =	wrdreg s0;
	s0 =	simm.s32 $0x9  }
.LBB2_1:
0x1f: {  	[dreg:$0x11] =	wrdreg s8  }
0x20: {  	s5 =	rddreg [dreg:$0x8]  }
0x21: {  	[tilespmem:s3], [sflag:$0x1] =	stream.linear.gather [hbm4b:s5+s3], $0x40, $0x38;
	[tilespmem:$0xA280] =	vst v63  }
0x22: {  	s10 =	rddreg [dreg:$0x9];
	s7 =	simm.s32 $0x80  }
0x23: {  	[tilespmem:s7], [sflag:$0x2] =	stream.linear.gather [hbm4b:s10+s3], $0x40, $0x38;
	[tilespmem:$0xA280] =	vst v63  }
0x24: {  	s11 =	rddreg [dreg:$0xa];
	s12 =	simm.s32 $0x100;
	s13 =	simm.s32 $0x1  }
0x25: {  	[tilespmem:s12], [sflag:$0x3] =	stream.linear.gather [hbm4b:s11+s3], $0x40, $0x38;
	[tilespmem:$0xA280] =	vst v63  }
0x26: {  	p0 =	por $0x1, $0x1;
	_ =	swait.ge [sflag:s13], $0x40  }
0x27: {  	p0 =	por p0, p0;
	[sflag:s13] =	ssyncset.done $0x0  }
0x28: {  	s9 =	simm.s32 $0x280;
	s5 =	simm.s32 @!p0 $0xC;
	[sflag:s13] =	ssyncadd.s32 $0xFFFFFFC0  }
0x29: {  	[tilespmem:s9], [sflag:$0x6] =	stream.indirect.gather [hbm4b:s2+s17], $0x80, s3, s17, $0xb8;
	[tilespmem:$0xA280] =	vst v63  }
0x2a: {  	_ =	swait.ge @!p0 [sflag:s5], $0x2000  }
0x2b: {  	[sflag:s5] =	ssyncset.done @!p0 $0x0  }
0x2c: {  	[sflag:s5] =	ssyncadd.s32 @!p0 $0xFFFFE000  }
0x2d: {  	_ =	swait.ge [sflag:s19], $0x40  }
0x2e: {  	[sflag:s19] =	ssyncset.done $0x0  }
0x2f: {  	[sflag:s19] =	ssyncadd.s32 $0xFFFFFFC0  }
0x30: {  	[tilespmem:s20], [sflag:$0x7] =	stream.indirect.gather [hbm4b:s2+s17], $0x80, s7, s17, $0xb8;
	[tilespmem:$0xA280] =	vst v63  }
0x31: {  	s11 =	rddreg [dreg:$0x10]  }
0x32: {  	[tilespmem:s21], [sflag:$0x4] =	stream.linear.gather [hbm4b:s11+s3], $0x40, $0x38;
	[tilespmem:$0xA280] =	vst v63  }
0x33: {  	_ =	swait.ge [sflag:s22], $0x2000  }
0x34: {  	s14 =	rddreg [dreg:$0x3];
	[sflag:s22] =	ssyncset.done $0x0  }
0x35: {  	s7 =	simm.s32 @!p0 $0xD;
	[sflag:s22] =	ssyncadd.s32 $0xFFFFE000;
	s5 =	sadd.s32 $0x0, s14  }
0x36: {  	[hbm4b:s5+s3] =	stream.linear.scatter [tilespmem:s9], [sflag:$0xB], $0x2000, $0x38;
	[tilespmem:$0xA280] =	vst v63  }
0x37: {  	_ =	swait.ge @!p0 [sflag:s7], $0x2000  }
0x38: {  	[sflag:s7] =	ssyncset.done @!p0 $0x0  }
0x39: {  	[sflag:s7] =	ssyncadd.s32 @!p0 $0xFFFFE000  }
0x3a: {  	_ =	swait.ge [sflag:s23], $0x40  }
0x3b: {  	[sflag:s23] =	ssyncset.done $0x0  }
0x3c: {  	[sflag:s23] =	ssyncadd.s32 $0xFFFFFFC0  }
0x3d: {  	[tilespmem:s24], [sflag:$0x8] =	stream.indirect.gather [hbm4b:s2+s17], $0x80, s12, s17, $0xb8;
	[tilespmem:$0xA280] =	vst v63  }
0x3e: {  	s10 =	rddreg [dreg:$0xf]  }
0x3f: {  	[tilespmem:s25], [sflag:$0x5] =	stream.linear.gather [hbm4b:s10+s3], $0x40, $0x38;
	[tilespmem:$0xA280] =	vst v63  }
0x40: {  	_ =	swait.ge [sflag:s26], $0x2000  }
0x41: {  	s15 =	rddreg [dreg:$0x7];
	[sflag:s26] =	ssyncset.done $0x0  }
0x42: {  	s7 =	simm.s32 @!p0 $0xE;
	[sflag:s26] =	ssyncadd.s32 $0xFFFFE000;
	s5 =	sadd.s32 $0x0, s15  }
0x43: {  	[hbm4b:s5+s3] =	stream.linear.scatter [tilespmem:s20], [sflag:$0xC], $0x2000, $0x38;
	[tilespmem:$0xA280] =	vst v63  }
0x44: {  	_ =	swait.ge @!p0 [sflag:s7], $0x2000  }
0x45: {  	[sflag:s7] =	ssyncset.done @!p0 $0x0  }
0x46: {  	[sflag:s7] =	ssyncadd.s32 @!p0 $0xFFFFE000  }
0x47: {  	_ =	swait.ge [sflag:s28], $0x40  }
0x48: {  	p1 =	por $0x0, $0x0;
	[sflag:s28] =	ssyncset.done $0x0;
	s14 =	rddreg [dreg:$0xe]  }
0x49: {  	[sflag:s28] =	ssyncadd.s32 $0xFFFFFFC0;
	s5 =	sshrl.u32 @!p1 s14, $0x3  }
0x4a: {  	[tilespmem:s29], [sflag:$0x9] =	stream.indirect.gather [hbm4b:s2+s17], $0x80, s21, s17, $0xb8;
	[tilespmem:$0xA280] =	vst v63  }
0x4b: {  	s7 =	simm.s32 @!p1 $0x0;
	s5 =	sadd.s32 @!p1 s4, s5  }
0x4c: {  	[tilespmem:s7], [sflag:$0x1] =	stream.linear.gather @!p1 [hbm4b:s5+s7], $0x40, $0x38;
	[tilespmem:$0xA280] =	vst v63  }
0x4d: {  	_ =	swait.ge [sflag:s30], $0x2000  }
0x4e: {  	s16 =	rddreg [dreg:$0x6];
	[sflag:s30] =	ssyncset.done $0x0  }
0x4f: {  	s8 =	simm.s32 @!p0 $0xF;
	[sflag:s30] =	ssyncadd.s32 $0xFFFFE000;
	s5 =	sadd.s32 $0x0, s16  }
0x50: {  	[hbm4b:s5+s3] =	stream.linear.scatter [tilespmem:s24], [sflag:$0xD], $0x2000, $0x38;
	[tilespmem:$0xA280] =	vst v63  }
0x51: {  	_ =	swait.ge @!p0 [sflag:s8], $0x2000  }
0x52: {  	[sflag:s8] =	ssyncset.done @!p0 $0x0  }
0x53: {  	[sflag:s8] =	ssyncadd.s32 @!p0 $0xFFFFE000  }
0x54: {  	_ =	swait.ge [sflag:s31], $0x40  }
0x55: {  	[sflag:s31] =	ssyncset.done $0x0  }
0x56: {  	[sflag:s31] =	ssyncadd.s32 $0xFFFFFFC0  }
0x57: {  	[tilespmem:s1], [sflag:$0xA] =	stream.indirect.gather [hbm4b:s2+s17], $0x80, s25, s17, $0xb8;
	[tilespmem:$0xA280] =	vst v63  }
0x58: {  	s5 =	simm.s32 @!p1 $0x80;
	s13 =	rddreg [dreg:$0xd]  }
0x59: {  	[tilespmem:s5], [sflag:$0x2] =	stream.linear.gather @!p1 [hbm4b:s13+s7], $0x40, $0x38;
	[tilespmem:$0xA280] =	vst v63  }
0x5a: {  	_ =	swait.ge [sflag:s0], $0x2000  }
0x5b: {  	s18 =	rddreg [dreg:$0x5];
	[sflag:s0] =	ssyncset.done $0x0  }
0x5c: {  	s8 =	simm.s32 @!p1 $0xB;
	[sflag:s0] =	ssyncadd.s32 $0xFFFFE000;
	s5 =	sadd.s32 $0x0, s18  }
0x5d: {  	[hbm4b:s5+s3] =	stream.linear.scatter [tilespmem:s29], [sflag:$0xE], $0x2000, $0x38;
	[tilespmem:$0xA280] =	vst v63  }
0x5e: {  	_ =	swait.ge @!p1 [sflag:s8], $0x2000  }
0x5f: {  	[sflag:s8] =	ssyncset.done @!p1 $0x0  }
0x60: {  	s5 =	simm.s32 @!p1 $0x1;
	[sflag:s8] =	ssyncadd.s32 @!p1 $0xFFFFE000  }
0x61: {  	p6 =	por $0x0, $0x0;
	s11 =	sadd.s32 $0x28, s11;
	_ =	swait.ge @!p1 [sflag:s5], $0x40  }
0x62: {  	s9 =	simm.s32 @!p1 $0x280;
	s12 =	simm.s32 $0x2800;
	[sflag:s5] =	ssyncset.done @!p1 $0x0  }
0x63: {  	s10 =	sadd.s32 $0x28, s10;
	s8 =	simm.s32 @!p1 $0x40;
	[sflag:s5] =	ssyncadd.s32 @!p1 $0xFFFFFFC0  }
0x64: {  	[tilespmem:s9], [sflag:$0x6] =	stream.indirect.gather @!p1 [hbm4b:s2+s8], $0x80, s7, s8, $0xb8;
	[tilespmem:$0xA280] =	vst v63  }
0x65: {  	p0 =	por p6, p6;
	s5 =	simm.s32 @!p1 $0x100;
	s9 =	rddreg [dreg:$0xc]  }
0x66: {  	[tilespmem:s5], [sflag:$0x3] =	stream.linear.gather @!p1 [hbm4b:s9+s7], $0x40, $0x38;
	[tilespmem:$0xA280] =	vst v63  }
0x67: {  	s16 =	sadd.s32 $0x28, s9;
	s5 =	simm.s32 $0x1400;
	_ =	swait.ge [sflag:s6], $0x2000  }
0x68: {  	s7 =	sadd.s32 $0x28, s13;
	s9 =	sadd.s32 $0x140, s14;
	[sflag:s6] =	ssyncset.done $0x0  }
0x69: {  	s13 =	simm.s32 $0x0;
	s8 =	rddreg [dreg:$0x4];
	[sflag:s6] =	ssyncadd.s32 $0xFFFFE000  }
.LBB2_2:
0x6a: {  	s14 =	simm.s32 @!p0 $0xC;
	s8 =	sadd.s32 s13, s8  }
0x6b: {  	[hbm4b:s8+s3] =	stream.linear.scatter [tilespmem:s1], [sflag:$0xF], $0x2000, $0x38;
	[tilespmem:$0xA280] =	vst v63  }
0x6c: {  	_ =	swait.ge @!p0 [sflag:s14], $0x2000  }
0x6d: {  	[sflag:s14] =	ssyncset.done @!p0 $0x0  }
0x6e: {  	[sflag:s14] =	ssyncadd.s32 @!p0 $0xFFFFE000  }
0x6f: {  	_ =	swait.ge [sflag:s19], $0x40  }
0x70: {  	[sflag:s19] =	ssyncset.done $0x0  }
0x71: {  	s14 =	simm.s32 $0x80;
	[sflag:s19] =	ssyncadd.s32 $0xFFFFFFC0  }
0x72: {  	[tilespmem:s20], [sflag:$0x7] =	stream.indirect.gather [hbm4b:s2+s17], $0x80, s14, s17, $0xb8;
	[tilespmem:$0xA280] =	vst v63  }
0x73: {  	_ = 	snop  }
0x74: {  	[tilespmem:s21], [sflag:$0x4] =	stream.linear.gather [hbm4b:s11+s3], $0x40, $0x38;
	[tilespmem:$0xA280] =	vst v63  }
0x75: {  	s13 =	smov.u32 s5;
	_ =	swait.ge [sflag:s22], $0x2000  }
0x76: {  	s14 =	simm.s32 @!p0 $0xD;
	s15 =	rddreg [dreg:$0x3];
	[sflag:s22] =	ssyncset.done $0x0  }
0x77: {  	[sflag:s22] =	ssyncadd.s32 $0xFFFFE000;
	s8 =	sadd.s32 s13, s15;
	s15 =	simm.s32 $0x280  }
0x78: {  	[hbm4b:s8+s3] =	stream.linear.scatter [tilespmem:s15], [sflag:$0xB], $0x2000, $0x38;
	[tilespmem:$0xA280] =	vst v63  }
0x79: {  	_ =	swait.ge @!p0 [sflag:s14], $0x2000  }
0x7a: {  	[sflag:s14] =	ssyncset.done @!p0 $0x0  }
0x7b: {  	[sflag:s14] =	ssyncadd.s32 @!p0 $0xFFFFE000  }
0x7c: {  	_ =	swait.ge [sflag:s23], $0x40  }
0x7d: {  	[sflag:s23] =	ssyncset.done $0x0  }
0x7e: {  	s18 =	simm.s32 $0x100;
	[sflag:s23] =	ssyncadd.s32 $0xFFFFFFC0  }
0x7f: {  	[tilespmem:s24], [sflag:$0x8] =	stream.indirect.gather [hbm4b:s2+s17], $0x80, s18, s17, $0xb8;
	[tilespmem:$0xA280] =	vst v63  }
0x80: {  	_ = 	snop  }
0x81: {  	[tilespmem:s25], [sflag:$0x5] =	stream.linear.gather [hbm4b:s10+s3], $0x40, $0x38;
	[tilespmem:$0xA280] =	vst v63  }
0x82: {  	_ =	swait.ge [sflag:s26], $0x2000  }
0x83: {  	s14 =	rddreg [dreg:$0x7];
	[sflag:s26] =	ssyncset.done $0x0  }
0x84: {  	[sflag:s26] =	ssyncadd.s32 $0xFFFFE000;
	s8 =	sadd.s32 s13, s14;
	s14 =	simm.s32 @!p0 $0xE  }
0x85: {  	[hbm4b:s8+s3] =	stream.linear.scatter [tilespmem:s20], [sflag:$0xC], $0x2000, $0x38;
	[tilespmem:$0xA280] =	vst v63  }
0x86: {  	_ =	swait.ge @!p0 [sflag:s14], $0x2000  }
0x87: {  	[sflag:s14] =	ssyncset.done @!p0 $0x0  }
0x88: {  	[sflag:s14] =	ssyncadd.s32 @!p0 $0xFFFFE000  }
0x89: {  	_ =	swait.ge [sflag:s28], $0x40  }
0x8a: {  	p3 =	seq.s32 s13, $0x5000;
	[sflag:s28] =	ssyncset.done $0x0  }
0x8b: {  	s14 =	sshrl.u32 @!p3 s9, $0x3;
	[sflag:s28] =	ssyncadd.s32 $0xFFFFFFC0  }
0x8c: {  	[tilespmem:s29], [sflag:$0x9] =	stream.indirect.gather [hbm4b:s2+s17], $0x80, s21, s17, $0xb8;
	[tilespmem:$0xA280] =	vst v63  }
0x8d: {  	s8 =	simm.s32 @!p3 $0x0;
	s14 =	sadd.s32 @!p3 s4, s14  }
0x8e: {  	[tilespmem:s8], [sflag:$0x1] =	stream.linear.gather @!p3 [hbm4b:s14+s8], $0x40, $0x38;
	[tilespmem:$0xA280] =	vst v63  }
0x8f: {  	_ =	swait.ge [sflag:s30], $0x2000  }
0x90: {  	s15 =	rddreg [dreg:$0x6];
	[sflag:s30] =	ssyncset.done $0x0  }
0x91: {  	[sflag:s30] =	ssyncadd.s32 $0xFFFFE000;
	s14 =	sadd.s32 s13, s15;
	s15 =	simm.s32 @!p0 $0xF  }
0x92: {  	[hbm4b:s14+s3] =	stream.linear.scatter [tilespmem:s24], [sflag:$0xD], $0x2000, $0x38;
	[tilespmem:$0xA280] =	vst v63  }
0x93: {  	_ =	swait.ge @!p0 [sflag:s15], $0x2000  }
0x94: {  	[sflag:s15] =	ssyncset.done @!p0 $0x0  }
0x95: {  	[sflag:s15] =	ssyncadd.s32 @!p0 $0xFFFFE000  }
0x96: {  	_ =	swait.ge [sflag:s31], $0x40  }
0x97: {  	[sflag:s31] =	ssyncset.done $0x0  }
0x98: {  	[sflag:s31] =	ssyncadd.s32 $0xFFFFFFC0  }
0x99: {  	[tilespmem:s1], [sflag:$0xA] =	stream.indirect.gather [hbm4b:s2+s17], $0x80, s25, s17, $0xb8;
	[tilespmem:$0xA280] =	vst v63  }
0x9a: {  	s14 =	simm.s32 @!p3 $0x80  }
0x9b: {  	[tilespmem:s14], [sflag:$0x2] =	stream.linear.gather @!p3 [hbm4b:s7+s8], $0x40, $0x38;
	[tilespmem:$0xA280] =	vst v63  }
0x9c: {  	_ =	swait.ge [sflag:s0], $0x2000  }
0x9d: {  	s18 =	rddreg [dreg:$0x5];
	[sflag:s0] =	ssyncset.done $0x0  }
0x9e: {  	s15 =	simm.s32 @!p3 $0xB;
	[sflag:s0] =	ssyncadd.s32 $0xFFFFE000;
	s14 =	sadd.s32 s13, s18  }
0x9f: {  	[hbm4b:s14+s3] =	stream.linear.scatter [tilespmem:s29], [sflag:$0xE], $0x2000, $0x38;
	[tilespmem:$0xA280] =	vst v63  }
0xa0: {  	_ =	swait.ge @!p3 [sflag:s15], $0x2000  }
0xa1: {  	[sflag:s15] =	ssyncset.done @!p3 $0x0  }
0xa2: {  	p2 =	seq.s32 s12, $0x0;
	s14 =	simm.s32 @!p3 $0x1;
	[sflag:s15] =	ssyncadd.s32 @!p3 $0xFFFFE000  }
0xa3: {  	s5 =	smov.u32 s12;
	s12 =	sadd.s32 $0x1400, s12;
	_ =	swait.ge @!p3 [sflag:s14], $0x40  }
0xa4: {  	p1 =	sne.s32 s12, $0x6400;
	[sflag:s14] =	ssyncset.done @!p3 $0x0  }
0xa5: {  	s18 =	simm.s32 @!p3 $0x280;
	s15 =	simm.s32 @!p3 $0x40;
	[sflag:s14] =	ssyncadd.s32 @!p3 $0xFFFFFFC0  }
0xa6: {  	[tilespmem:s18], [sflag:$0x6] =	stream.indirect.gather @!p3 [hbm4b:s2+s15], $0x80, s8, s15, $0xb8;
	[tilespmem:$0xA280] =	vst v63  }
.Ltmp0:
0xa7: {  	s11 =	sadd.s32 $0x28, s11;
	s14 =	simm.s32 @!p3 $0x100;
	(pc) =	sbr.rel @p1 .LBB2_2-.Ltmp0, $4  }
0xa8: {  	[tilespmem:s14], [sflag:$0x3] =	stream.linear.gather @!p3 [hbm4b:s16+s8], $0x40, $0x38;
	[tilespmem:$0xA280] =	vst v63  }
0xa9: {  	s10 =	sadd.s32 $0x28, s10;
	s9 =	sadd.s32 $0x140, s9;
	_ =	swait.ge [sflag:s6], $0x2000  }
0xaa: {  	p0 =	por p2, p2;
	s7 =	sadd.s32 $0x28, s7;
	[sflag:s6] =	ssyncset.done $0x0  }
0xab: {  	s16 =	sadd.s32 $0x28, s16;
	s8 =	rddreg [dreg:$0x4];
	[sflag:s6] =	ssyncadd.s32 $0xFFFFE000  }
0xac: {  	s8 =	sadd.s32 s13, s8  }
0xad: {  	[hbm4b:s8+s3] =	stream.linear.scatter [tilespmem:s1], [sflag:$0xF], $0x2000, $0x38;
	[tilespmem:$0xA280] =	vst v63  }
0xae: {  	s8 =	simm.s32 @!p0 $0xC  }
0xaf: {  	_ =	swait.ge @!p0 [sflag:s8], $0x2000  }
0xb0: {  	[sflag:s8] =	ssyncset.done @!p0 $0x0  }
0xb1: {  	[sflag:s8] =	ssyncadd.s32 @!p0 $0xFFFFE000  }
0xb2: {  	_ =	swait.ge [sflag:s19], $0x40  }
0xb3: {  	[sflag:s19] =	ssyncset.done $0x0  }
0xb4: {  	s18 =	simm.s32 $0x80;
	[sflag:s19] =	ssyncadd.s32 $0xFFFFFFC0  }
0xb5: {  	[tilespmem:s20], [sflag:$0x7] =	stream.indirect.gather [hbm4b:s2+s17], $0x80, s18, s17, $0xb8;
	[tilespmem:$0xA280] =	vst v63  }
0xb6: {  	_ = 	snop  }
0xb7: {  	[tilespmem:s21], [sflag:$0x4] =	stream.linear.gather [hbm4b:s11+s3], $0x40, $0x38;
	[tilespmem:$0xA280] =	vst v63  }
0xb8: {  	_ =	swait.ge [sflag:s22], $0x2000  }
0xb9: {  	s12 =	rddreg [dreg:$0x3];
	[sflag:s22] =	ssyncset.done $0x0  }
0xba: {  	s13 =	simm.s32 $0x280;
	[sflag:s22] =	ssyncadd.s32 $0xFFFFE000;
	s8 =	sadd.s32 s5, s12  }
0xbb: {  	[hbm4b:s8+s3] =	stream.linear.scatter [tilespmem:s13], [sflag:$0xB], $0x2000, $0x38;
	[tilespmem:$0xA280] =	vst v63  }
0xbc: {  	s8 =	simm.s32 @!p0 $0xD  }
0xbd: {  	_ =	swait.ge @!p0 [sflag:s8], $0x2000  }
0xbe: {  	[sflag:s8] =	ssyncset.done @!p0 $0x0  }
0xbf: {  	[sflag:s8] =	ssyncadd.s32 @!p0 $0xFFFFE000  }
0xc0: {  	_ =	swait.ge [sflag:s23], $0x40  }
0xc1: {  	[sflag:s23] =	ssyncset.done $0x0  }
0xc2: {  	s14 =	simm.s32 $0x100;
	[sflag:s23] =	ssyncadd.s32 $0xFFFFFFC0  }
0xc3: {  	[tilespmem:s24], [sflag:$0x8] =	stream.indirect.gather [hbm4b:s2+s17], $0x80, s14, s17, $0xb8;
	[tilespmem:$0xA280] =	vst v63  }
0xc4: {  	_ = 	snop  }
0xc5: {  	[tilespmem:s25], [sflag:$0x5] =	stream.linear.gather [hbm4b:s10+s3], $0x40, $0x38;
	[tilespmem:$0xA280] =	vst v63  }
0xc6: {  	_ =	swait.ge [sflag:s26], $0x2000  }
0xc7: {  	s15 =	rddreg [dreg:$0x7];
	[sflag:s26] =	ssyncset.done $0x0  }
0xc8: {  	[sflag:s26] =	ssyncadd.s32 $0xFFFFE000;
	s8 =	sadd.s32 s5, s15  }
0xc9: {  	[hbm4b:s8+s3] =	stream.linear.scatter [tilespmem:s20], [sflag:$0xC], $0x2000, $0x38;
	[tilespmem:$0xA280] =	vst v63  }
0xca: {  	s8 =	simm.s32 @!p0 $0xE  }
0xcb: {  	_ =	swait.ge @!p0 [sflag:s8], $0x2000  }
0xcc: {  	[sflag:s8] =	ssyncset.done @!p0 $0x0  }
0xcd: {  	[sflag:s8] =	ssyncadd.s32 @!p0 $0xFFFFE000  }
0xce: {  	_ =	swait.ge [sflag:s28], $0x40  }
0xcf: {  	p1 =	seq.s32 s5, $0x5000;
	[sflag:s28] =	ssyncset.done $0x0  }
0xd0: {  	s8 =	sshrl.u32 @!p1 s9, $0x3;
	[sflag:s28] =	ssyncadd.s32 $0xFFFFFFC0  }
0xd1: {  	[tilespmem:s29], [sflag:$0x9] =	stream.indirect.gather [hbm4b:s2+s17], $0x80, s21, s17, $0xb8;
	[tilespmem:$0xA280] =	vst v63  }
0xd2: {  	s9 =	simm.s32 @!p1 $0x0;
	s8 =	sadd.s32 @!p1 s4, s8  }
0xd3: {  	[tilespmem:s9], [sflag:$0x1] =	stream.linear.gather @!p1 [hbm4b:s8+s9], $0x40, $0x38;
	[tilespmem:$0xA280] =	vst v63  }
0xd4: {  	_ =	swait.ge [sflag:s30], $0x2000  }
0xd5: {  	s18 =	rddreg [dreg:$0x6];
	[sflag:s30] =	ssyncset.done $0x0  }
0xd6: {  	[sflag:s30] =	ssyncadd.s32 $0xFFFFE000;
	s8 =	sadd.s32 s5, s18  }
0xd7: {  	[hbm4b:s8+s3] =	stream.linear.scatter [tilespmem:s24], [sflag:$0xD], $0x2000, $0x38;
	[tilespmem:$0xA280] =	vst v63  }
0xd8: {  	s8 =	simm.s32 @!p0 $0xF  }
0xd9: {  	_ =	swait.ge @!p0 [sflag:s8], $0x2000  }
0xda: {  	[sflag:s8] =	ssyncset.done @!p0 $0x0  }
0xdb: {  	[sflag:s8] =	ssyncadd.s32 @!p0 $0xFFFFE000  }
0xdc: {  	_ =	swait.ge [sflag:s31], $0x40  }
0xdd: {  	[sflag:s31] =	ssyncset.done $0x0  }
0xde: {  	[sflag:s31] =	ssyncadd.s32 $0xFFFFFFC0  }
0xdf: {  	[tilespmem:s1], [sflag:$0xA] =	stream.indirect.gather [hbm4b:s2+s17], $0x80, s25, s17, $0xb8;
	[tilespmem:$0xA280] =	vst v63  }
0xe0: {  	s8 =	simm.s32 @!p1 $0x80  }
0xe1: {  	[tilespmem:s8], [sflag:$0x2] =	stream.linear.gather @!p1 [hbm4b:s7+s9], $0x40, $0x38;
	[tilespmem:$0xA280] =	vst v63  }
0xe2: {  	_ =	swait.ge [sflag:s0], $0x2000  }
0xe3: {  	s8 =	rddreg [dreg:$0x5];
	[sflag:s0] =	ssyncset.done $0x0  }
0xe4: {  	[sflag:s0] =	ssyncadd.s32 $0xFFFFE000;
	s7 =	sadd.s32 s5, s8;
	s8 =	simm.s32 @!p1 $0xB  }
0xe5: {  	[hbm4b:s7+s3] =	stream.linear.scatter [tilespmem:s29], [sflag:$0xE], $0x2000, $0x38;
	[tilespmem:$0xA280] =	vst v63  }
0xe6: {  	_ =	swait.ge @!p1 [sflag:s8], $0x2000  }
0xe7: {  	[sflag:s8] =	ssyncset.done @!p1 $0x0  }
0xe8: {  	s7 =	simm.s32 @!p1 $0x1;
	[sflag:s8] =	ssyncadd.s32 @!p1 $0xFFFFE000  }
0xe9: {  	_ =	swait.ge @!p1 [sflag:s7], $0x40  }
0xea: {  	[sflag:s7] =	ssyncset.done @!p1 $0x0  }
0xeb: {  	s8 =	simm.s32 @!p1 $0x40;
	[sflag:s7] =	ssyncadd.s32 @!p1 $0xFFFFFFC0;
	s7 =	simm.s32 @!p1 $0x280  }
0xec: {  	[tilespmem:s7], [sflag:$0x6] =	stream.indirect.gather @!p1 [hbm4b:s2+s8], $0x80, s9, s8, $0xb8;
	[tilespmem:$0xA280] =	vst v63  }
0xed: {  	s7 =	simm.s32 @!p1 $0x100  }
0xee: {  	[tilespmem:s7], [sflag:$0x3] =	stream.linear.gather @!p1 [hbm4b:s16+s9], $0x40, $0x38;
	[tilespmem:$0xA280] =	vst v63  }
0xef: {  	_ =	swait.ge [sflag:s6], $0x2000  }
0xf0: {  	s9 =	rddreg [dreg:$0x4];
	[sflag:s6] =	ssyncset.done $0x0  }
0xf1: {  	s11 =	simm.s32 $0xB;
	s10 =	sadd.s32 s5, s9;
	[sflag:s6] =	ssyncadd.s32 $0xFFFFE000  }
0xf2: {  	[hbm4b:s10+s3] =	stream.linear.scatter [tilespmem:s1], [sflag:$0xF], $0x2000, $0x38;
	[tilespmem:$0xA280] =	vst v63  }
0xf3: {  	_ =	swait.ge [sflag:s11], $0x2000  }
0xf4: {  	[sflag:s11] =	ssyncset.done $0x0  }
0xf5: {  	s12 =	simm.s32 $0xC;
	[sflag:s11] =	ssyncadd.s32 $0xFFFFE000  }
0xf6: {  	_ =	swait.ge [sflag:s12], $0x2000  }
0xf7: {  	[sflag:s12] =	ssyncset.done $0x0  }
0xf8: {  	s13 =	simm.s32 $0xD;
	[sflag:s12] =	ssyncadd.s32 $0xFFFFE000  }
0xf9: {  	_ =	swait.ge [sflag:s13], $0x2000  }
0xfa: {  	[sflag:s13] =	ssyncset.done $0x0  }
0xfb: {  	s14 =	simm.s32 $0xE;
	[sflag:s13] =	ssyncadd.s32 $0xFFFFE000  }
0xfc: {  	_ =	swait.ge [sflag:s14], $0x2000  }
0xfd: {  	[sflag:s14] =	ssyncset.done $0x0  }
0xfe: {  	s15 =	simm.s32 $0xF;
	[sflag:s14] =	ssyncadd.s32 $0xFFFFE000  }
0xff: {  	_ =	swait.ge [sflag:s15], $0x2000  }
0x100: {  	s16 =	rddreg [dreg:$0x11]  }
0x101: {  	s18 =	rddreg [dreg:$0xb];
	s8 =	sadd.s32 $0x1, s16  }
0x102: {  	p0 =	sne.s32 s8, s18  }
.Ltmp1:
0x103: {  	_ = 	snop;
	(pc) =	sbr.rel @p0 .LBB2_1-.Ltmp1, $3  }
0x104: {  	_ =	sdelay $0x1  }
0x105: {  	[sflag:s15] =	ssyncset.done $0x0  }
0x106: {  	[sflag:s15] =	ssyncadd.s32 $0xFFFFE000  }
0x107: {  	_ =	sfence.sel $0x180000  }
0x108: {  	[bflag:$0x0] =	sbarrier.arrive $0xFFFF  }
0x109: {  	_ =	strace $0x90000047  }
0x10a: {  	s0 =	stileid.u32;
	[bflag:$0x2] =	sbarrier.arrive $0xFFFF  }
0x10b: {  	p0 =	sne.s32 s0, $0x0;
	s0 =	rddreg [dreg:$0x2]  }
0x10c: {  	s0 =	sadd.s32 @!p0 $0x100000, s0  }
0x10d: {  	[sflag:s0] =	ssyncadd.tile.s32 @!p0 $0x1;
	_ =	shalt  }
.Lfunc_end2:
_tile_overlayer_lowered:
.L_overlay_start_2:
0x10e: {  	(tag) =	ssettag $0x2  }
0x10f: {  	s0 =	rddreg [dreg:$0x0];
	s2 =	stileid.u32  }
0x110: {  	s1 =	rddreg [dreg:$0x1];
	p0 =	sne.s32 s2, $0x0  }
0x111: {  	s3 =	rddreg [dreg:$0x2];
	[bflag:$0x3] =	sbarrier.arrive $0xFFFF;
	s2 =	simm.s32 @!p0 $0x1C10  }
0x112: {  	[timem:s3], [sflag:s2] =	dma.local @!p0 [hbm:s0], s1  }
0x113: {  	s0 =	simm.s32 @!p0 $0x10  }
0x114: {  	_ =	swait.ge @!p0 [sflag:s0], s1  }
0x115: {  	s1 =	ssub.s32 @!p0 $0x0, s1;
	[sflag:s0] =	ssyncset.done @!p0 $0x0  }
0x116: {  	[sflag:s0] =	ssyncadd.s32 @!p0 s1  }
0x117: {  	[bflag:$0x3] =	sbarrier.arrive $0xFFFF  }
0x118: {  	_ =	shalt  }

// kernel: kernel.16.cloned.1.call-start
scs
__scs_entry_jumppad:
0x0: {  	(pc) =	sbr.rel $0x88, $3  }
0x1: {  	(tag) =	ssettag $0x0;
	lr =	simm.s32 $0x1  }
0x2: {  	[smem:$0x3F9F] =	sst lr;
	_ =	strace $0xD0000000  }
0x3: {  	_ = 	snop  }
0x4: {  	_ = 	snop  }
0x5: {  	_ = 	snop  }
0x6: {  	_ = 	snop  }
0x7: {  	_ = 	snop  }
__scs_overlays_trampoline_lowered:
0x8: {  	[smem:$0x3FAE] =	sst s0  }
0x9: {  	[smem:$0x3FAF] =	sst s1  }
0xa: {  	[smem:$0x3FB0] =	sst s2  }
0xb: {  	[smem:$0x3FB1] =	sst s3  }
0xc: {  	[smem:$0x3FB2] =	sst s4  }
0xd: {  	[smem:$0x3FB3] =	sst s5  }
0xe: {  	[smem:$0x3FB4] =	sst s6  }
0xf: {  	[smem:$0x3FB5] =	sst s7  }
0x10: {  	[smem:$0x3FB6] =	sst s8  }
0x11: {  	[smem:$0x3FB7] =	sst s9;
	s0 =	simm.s32 @!p0 $0x0  }
0x12: {  	s1 =	sld [smem:$0x3F9D];
	s0 =	simm.s32 @p0 $0x1  }
0x13: {  	[smem:$0x3FB8] =	sst s0;
	s0 =	simm.s32 @!p1 $0x0  }
0x14: {  	s2 =	sld [smem:$0x3F9C];
	s0 =	simm.s32 @p1 $0x1  }
0x15: {  	[smem:$0x3FB9] =	sst s0;
	s0 =	simm.s32 @!p2 $0x0  }
0x16: {  	s3 =	sld [smem:$0x3FDB];
	s0 =	simm.s32 @p2 $0x1  }
0x17: {  	s4 =	simm.s32 $0x1BF5;
	[smem:$0x3FBB] =	sst s0  }
0x18: {  	s0 =	sld [smem:$0x3F9E];
	_ =	swait.ge [sflag:s4], $0x0  }
0x19: {  	s7 =	sld [smem:$0x3F9F]  }
0x1a: {  	s8 =	sadd.s32 $0xFFFFE003, lr  }
0x1b: {  	s9 =	sadd.s32 $0xFFFFFEF7, lr;
	s5 =	simm.s32 $0xFFFFFFFF;
	p2 =	slt.u32 s8, $0xFFFFF086  }
0x1c: {  	p1 =	slt.u32 s9, $0xF7A;
	s5 =	simm.s32 @!p2 $0x0  }
0x1d: {  	s5 =	simm.s32 @p1 $0x1;
	p0 =	seq.s32 s7, s2  }
0x1e: {  	s7 =	smul.u32 @!p0 $0xF7A, s2;
	p2 =	seq.s32 @!p0 s5, $0x0  }
0x1f: {  	s9 =	smul.u32 $0xF7A, s1;
	s8 =	simm.s32 @!p0 $0x1BF5;
	p2 =	por !p2, p0  }
0x20: {  	[sflag:s8] =	ssyncset.s32 @!p0 $0xFFFFF086;
	s6 =	sadd.s32 @!p0 s3, s7;
	s7 =	simm.s32 @!p0 $0x108  }
0x21: {  	s3 =	sadd.s32 s3, s9;
	s6 =	sadd.s32 @!p0 $0x88, s6;
	s7 =	simm.s32 @p2 $0x1082  }
0x22: {  	[simem:s7], [sflag:s8] =	dma.local @!p0 [hbm:s6], $0xF7A  }
0x23: {  	s9 =	sor.u32 $0xD0000000, s2;
	s6 =	simm.s32 $0x108;
	_ =	swait.ge @!p0 [sflag:s8], $0x0  }
0x24: {  	s3 =	sadd.s32 $0x88, s3;
	s6 =	simm.s32 @!p1 $0x1082;
	[sflag:s4] =	ssyncset.s32 $0xFFFFF086  }
0x25: {  	[simem:s6], [sflag:s4] =	dma.local [hbm:s3], $0xF7A  }
0x26: {  	[smem:$0x3F9F] =	sst s1;
	(tag) =	ssettag s2;
	_ =	strace s9  }
0x27: {  	s1 =	sld [smem:$0x3FAF]  }
0x28: {  	s2 =	sld [smem:$0x3FB0]  }
0x29: {  	s4 =	sld [smem:$0x3FB2]  }
0x2a: {  	p0 =	seq.s32 s5, $0x0;
	s5 =	sld [smem:$0x3FB3]  }
0x2b: {  	s6 =	sld [smem:$0x3FB4]  }
0x2c: {  	s7 =	sld [smem:$0x3FB5]  }
0x2d: {  	s3 =	simm.s32 $0x108;
	s8 =	sld [smem:$0x3FB6]  }
0x2e: {  	s3 =	simm.s32 @!p0 $0x1082;
	s9 =	sld [smem:$0x3FB7]  }
0x2f: {  	lr =	sadd.s32 s0, s3;
	s0 =	sld [smem:$0x3FAE]  }
0x30: {  	s3 =	sld [smem:$0x3FB1]  }
0x31: {  	[smem:$0x3FBA] =	sst s10  }
0x32: {  	s10 =	sld [smem:$0x3FB8];
	_ =	sdelay $0x3  }
0x33: {  	p0 =	seq.s32 s10, $0x1;
	s10 =	sld [smem:$0x3FBA];
	_ =	sdelay $0x3  }
0x34: {  	[smem:$0x3FBA] =	sst s10  }
0x35: {  	s10 =	sld [smem:$0x3FB9];
	_ =	sdelay $0x3  }
0x36: {  	p1 =	seq.s32 s10, $0x1;
	s10 =	sld [smem:$0x3FBA];
	_ =	sdelay $0x3  }
0x37: {  	[smem:$0x3FBA] =	sst s10  }
0x38: {  	s10 =	sld [smem:$0x3FBB]  }
0x39: {  	_ = 	snop;
	(pc) =	sbr.ind lr, $3  }
0x3a: {  	_ = 	snop  }
0x3b: {  	_ = 	snop  }
0x3c: {  	p2 =	seq.s32 s10, $0x1;
	s10 =	sld [smem:$0x3FBA]  }
0x3d: {  	_ =	shalt  }
0x3e: {  	_ =	shalt  }
0x3f: {  	_ =	shalt  }
0x40: {  	_ =	shalt  }
0x41: {  	_ =	shalt  }
0x42: {  	_ =	shalt  }
0x43: {  	_ =	shalt  }
0x44: {  	_ =	shalt  }
0x45: {  	_ =	shalt  }
0x46: {  	_ =	shalt  }
0x47: {  	_ =	shalt  }
0x48: {  	_ =	shalt  }
0x49: {  	_ =	shalt  }
0x4a: {  	_ =	shalt  }
0x4b: {  	_ =	shalt  }
0x4c: {  	_ =	shalt  }
0x4d: {  	_ =	shalt  }
0x4e: {  	_ =	shalt  }
0x4f: {  	_ =	shalt  }
0x50: {  	_ =	shalt  }
0x51: {  	_ =	shalt  }
0x52: {  	_ =	shalt  }
0x53: {  	_ =	shalt  }
0x54: {  	_ =	shalt  }
0x55: {  	_ =	shalt  }
0x56: {  	_ =	shalt  }
0x57: {  	_ =	shalt  }
0x58: {  	_ =	shalt  }
0x59: {  	_ =	shalt  }
0x5a: {  	_ =	shalt  }
0x5b: {  	_ =	shalt  }
0x5c: {  	_ =	shalt  }
0x5d: {  	_ =	shalt  }
0x5e: {  	_ =	shalt  }
0x5f: {  	_ =	shalt  }
0x60: {  	_ =	shalt  }
0x61: {  	_ =	shalt  }
0x62: {  	_ =	shalt  }
0x63: {  	_ =	shalt  }
0x64: {  	_ =	shalt  }
0x65: {  	_ =	shalt  }
0x66: {  	_ =	shalt  }
0x67: {  	_ =	shalt  }
0x68: {  	_ =	shalt  }
0x69: {  	_ =	shalt  }
0x6a: {  	_ =	shalt  }
0x6b: {  	_ =	shalt  }
0x6c: {  	_ =	shalt  }
0x6d: {  	_ =	shalt  }
0x6e: {  	_ =	shalt  }
0x6f: {  	_ =	shalt  }
0x70: {  	_ =	shalt  }
0x71: {  	_ =	shalt  }
0x72: {  	_ =	shalt  }
0x73: {  	_ =	shalt  }
0x74: {  	_ =	shalt  }
0x75: {  	_ =	shalt  }
0x76: {  	_ =	shalt  }
0x77: {  	_ =	shalt  }
0x78: {  	_ =	shalt  }
0x79: {  	_ =	shalt  }
0x7a: {  	_ =	shalt  }
0x7b: {  	_ =	shalt  }
0x7c: {  	_ =	shalt  }
0x7d: {  	_ =	shalt  }
0x7e: {  	_ =	shalt  }
0x7f: {  	_ =	shalt  }
0x80: {  	_ =	shalt  }
0x81: {  	_ =	shalt  }
0x82: {  	_ =	shalt  }
0x83: {  	_ =	shalt  }
0x84: {  	_ =	shalt  }
0x85: {  	_ =	shalt  }
0x86: {  	_ =	shalt  }
0x87: {  	_ =	shalt  }
.Lfunc_end0:
.L_simem_size_0:
called_computation.2_lowered:
.L_overlay_start_0:
0x88: {  	s2 =	sld [smem:$0x3FD9]  }
0x89: {  	s3 =	sld [smem:$0x3FFE];
	_ =	sdelay $0x1  }
0x8a: {  	s1 =	srdreg.scid  }
0x8b: {  	s0 =	sand.u32 $0x1, s1  }
0x8c: {  	s17 =	sshll.u32 s0, $0xA;
	s2 =	sadd.s32 s3, s2  }
0x8d: {  	s2 =	sadd.s32 s2, s17  }
0x8e: {  	[smem:$0x3FC6] =	sst s2  }
0x8f: {  	_ = 	snop  }
0x90: {  	s18 =	sld [smem:$0x3FC8];
	(tm) =	ssettm $0x1  }
0x91: {  	s19 =	sld [smem:$0x3FFB];
	_ =	sdelay $0x3  }
0x92: {  	_ =	strace s19  }
0x93: {  	s2 =	sld [smem:$0x3FFC];
	_ =	sdelay $0x3  }
0x94: {  	_ =	strace s2  }
0x95: {  	s2 =	sld [smem:$0x3FFD];
	_ =	sdelay $0x3  }
0x96: {  	_ =	strace s2  }
0x97: {  	_ =	strace $0x8FFFFFFF  }
0x98: {  	s20 =	sld [smem:$0x3FDB];
	_ =	sdelay $0x1  }
0x99: {  	s4 =	simm.s32 $_scs_section_size  }
0x9a: {  	s5 =	simm.s32 $_size__tile_overlayer_lowered;
	s6 =	simm.s32 $_tile_overlayer_lowered  }
0x9b: {  	s7 =	simm.s32 $0x1BFF;
	s21 =	sshll.u32 s6, $0x1;
	s4 =	sadd.s32 s4, s20  }
0x9c: {  	s22 =	simm.s32 $0x0;
	s5 =	sshll.u32 s5, $0x1;
	s6 =	sadd.s32 s21, s4  }
0x9d: {  	[timem:s22], [sflag:s7] =	dma.local [hbm:s6], s5  }
0x9e: {  	_ =	swait.ge [sflag:s7], s5  }
0x9f: {  	s5 =	ssub.s32 $0x0, s5;
	[sflag:s7] =	ssyncset.done $0x0  }
0xa0: {  	[sflag:s7] =	ssyncadd.s32 s5;
	_ =	sdelay $0x1  }
0xa1: {  	s23 =	simm.s32 $0x1B8B  }
0xa2: {  	_ =	swait.ge [sflag:s23], $0x1  }
0xa3: {  	[sflag:s23] =	ssyncset.done $0x0  }
0xa4: {  	[sflag:s23] =	ssyncadd.s32 $0xFFFFFFFF  }
0xa5: {  	s5 =	sld [smem:$0x0]  }
0xa6: {  	s6 =	sand.u32 $0xFFFFFFFE, s1  }
0xa7: {  	p0 =	sne.s32 s1, s6  }
0xa8: {  	s6 =	sshll.u32 @p0 s6, $0xE  }
0xa9: {  	s6 =	sadd.s32 @p0 $0x11B8D, s6;
	s7 =	sshll.u32 @p0 s5, $0x11  }
0xaa: {  	s6 =	sor.u32 @p0 s7, s6  }
0xab: {  	[sflag:s6] =	ssyncadd.remote.s32 @p0 $0x1;
	_ =	sdelay $0x1  }
0xac: {  	s6 =	simm.s32 @p0 $0x1B8D  }
0xad: {  	_ =	swait.eq @p0 [sflag:s6], $0x1  }
0xae: {  	[sflag:s6] =	ssyncadd.s32 @p0 $0xFFFFFFFF  }
0xaf: {  	s7 =	sshll.u32 @!p0 s1, $0xE  }
0xb0: {  	s7 =	sor.u32 @!p0 $0x4000, s7;
	s6 =	simm.s32 @!p0 $0x1B8D  }
0xb1: {  	s5 =	sshll.u32 @!p0 s5, $0x11;
	s7 =	sadd.s32 @!p0 $0x11B8D, s7;
	_ =	swait.eq @!p0 [sflag:s6], $0x1  }
0xb2: {  	s5 =	sor.u32 @!p0 s5, s7;
	[sflag:s6] =	ssyncadd.s32 @!p0 $0xFFFFFFFF  }
0xb3: {  	s25 =	simm.s32 $0x1B8E;
	s24 =	sld [smem:$0x3FFE];
	[sflag:s5] =	ssyncadd.remote.s32 @!p0 $0x1  }
0xb4: {  	s26 =	simm.s32 $execute0_lowered;
	[smem:$0x3FD2] =	sst s25  }
0xb5: {  	s6 =	sshll.u32 s26, $0x1;
	_ =	strace $0x80000049;
	[dreg:$0x1] =	wrdreg $0xFFFFFFFF  }
0xb6: {  	s28 =	simm.s32 $_size_execute0_lowered;
	s4 =	sadd.s32 s4, s6;
	[dreg:$0x0] =	wrdreg $0x0  }
0xb7: {  	s6 =	sshll.u32 s28, $0x1;
	[dreg:$0x2] =	wrdreg s4  }
0xb8: {  	[dreg:$0x3] =	wrdreg s6  }
0xb9: {  	[dreg:$0x4] =	wrdreg $0xC0  }
0xba: {  	_ =	task [dreg:s22], $0x5FFFF  }
0xbb: {  	[dreg:$0x1] =	wrdreg $0xFFFFFFFF  }
0xbc: {  	[dreg:$0x0] =	wrdreg $0x60  }
0xbd: {  	[dreg:$0x2] =	wrdreg s24  }
0xbe: {  	[dreg:$0x3] =	wrdreg s18  }
0xbf: {  	[dreg:$0x4] =	wrdreg $0xB  }
0xc0: {  	_ =	task.clear_ibuf [dreg:s22], $0x5FFFF;
	_ =	strace $0x90000049  }
0xc1: {  	s29 =	simm.s32 $0xB;
	_ =	strace $0x8000004B  }
0xc2: {  	_ =	swait.ge [sflag:s29], $0x1  }
0xc3: {  	[sflag:s29] =	ssyncadd.s32 $0xFFFFFFFF  }
0xc4: {  	_ =	strace $0x9000004B  }
0xc5: {  	_ =	sfence  }
0xc6: {  	s30 =	sld [smem:$0x0];
	_ =	sdelay $0x2  }
0xc7: {  	s31 =	sshll.u32 s1, $0xD;
	s1 =	sshrl.u32 s1, $0x2  }
0xc8: {  	s4 =	sand.u32 $0x4000, s31;
	s1 =	sadd.s32 s1, s30  }
0xc9: {  	s0 =	sor.u32 s4, s0;
	s1 =	sshll.u32 s1, $0x11  }
0xca: {  	s0 =	sor.u32 s1, s0  }
0xcb: {  	s0 =	sadd.s32 $0x8F2B, s0  }
0xcc: {  	[sflag:s0] =	ssyncadd.remote.s32 $0x1  }
0xcd: {  	_ =	sfence.sel $0xFFFF  }
0xce: {  	[dreg:$0x0] =	wrdreg $0xFFFFFFFF;
	(pc) =	sbr.abs _section_cstart, $3  }
0xcf: {  	[dreg:$0x1] =	wrdreg $0xFFFFFFFF  }
0xd0: {  	_ =	task.clear_ibuf [dreg:s22], $0x2FFFF;
	_ =	strace $0x9FFFFFFF  }
0xd1: {  	(tm) =	ssettm $0x7FFFFFFF  }
tec
execute0_lowered:
.L_overlay_start_1:
0x0: {  	(tag) =	ssettag $0x1  }
0x1: {  	s0 =	rddreg [dreg:$0x0]  }
0x2: {  	s1 =	srdreg.scid;
	s9 =	stileid.u32  }
0x3: {  	s2 =	rddreg [dreg:$0x1];
	s3 =	simm.s32 $0x0;
	s7 =	smul.u32 $0xC80, s9  }
0x4: {  	s28 =	simm.s32 $0x4;
	s29 =	simm.s32 $0x6280;
	s11 =	smul.u32 $0xC800, s9  }
0x5: {  	s30 =	simm.s32 $0x8;
	s1 =	sand.u32 $0x1, s1;
	s13 =	smul.u32 $0x64000, s9  }
0x6: {  	s31 =	simm.s32 $0x5;
	s4 =	sshll.u32 s9, $0x1;
	s25 =	smul.u32 $0x640, s1  }
0x7: {  	[smem:$0x7FF] =	sst s3;
	s4 =	sor.u32 s1, s4;
	s15 =	smul.u32 $0x32000, s1  }
0x8: {  	_ =	strace $0x8000004A;
	s6 =	ssub.s32 $0x2, s1;
	s5 =	smul.u32 $0x640, s4  }
0x9: {  	s4 =	sadd.s32 $0xCC400, s0;
	s8 =	sshrl.u32 s6, $0x1;
	s0 =	sadd.s32 $0xCDE00, s0  }
0xa: {  	s1 =	smul.u32 $0x6400, s1;
	s6 =	ssub.s32 s6, s8;
	s17 =	sadd.s32 s11, s0  }
0xb: {  	s18 =	sadd.s32 s15, s13;
	s8 =	simm.s32 $0x0;
	s5 =	sshrl.u32 s5, $0x3  }
0xc: {  	s6 =	smax.u32 s6, $0x1;
	s1 =	sadd.s32 s1, s17;
	s20 =	sadd.s32 $0x8000, s18  }
0xd: {  	s22 =	sadd.s32 $0x6000, s18;
	s17 =	simm.s32 $0x40;
	[dreg:$0xb] =	wrdreg s6  }
0xe: {  	s10 =	sadd.s32 s4, s5;
	s5 =	sadd.s32 s25, s7;
	[dreg:$0x3] =	wrdreg s1  }
0xf: {  	s21 =	sshrl.u32 s20, $0x3;
	s25 =	sadd.s32 $0x4000, s18;
	s20 =	simm.s32 $0x2280  }
0x10: {  	s26 =	sadd.s32 $0x8, s10;
	[dreg:$0x8] =	wrdreg s10;
	s10 =	sadd.s32 $0x10, s10  }
0x11: {  	s12 =	sadd.s32 $0x1C0, s5;
	s14 =	sadd.s32 $0x180, s5;
	s19 =	sadd.s32 $0x140, s5  }
0x12: {  	s1 =	sadd.s32 s21, s0;
	s23 =	sadd.s32 $0x100, s5;
	[dreg:$0x9] =	wrdreg s26  }
0x13: {  	s5 =	sadd.s32 $0xC0, s5;
	s21 =	simm.s32 $0x180;
	[dreg:$0xa] =	wrdreg s10  }
0x14: {  	s6 =	sshrl.u32 s12, $0x3;
	s16 =	sshrl.u32 s14, $0x3;
	[dreg:$0xe] =	wrdreg s19  }
0x15: {  	[dreg:$0x4] =	wrdreg s1;
	s24 =	sshrl.u32 s23, $0x3;
	s26 =	sadd.s32 $0x2000, s18  }
0x16: {  	s5 =	sshrl.u32 s5, $0x3;
	s19 =	simm.s32 $0x2;
	s6 =	sadd.s32 s6, s4  }
0x17: {  	s23 =	simm.s32 $0x3;
	s1 =	sadd.s32 s24, s4;
	[dreg:$0xc] =	wrdreg s6  }
0x18: {  	s5 =	sadd.s32 s5, s4;
	s24 =	simm.s32 $0x4280;
	[dreg:$0xf] =	wrdreg s1  }
0x19: {  	s6 =	sadd.s32 s16, s4;
	s1 =	sshrl.u32 s25, $0x3;
	[dreg:$0x10] =	wrdreg s5  }
0x1a: {  	[dreg:$0xd] =	wrdreg s6;
	s6 =	sshrl.u32 s22, $0x3;
	s1 =	sadd.s32 s1, s0  }
0x1b: {  	s25 =	simm.s32 $0x200;
	s6 =	sadd.s32 s6, s0;
	[dreg:$0x6] =	wrdreg s1  }
0x1c: {  	s22 =	simm.s32 $0x6;
	[dreg:$0x5] =	wrdreg s6;
	s6 =	sshrl.u32 s26, $0x3  }
0x1d: {  	s1 =	simm.s32 $0x8280;
	s26 =	simm.s32 $0x7;
	s0 =	sadd.s32 s6, s0  }
0x1e: {  	s6 =	simm.s32 $0xA;
	[dreg:$0x7] =	wrdreg s0;
	s0 =	simm.s32 $0x9  }
.LBB2_1:
0x1f: {  	[dreg:$0x11] =	wrdreg s8  }
0x20: {  	s5 =	rddreg [dreg:$0x8]  }
0x21: {  	[tilespmem:s3], [sflag:$0x1] =	stream.linear.gather [hbm4b:s5+s3], $0x40, $0x38;
	[tilespmem:$0xA280] =	vst v63  }
0x22: {  	s10 =	rddreg [dreg:$0x9];
	s7 =	simm.s32 $0x80  }
0x23: {  	[tilespmem:s7], [sflag:$0x2] =	stream.linear.gather [hbm4b:s10+s3], $0x40, $0x38;
	[tilespmem:$0xA280] =	vst v63  }
0x24: {  	s11 =	rddreg [dreg:$0xa];
	s12 =	simm.s32 $0x100;
	s13 =	simm.s32 $0x1  }
0x25: {  	[tilespmem:s12], [sflag:$0x3] =	stream.linear.gather [hbm4b:s11+s3], $0x40, $0x38;
	[tilespmem:$0xA280] =	vst v63  }
0x26: {  	p0 =	por $0x1, $0x1;
	_ =	swait.ge [sflag:s13], $0x40  }
0x27: {  	p0 =	por p0, p0;
	[sflag:s13] =	ssyncset.done $0x0  }
0x28: {  	s9 =	simm.s32 $0x280;
	s5 =	simm.s32 @!p0 $0xC;
	[sflag:s13] =	ssyncadd.s32 $0xFFFFFFC0  }
0x29: {  	[tilespmem:s9], [sflag:$0x6] =	stream.indirect.gather [hbm4b:s2+s17], $0x80, s3, s17, $0xb8;
	[tilespmem:$0xA280] =	vst v63  }
0x2a: {  	_ =	swait.ge @!p0 [sflag:s5], $0x2000  }
0x2b: {  	[sflag:s5] =	ssyncset.done @!p0 $0x0  }
0x2c: {  	[sflag:s5] =	ssyncadd.s32 @!p0 $0xFFFFE000  }
0x2d: {  	_ =	swait.ge [sflag:s19], $0x40  }
0x2e: {  	[sflag:s19] =	ssyncset.done $0x0  }
0x2f: {  	[sflag:s19] =	ssyncadd.s32 $0xFFFFFFC0  }
0x30: {  	[tilespmem:s20], [sflag:$0x7] =	stream.indirect.gather [hbm4b:s2+s17], $0x80, s7, s17, $0xb8;
	[tilespmem:$0xA280] =	vst v63  }
0x31: {  	s11 =	rddreg [dreg:$0x10]  }
0x32: {  	[tilespmem:s21], [sflag:$0x4] =	stream.linear.gather [hbm4b:s11+s3], $0x40, $0x38;
	[tilespmem:$0xA280] =	vst v63  }
0x33: {  	_ =	swait.ge [sflag:s22], $0x2000  }
0x34: {  	s14 =	rddreg [dreg:$0x3];
	[sflag:s22] =	ssyncset.done $0x0  }
0x35: {  	s7 =	simm.s32 @!p0 $0xD;
	[sflag:s22] =	ssyncadd.s32 $0xFFFFE000;
	s5 =	sadd.s32 $0x0, s14  }
0x36: {  	[hbm4b:s5+s3] =	stream.linear.scatter [tilespmem:s9], [sflag:$0xB], $0x2000, $0x38;
	[tilespmem:$0xA280] =	vst v63  }
0x37: {  	_ =	swait.ge @!p0 [sflag:s7], $0x2000  }
0x38: {  	[sflag:s7] =	ssyncset.done @!p0 $0x0  }
0x39: {  	[sflag:s7] =	ssyncadd.s32 @!p0 $0xFFFFE000  }
0x3a: {  	_ =	swait.ge [sflag:s23], $0x40  }
0x3b: {  	[sflag:s23] =	ssyncset.done $0x0  }
0x3c: {  	[sflag:s23] =	ssyncadd.s32 $0xFFFFFFC0  }
0x3d: {  	[tilespmem:s24], [sflag:$0x8] =	stream.indirect.gather [hbm4b:s2+s17], $0x80, s12, s17, $0xb8;
	[tilespmem:$0xA280] =	vst v63  }
0x3e: {  	s10 =	rddreg [dreg:$0xf]  }
0x3f: {  	[tilespmem:s25], [sflag:$0x5] =	stream.linear.gather [hbm4b:s10+s3], $0x40, $0x38;
	[tilespmem:$0xA280] =	vst v63  }
0x40: {  	_ =	swait.ge [sflag:s26], $0x2000  }
0x41: {  	s15 =	rddreg [dreg:$0x7];
	[sflag:s26] =	ssyncset.done $0x0  }
0x42: {  	s7 =	simm.s32 @!p0 $0xE;
	[sflag:s26] =	ssyncadd.s32 $0xFFFFE000;
	s5 =	sadd.s32 $0x0, s15  }
0x43: {  	[hbm4b:s5+s3] =	stream.linear.scatter [tilespmem:s20], [sflag:$0xC], $0x2000, $0x38;
	[tilespmem:$0xA280] =	vst v63  }
0x44: {  	_ =	swait.ge @!p0 [sflag:s7], $0x2000  }
0x45: {  	[sflag:s7] =	ssyncset.done @!p0 $0x0  }
0x46: {  	[sflag:s7] =	ssyncadd.s32 @!p0 $0xFFFFE000  }
0x47: {  	_ =	swait.ge [sflag:s28], $0x40  }
0x48: {  	p1 =	por $0x0, $0x0;
	[sflag:s28] =	ssyncset.done $0x0;
	s14 =	rddreg [dreg:$0xe]  }
0x49: {  	[sflag:s28] =	ssyncadd.s32 $0xFFFFFFC0;
	s5 =	sshrl.u32 @!p1 s14, $0x3  }
0x4a: {  	[tilespmem:s29], [sflag:$0x9] =	stream.indirect.gather [hbm4b:s2+s17], $0x80, s21, s17, $0xb8;
	[tilespmem:$0xA280] =	vst v63  }
0x4b: {  	s7 =	simm.s32 @!p1 $0x0;
	s5 =	sadd.s32 @!p1 s4, s5  }
0x4c: {  	[tilespmem:s7], [sflag:$0x1] =	stream.linear.gather @!p1 [hbm4b:s5+s7], $0x40, $0x38;
	[tilespmem:$0xA280] =	vst v63  }
0x4d: {  	_ =	swait.ge [sflag:s30], $0x2000  }
0x4e: {  	s16 =	rddreg [dreg:$0x6];
	[sflag:s30] =	ssyncset.done $0x0  }
0x4f: {  	s8 =	simm.s32 @!p0 $0xF;
	[sflag:s30] =	ssyncadd.s32 $0xFFFFE000;
	s5 =	sadd.s32 $0x0, s16  }
0x50: {  	[hbm4b:s5+s3] =	stream.linear.scatter [tilespmem:s24], [sflag:$0xD], $0x2000, $0x38;
	[tilespmem:$0xA280] =	vst v63  }
0x51: {  	_ =	swait.ge @!p0 [sflag:s8], $0x2000  }
0x52: {  	[sflag:s8] =	ssyncset.done @!p0 $0x0  }
0x53: {  	[sflag:s8] =	ssyncadd.s32 @!p0 $0xFFFFE000  }
0x54: {  	_ =	swait.ge [sflag:s31], $0x40  }
0x55: {  	[sflag:s31] =	ssyncset.done $0x0  }
0x56: {  	[sflag:s31] =	ssyncadd.s32 $0xFFFFFFC0  }
0x57: {  	[tilespmem:s1], [sflag:$0xA] =	stream.indirect.gather [hbm4b:s2+s17], $0x80, s25, s17, $0xb8;
	[tilespmem:$0xA280] =	vst v63  }
0x58: {  	s5 =	simm.s32 @!p1 $0x80;
	s13 =	rddreg [dreg:$0xd]  }
0x59: {  	[tilespmem:s5], [sflag:$0x2] =	stream.linear.gather @!p1 [hbm4b:s13+s7], $0x40, $0x38;
	[tilespmem:$0xA280] =	vst v63  }
0x5a: {  	_ =	swait.ge [sflag:s0], $0x2000  }
0x5b: {  	s18 =	rddreg [dreg:$0x5];
	[sflag:s0] =	ssyncset.done $0x0  }
0x5c: {  	s8 =	simm.s32 @!p1 $0xB;
	[sflag:s0] =	ssyncadd.s32 $0xFFFFE000;
	s5 =	sadd.s32 $0x0, s18  }
0x5d: {  	[hbm4b:s5+s3] =	stream.linear.scatter [tilespmem:s29], [sflag:$0xE], $0x2000, $0x38;
	[tilespmem:$0xA280] =	vst v63  }
0x5e: {  	_ =	swait.ge @!p1 [sflag:s8], $0x2000  }
0x5f: {  	[sflag:s8] =	ssyncset.done @!p1 $0x0  }
0x60: {  	s5 =	simm.s32 @!p1 $0x1;
	[sflag:s8] =	ssyncadd.s32 @!p1 $0xFFFFE000  }
0x61: {  	p6 =	por $0x0, $0x0;
	s11 =	sadd.s32 $0x28, s11;
	_ =	swait.ge @!p1 [sflag:s5], $0x40  }
0x62: {  	s9 =	simm.s32 @!p1 $0x280;
	s12 =	simm.s32 $0x2800;
	[sflag:s5] =	ssyncset.done @!p1 $0x0  }
0x63: {  	s10 =	sadd.s32 $0x28, s10;
	s8 =	simm.s32 @!p1 $0x40;
	[sflag:s5] =	ssyncadd.s32 @!p1 $0xFFFFFFC0  }
0x64: {  	[tilespmem:s9], [sflag:$0x6] =	stream.indirect.gather @!p1 [hbm4b:s2+s8], $0x80, s7, s8, $0xb8;
	[tilespmem:$0xA280] =	vst v63  }
0x65: {  	p0 =	por p6, p6;
	s5 =	simm.s32 @!p1 $0x100;
	s9 =	rddreg [dreg:$0xc]  }
0x66: {  	[tilespmem:s5], [sflag:$0x3] =	stream.linear.gather @!p1 [hbm4b:s9+s7], $0x40, $0x38;
	[tilespmem:$0xA280] =	vst v63  }
0x67: {  	s16 =	sadd.s32 $0x28, s9;
	s5 =	simm.s32 $0x1400;
	_ =	swait.ge [sflag:s6], $0x2000  }
0x68: {  	s7 =	sadd.s32 $0x28, s13;
	s9 =	sadd.s32 $0x140, s14;
	[sflag:s6] =	ssyncset.done $0x0  }
0x69: {  	s13 =	simm.s32 $0x0;
	s8 =	rddreg [dreg:$0x4];
	[sflag:s6] =	ssyncadd.s32 $0xFFFFE000  }
.LBB2_2:
0x6a: {  	s14 =	simm.s32 @!p0 $0xC;
	s8 =	sadd.s32 s13, s8  }
0x6b: {  	[hbm4b:s8+s3] =	stream.linear.scatter [tilespmem:s1], [sflag:$0xF], $0x2000, $0x38;
	[tilespmem:$0xA280] =	vst v63  }
0x6c: {  	_ =	swait.ge @!p0 [sflag:s14], $0x2000  }
0x6d: {  	[sflag:s14] =	ssyncset.done @!p0 $0x0  }
0x6e: {  	[sflag:s14] =	ssyncadd.s32 @!p0 $0xFFFFE000  }
0x6f: {  	_ =	swait.ge [sflag:s19], $0x40  }
0x70: {  	[sflag:s19] =	ssyncset.done $0x0  }
0x71: {  	s14 =	simm.s32 $0x80;
	[sflag:s19] =	ssyncadd.s32 $0xFFFFFFC0  }
0x72: {  	[tilespmem:s20], [sflag:$0x7] =	stream.indirect.gather [hbm4b:s2+s17], $0x80, s14, s17, $0xb8;
	[tilespmem:$0xA280] =	vst v63  }
0x73: {  	_ = 	snop  }
0x74: {  	[tilespmem:s21], [sflag:$0x4] =	stream.linear.gather [hbm4b:s11+s3], $0x40, $0x38;
	[tilespmem:$0xA280] =	vst v63  }
0x75: {  	s13 =	smov.u32 s5;
	_ =	swait.ge [sflag:s22], $0x2000  }
0x76: {  	s14 =	simm.s32 @!p0 $0xD;
	s15 =	rddreg [dreg:$0x3];
	[sflag:s22] =	ssyncset.done $0x0  }
0x77: {  	[sflag:s22] =	ssyncadd.s32 $0xFFFFE000;
	s8 =	sadd.s32 s13, s15;
	s15 =	simm.s32 $0x280  }
0x78: {  	[hbm4b:s8+s3] =	stream.linear.scatter [tilespmem:s15], [sflag:$0xB], $0x2000, $0x38;
	[tilespmem:$0xA280] =	vst v63  }
0x79: {  	_ =	swait.ge @!p0 [sflag:s14], $0x2000  }
0x7a: {  	[sflag:s14] =	ssyncset.done @!p0 $0x0  }
0x7b: {  	[sflag:s14] =	ssyncadd.s32 @!p0 $0xFFFFE000  }
0x7c: {  	_ =	swait.ge [sflag:s23], $0x40  }
0x7d: {  	[sflag:s23] =	ssyncset.done $0x0  }
0x7e: {  	s18 =	simm.s32 $0x100;
	[sflag:s23] =	ssyncadd.s32 $0xFFFFFFC0  }
0x7f: {  	[tilespmem:s24], [sflag:$0x8] =	stream.indirect.gather [hbm4b:s2+s17], $0x80, s18, s17, $0xb8;
	[tilespmem:$0xA280] =	vst v63  }
0x80: {  	_ = 	snop  }
0x81: {  	[tilespmem:s25], [sflag:$0x5] =	stream.linear.gather [hbm4b:s10+s3], $0x40, $0x38;
	[tilespmem:$0xA280] =	vst v63  }
0x82: {  	_ =	swait.ge [sflag:s26], $0x2000  }
0x83: {  	s14 =	rddreg [dreg:$0x7];
	[sflag:s26] =	ssyncset.done $0x0  }
0x84: {  	[sflag:s26] =	ssyncadd.s32 $0xFFFFE000;
	s8 =	sadd.s32 s13, s14;
	s14 =	simm.s32 @!p0 $0xE  }
0x85: {  	[hbm4b:s8+s3] =	stream.linear.scatter [tilespmem:s20], [sflag:$0xC], $0x2000, $0x38;
	[tilespmem:$0xA280] =	vst v63  }
0x86: {  	_ =	swait.ge @!p0 [sflag:s14], $0x2000  }
0x87: {  	[sflag:s14] =	ssyncset.done @!p0 $0x0  }
0x88: {  	[sflag:s14] =	ssyncadd.s32 @!p0 $0xFFFFE000  }
0x89: {  	_ =	swait.ge [sflag:s28], $0x40  }
0x8a: {  	p3 =	seq.s32 s13, $0x5000;
	[sflag:s28] =	ssyncset.done $0x0  }
0x8b: {  	s14 =	sshrl.u32 @!p3 s9, $0x3;
	[sflag:s28] =	ssyncadd.s32 $0xFFFFFFC0  }
0x8c: {  	[tilespmem:s29], [sflag:$0x9] =	stream.indirect.gather [hbm4b:s2+s17], $0x80, s21, s17, $0xb8;
	[tilespmem:$0xA280] =	vst v63  }
0x8d: {  	s8 =	simm.s32 @!p3 $0x0;
	s14 =	sadd.s32 @!p3 s4, s14  }
0x8e: {  	[tilespmem:s8], [sflag:$0x1] =	stream.linear.gather @!p3 [hbm4b:s14+s8], $0x40, $0x38;
	[tilespmem:$0xA280] =	vst v63  }
0x8f: {  	_ =	swait.ge [sflag:s30], $0x2000  }
0x90: {  	s15 =	rddreg [dreg:$0x6];
	[sflag:s30] =	ssyncset.done $0x0  }
0x91: {  	[sflag:s30] =	ssyncadd.s32 $0xFFFFE000;
	s14 =	sadd.s32 s13, s15;
	s15 =	simm.s32 @!p0 $0xF  }
0x92: {  	[hbm4b:s14+s3] =	stream.linear.scatter [tilespmem:s24], [sflag:$0xD], $0x2000, $0x38;
	[tilespmem:$0xA280] =	vst v63  }
0x93: {  	_ =	swait.ge @!p0 [sflag:s15], $0x2000  }
0x94: {  	[sflag:s15] =	ssyncset.done @!p0 $0x0  }
0x95: {  	[sflag:s15] =	ssyncadd.s32 @!p0 $0xFFFFE000  }
0x96: {  	_ =	swait.ge [sflag:s31], $0x40  }
0x97: {  	[sflag:s31] =	ssyncset.done $0x0  }
0x98: {  	[sflag:s31] =	ssyncadd.s32 $0xFFFFFFC0  }
0x99: {  	[tilespmem:s1], [sflag:$0xA] =	stream.indirect.gather [hbm4b:s2+s17], $0x80, s25, s17, $0xb8;
	[tilespmem:$0xA280] =	vst v63  }
0x9a: {  	s14 =	simm.s32 @!p3 $0x80  }
0x9b: {  	[tilespmem:s14], [sflag:$0x2] =	stream.linear.gather @!p3 [hbm4b:s7+s8], $0x40, $0x38;
	[tilespmem:$0xA280] =	vst v63  }
0x9c: {  	_ =	swait.ge [sflag:s0], $0x2000  }
0x9d: {  	s18 =	rddreg [dreg:$0x5];
	[sflag:s0] =	ssyncset.done $0x0  }
0x9e: {  	s15 =	simm.s32 @!p3 $0xB;
	[sflag:s0] =	ssyncadd.s32 $0xFFFFE000;
	s14 =	sadd.s32 s13, s18  }
0x9f: {  	[hbm4b:s14+s3] =	stream.linear.scatter [tilespmem:s29], [sflag:$0xE], $0x2000, $0x38;
	[tilespmem:$0xA280] =	vst v63  }
0xa0: {  	_ =	swait.ge @!p3 [sflag:s15], $0x2000  }
0xa1: {  	[sflag:s15] =	ssyncset.done @!p3 $0x0  }
0xa2: {  	p2 =	seq.s32 s12, $0x0;
	s14 =	simm.s32 @!p3 $0x1;
	[sflag:s15] =	ssyncadd.s32 @!p3 $0xFFFFE000  }
0xa3: {  	s5 =	smov.u32 s12;
	s12 =	sadd.s32 $0x1400, s12;
	_ =	swait.ge @!p3 [sflag:s14], $0x40  }
0xa4: {  	p1 =	sne.s32 s12, $0x6400;
	[sflag:s14] =	ssyncset.done @!p3 $0x0  }
0xa5: {  	s18 =	simm.s32 @!p3 $0x280;
	s15 =	simm.s32 @!p3 $0x40;
	[sflag:s14] =	ssyncadd.s32 @!p3 $0xFFFFFFC0  }
0xa6: {  	[tilespmem:s18], [sflag:$0x6] =	stream.indirect.gather @!p3 [hbm4b:s2+s15], $0x80, s8, s15, $0xb8;
	[tilespmem:$0xA280] =	vst v63  }
.Ltmp0:
0xa7: {  	s11 =	sadd.s32 $0x28, s11;
	s14 =	simm.s32 @!p3 $0x100;
	(pc) =	sbr.rel @p1 .LBB2_2-.Ltmp0, $4  }
0xa8: {  	[tilespmem:s14], [sflag:$0x3] =	stream.linear.gather @!p3 [hbm4b:s16+s8], $0x40, $0x38;
	[tilespmem:$0xA280] =	vst v63  }
0xa9: {  	s10 =	sadd.s32 $0x28, s10;
	s9 =	sadd.s32 $0x140, s9;
	_ =	swait.ge [sflag:s6], $0x2000  }
0xaa: {  	p0 =	por p2, p2;
	s7 =	sadd.s32 $0x28, s7;
	[sflag:s6] =	ssyncset.done $0x0  }
0xab: {  	s16 =	sadd.s32 $0x28, s16;
	s8 =	rddreg [dreg:$0x4];
	[sflag:s6] =	ssyncadd.s32 $0xFFFFE000  }
0xac: {  	s8 =	sadd.s32 s13, s8  }
0xad: {  	[hbm4b:s8+s3] =	stream.linear.scatter [tilespmem:s1], [sflag:$0xF], $0x2000, $0x38;
	[tilespmem:$0xA280] =	vst v63  }
0xae: {  	s8 =	simm.s32 @!p0 $0xC  }
0xaf: {  	_ =	swait.ge @!p0 [sflag:s8], $0x2000  }
0xb0: {  	[sflag:s8] =	ssyncset.done @!p0 $0x0  }
0xb1: {  	[sflag:s8] =	ssyncadd.s32 @!p0 $0xFFFFE000  }
0xb2: {  	_ =	swait.ge [sflag:s19], $0x40  }
0xb3: {  	[sflag:s19] =	ssyncset.done $0x0  }
0xb4: {  	s18 =	simm.s32 $0x80;
	[sflag:s19] =	ssyncadd.s32 $0xFFFFFFC0  }
0xb5: {  	[tilespmem:s20], [sflag:$0x7] =	stream.indirect.gather [hbm4b:s2+s17], $0x80, s18, s17, $0xb8;
	[tilespmem:$0xA280] =	vst v63  }
0xb6: {  	_ = 	snop  }
0xb7: {  	[tilespmem:s21], [sflag:$0x4] =	stream.linear.gather [hbm4b:s11+s3], $0x40, $0x38;
	[tilespmem:$0xA280] =	vst v63  }
0xb8: {  	_ =	swait.ge [sflag:s22], $0x2000  }
0xb9: {  	s12 =	rddreg [dreg:$0x3];
	[sflag:s22] =	ssyncset.done $0x0  }
0xba: {  	s13 =	simm.s32 $0x280;
	[sflag:s22] =	ssyncadd.s32 $0xFFFFE000;
	s8 =	sadd.s32 s5, s12  }
0xbb: {  	[hbm4b:s8+s3] =	stream.linear.scatter [tilespmem:s13], [sflag:$0xB], $0x2000, $0x38;
	[tilespmem:$0xA280] =	vst v63  }
0xbc: {  	s8 =	simm.s32 @!p0 $0xD  }
0xbd: {  	_ =	swait.ge @!p0 [sflag:s8], $0x2000  }
0xbe: {  	[sflag:s8] =	ssyncset.done @!p0 $0x0  }
0xbf: {  	[sflag:s8] =	ssyncadd.s32 @!p0 $0xFFFFE000  }
0xc0: {  	_ =	swait.ge [sflag:s23], $0x40  }
0xc1: {  	[sflag:s23] =	ssyncset.done $0x0  }
0xc2: {  	s14 =	simm.s32 $0x100;
	[sflag:s23] =	ssyncadd.s32 $0xFFFFFFC0  }
0xc3: {  	[tilespmem:s24], [sflag:$0x8] =	stream.indirect.gather [hbm4b:s2+s17], $0x80, s14, s17, $0xb8;
	[tilespmem:$0xA280] =	vst v63  }
0xc4: {  	_ = 	snop  }
0xc5: {  	[tilespmem:s25], [sflag:$0x5] =	stream.linear.gather [hbm4b:s10+s3], $0x40, $0x38;
	[tilespmem:$0xA280] =	vst v63  }
0xc6: {  	_ =	swait.ge [sflag:s26], $0x2000  }
0xc7: {  	s15 =	rddreg [dreg:$0x7];
	[sflag:s26] =	ssyncset.done $0x0  }
0xc8: {  	[sflag:s26] =	ssyncadd.s32 $0xFFFFE000;
	s8 =	sadd.s32 s5, s15  }
0xc9: {  	[hbm4b:s8+s3] =	stream.linear.scatter [tilespmem:s20], [sflag:$0xC], $0x2000, $0x38;
	[tilespmem:$0xA280] =	vst v63  }
0xca: {  	s8 =	simm.s32 @!p0 $0xE  }
0xcb: {  	_ =	swait.ge @!p0 [sflag:s8], $0x2000  }
0xcc: {  	[sflag:s8] =	ssyncset.done @!p0 $0x0  }
0xcd: {  	[sflag:s8] =	ssyncadd.s32 @!p0 $0xFFFFE000  }
0xce: {  	_ =	swait.ge [sflag:s28], $0x40  }
0xcf: {  	p1 =	seq.s32 s5, $0x5000;
	[sflag:s28] =	ssyncset.done $0x0  }
0xd0: {  	s8 =	sshrl.u32 @!p1 s9, $0x3;
	[sflag:s28] =	ssyncadd.s32 $0xFFFFFFC0  }
0xd1: {  	[tilespmem:s29], [sflag:$0x9] =	stream.indirect.gather [hbm4b:s2+s17], $0x80, s21, s17, $0xb8;
	[tilespmem:$0xA280] =	vst v63  }
0xd2: {  	s9 =	simm.s32 @!p1 $0x0;
	s8 =	sadd.s32 @!p1 s4, s8  }
0xd3: {  	[tilespmem:s9], [sflag:$0x1] =	stream.linear.gather @!p1 [hbm4b:s8+s9], $0x40, $0x38;
	[tilespmem:$0xA280] =	vst v63  }
0xd4: {  	_ =	swait.ge [sflag:s30], $0x2000  }
0xd5: {  	s18 =	rddreg [dreg:$0x6];
	[sflag:s30] =	ssyncset.done $0x0  }
0xd6: {  	[sflag:s30] =	ssyncadd.s32 $0xFFFFE000;
	s8 =	sadd.s32 s5, s18  }
0xd7: {  	[hbm4b:s8+s3] =	stream.linear.scatter [tilespmem:s24], [sflag:$0xD], $0x2000, $0x38;
	[tilespmem:$0xA280] =	vst v63  }
0xd8: {  	s8 =	simm.s32 @!p0 $0xF  }
0xd9: {  	_ =	swait.ge @!p0 [sflag:s8], $0x2000  }
0xda: {  	[sflag:s8] =	ssyncset.done @!p0 $0x0  }
0xdb: {  	[sflag:s8] =	ssyncadd.s32 @!p0 $0xFFFFE000  }
0xdc: {  	_ =	swait.ge [sflag:s31], $0x40  }
0xdd: {  	[sflag:s31] =	ssyncset.done $0x0  }
0xde: {  	[sflag:s31] =	ssyncadd.s32 $0xFFFFFFC0  }
0xdf: {  	[tilespmem:s1], [sflag:$0xA] =	stream.indirect.gather [hbm4b:s2+s17], $0x80, s25, s17, $0xb8;
	[tilespmem:$0xA280] =	vst v63  }
0xe0: {  	s8 =	simm.s32 @!p1 $0x80  }
0xe1: {  	[tilespmem:s8], [sflag:$0x2] =	stream.linear.gather @!p1 [hbm4b:s7+s9], $0x40, $0x38;
	[tilespmem:$0xA280] =	vst v63  }
0xe2: {  	_ =	swait.ge [sflag:s0], $0x2000  }
0xe3: {  	s8 =	rddreg [dreg:$0x5];
	[sflag:s0] =	ssyncset.done $0x0  }
0xe4: {  	[sflag:s0] =	ssyncadd.s32 $0xFFFFE000;
	s7 =	sadd.s32 s5, s8;
	s8 =	simm.s32 @!p1 $0xB  }
0xe5: {  	[hbm4b:s7+s3] =	stream.linear.scatter [tilespmem:s29], [sflag:$0xE], $0x2000, $0x38;
	[tilespmem:$0xA280] =	vst v63  }
0xe6: {  	_ =	swait.ge @!p1 [sflag:s8], $0x2000  }
0xe7: {  	[sflag:s8] =	ssyncset.done @!p1 $0x0  }
0xe8: {  	s7 =	simm.s32 @!p1 $0x1;
	[sflag:s8] =	ssyncadd.s32 @!p1 $0xFFFFE000  }
0xe9: {  	_ =	swait.ge @!p1 [sflag:s7], $0x40  }
0xea: {  	[sflag:s7] =	ssyncset.done @!p1 $0x0  }
0xeb: {  	s8 =	simm.s32 @!p1 $0x40;
	[sflag:s7] =	ssyncadd.s32 @!p1 $0xFFFFFFC0;
	s7 =	simm.s32 @!p1 $0x280  }
0xec: {  	[tilespmem:s7], [sflag:$0x6] =	stream.indirect.gather @!p1 [hbm4b:s2+s8], $0x80, s9, s8, $0xb8;
	[tilespmem:$0xA280] =	vst v63  }
0xed: {  	s7 =	simm.s32 @!p1 $0x100  }
0xee: {  	[tilespmem:s7], [sflag:$0x3] =	stream.linear.gather @!p1 [hbm4b:s16+s9], $0x40, $0x38;
	[tilespmem:$0xA280] =	vst v63  }
0xef: {  	_ =	swait.ge [sflag:s6], $0x2000  }
0xf0: {  	s9 =	rddreg [dreg:$0x4];
	[sflag:s6] =	ssyncset.done $0x0  }
0xf1: {  	s11 =	simm.s32 $0xB;
	s10 =	sadd.s32 s5, s9;
	[sflag:s6] =	ssyncadd.s32 $0xFFFFE000  }
0xf2: {  	[hbm4b:s10+s3] =	stream.linear.scatter [tilespmem:s1], [sflag:$0xF], $0x2000, $0x38;
	[tilespmem:$0xA280] =	vst v63  }
0xf3: {  	_ =	swait.ge [sflag:s11], $0x2000  }
0xf4: {  	[sflag:s11] =	ssyncset.done $0x0  }
0xf5: {  	s12 =	simm.s32 $0xC;
	[sflag:s11] =	ssyncadd.s32 $0xFFFFE000  }
0xf6: {  	_ =	swait.ge [sflag:s12], $0x2000  }
0xf7: {  	[sflag:s12] =	ssyncset.done $0x0  }
0xf8: {  	s13 =	simm.s32 $0xD;
	[sflag:s12] =	ssyncadd.s32 $0xFFFFE000  }
0xf9: {  	_ =	swait.ge [sflag:s13], $0x2000  }
0xfa: {  	[sflag:s13] =	ssyncset.done $0x0  }
0xfb: {  	s14 =	simm.s32 $0xE;
	[sflag:s13] =	ssyncadd.s32 $0xFFFFE000  }
0xfc: {  	_ =	swait.ge [sflag:s14], $0x2000  }
0xfd: {  	[sflag:s14] =	ssyncset.done $0x0  }
0xfe: {  	s15 =	simm.s32 $0xF;
	[sflag:s14] =	ssyncadd.s32 $0xFFFFE000  }
0xff: {  	_ =	swait.ge [sflag:s15], $0x2000  }
0x100: {  	s16 =	rddreg [dreg:$0x11]  }
0x101: {  	s18 =	rddreg [dreg:$0xb];
	s8 =	sadd.s32 $0x1, s16  }
0x102: {  	p0 =	sne.s32 s8, s18  }
.Ltmp1:
0x103: {  	_ = 	snop;
	(pc) =	sbr.rel @p0 .LBB2_1-.Ltmp1, $3  }
0x104: {  	_ =	sdelay $0x1  }
0x105: {  	[sflag:s15] =	ssyncset.done $0x0  }
0x106: {  	[sflag:s15] =	ssyncadd.s32 $0xFFFFE000  }
0x107: {  	_ =	sfence.sel $0x180000  }
0x108: {  	[bflag:$0x0] =	sbarrier.arrive $0xFFFF  }
0x109: {  	_ =	strace $0x9000004A  }
0x10a: {  	s0 =	stileid.u32;
	[bflag:$0x2] =	sbarrier.arrive $0xFFFF  }
0x10b: {  	p0 =	sne.s32 s0, $0x0;
	s0 =	rddreg [dreg:$0x2]  }
0x10c: {  	s0 =	sadd.s32 @!p0 $0x100000, s0  }
0x10d: {  	[sflag:s0] =	ssyncadd.tile.s32 @!p0 $0x1;
	_ =	shalt  }
.Lfunc_end2:
_tile_overlayer_lowered:
.L_overlay_start_2:
0x10e: {  	(tag) =	ssettag $0x2  }
0x10f: {  	s0 =	rddreg [dreg:$0x0];
	s2 =	stileid.u32  }
0x110: {  	s1 =	rddreg [dreg:$0x1];
	p0 =	sne.s32 s2, $0x0  }
0x111: {  	s3 =	rddreg [dreg:$0x2];
	[bflag:$0x3] =	sbarrier.arrive $0xFFFF;
	s2 =	simm.s32 @!p0 $0x1C10  }
0x112: {  	[timem:s3], [sflag:s2] =	dma.local @!p0 [hbm:s0], s1  }
0x113: {  	s0 =	simm.s32 @!p0 $0x10  }
0x114: {  	_ =	swait.ge @!p0 [sflag:s0], s1  }
0x115: {  	s1 =	ssub.s32 @!p0 $0x0, s1;
	[sflag:s0] =	ssyncset.done @!p0 $0x0  }
0x116: {  	[sflag:s0] =	ssyncadd.s32 @!p0 s1  }
0x117: {  	[bflag:$0x3] =	sbarrier.arrive $0xFFFF  }
0x118: {  	_ =	shalt  }

// kernel: kernel.19.cloned.1.call-start
scs
__scs_entry_jumppad:
0x0: {  	(pc) =	sbr.rel $0x88, $3  }
0x1: {  	(tag) =	ssettag $0x0;
	lr =	simm.s32 $0x1  }
0x2: {  	[smem:$0x3F9F] =	sst lr;
	_ =	strace $0xD0000000  }
0x3: {  	_ = 	snop  }
0x4: {  	_ = 	snop  }
0x5: {  	_ = 	snop  }
0x6: {  	_ = 	snop  }
0x7: {  	_ = 	snop  }
__scs_overlays_trampoline_lowered:
0x8: {  	[smem:$0x3FAE] =	sst s0  }
0x9: {  	[smem:$0x3FAF] =	sst s1  }
0xa: {  	[smem:$0x3FB0] =	sst s2  }
0xb: {  	[smem:$0x3FB1] =	sst s3  }
0xc: {  	[smem:$0x3FB2] =	sst s4  }
0xd: {  	[smem:$0x3FB3] =	sst s5  }
0xe: {  	[smem:$0x3FB4] =	sst s6  }
0xf: {  	[smem:$0x3FB5] =	sst s7  }
0x10: {  	[smem:$0x3FB6] =	sst s8  }
0x11: {  	[smem:$0x3FB7] =	sst s9;
	s0 =	simm.s32 @!p0 $0x0  }
0x12: {  	s1 =	sld [smem:$0x3F9D];
	s0 =	simm.s32 @p0 $0x1  }
0x13: {  	[smem:$0x3FB8] =	sst s0;
	s0 =	simm.s32 @!p1 $0x0  }
0x14: {  	s2 =	sld [smem:$0x3F9C];
	s0 =	simm.s32 @p1 $0x1  }
0x15: {  	[smem:$0x3FB9] =	sst s0;
	s0 =	simm.s32 @!p2 $0x0  }
0x16: {  	s3 =	sld [smem:$0x3FDB];
	s0 =	simm.s32 @p2 $0x1  }
0x17: {  	s4 =	simm.s32 $0x1BF5;
	[smem:$0x3FBB] =	sst s0  }
0x18: {  	s0 =	sld [smem:$0x3F9E];
	_ =	swait.ge [sflag:s4], $0x0  }
0x19: {  	s7 =	sld [smem:$0x3F9F]  }
0x1a: {  	s8 =	sadd.s32 $0xFFFFE003, lr  }
0x1b: {  	s9 =	sadd.s32 $0xFFFFFEF7, lr;
	s5 =	simm.s32 $0xFFFFFFFF;
	p2 =	slt.u32 s8, $0xFFFFF086  }
0x1c: {  	p1 =	slt.u32 s9, $0xF7A;
	s5 =	simm.s32 @!p2 $0x0  }
0x1d: {  	s5 =	simm.s32 @p1 $0x1;
	p0 =	seq.s32 s7, s2  }
0x1e: {  	s7 =	smul.u32 @!p0 $0xF7A, s2;
	p2 =	seq.s32 @!p0 s5, $0x0  }
0x1f: {  	s9 =	smul.u32 $0xF7A, s1;
	s8 =	simm.s32 @!p0 $0x1BF5;
	p2 =	por !p2, p0  }
0x20: {  	[sflag:s8] =	ssyncset.s32 @!p0 $0xFFFFF086;
	s6 =	sadd.s32 @!p0 s3, s7;
	s7 =	simm.s32 @!p0 $0x108  }
0x21: {  	s3 =	sadd.s32 s3, s9;
	s6 =	sadd.s32 @!p0 $0x88, s6;
	s7 =	simm.s32 @p2 $0x1082  }
0x22: {  	[simem:s7], [sflag:s8] =	dma.local @!p0 [hbm:s6], $0xF7A  }
0x23: {  	s9 =	sor.u32 $0xD0000000, s2;
	s6 =	simm.s32 $0x108;
	_ =	swait.ge @!p0 [sflag:s8], $0x0  }
0x24: {  	s3 =	sadd.s32 $0x88, s3;
	s6 =	simm.s32 @!p1 $0x1082;
	[sflag:s4] =	ssyncset.s32 $0xFFFFF086  }
0x25: {  	[simem:s6], [sflag:s4] =	dma.local [hbm:s3], $0xF7A  }
0x26: {  	[smem:$0x3F9F] =	sst s1;
	(tag) =	ssettag s2;
	_ =	strace s9  }
0x27: {  	s1 =	sld [smem:$0x3FAF]  }
0x28: {  	s2 =	sld [smem:$0x3FB0]  }
0x29: {  	s4 =	sld [smem:$0x3FB2]  }
0x2a: {  	p0 =	seq.s32 s5, $0x0;
	s5 =	sld [smem:$0x3FB3]  }
0x2b: {  	s6 =	sld [smem:$0x3FB4]  }
0x2c: {  	s7 =	sld [smem:$0x3FB5]  }
0x2d: {  	s3 =	simm.s32 $0x108;
	s8 =	sld [smem:$0x3FB6]  }
0x2e: {  	s3 =	simm.s32 @!p0 $0x1082;
	s9 =	sld [smem:$0x3FB7]  }
0x2f: {  	lr =	sadd.s32 s0, s3;
	s0 =	sld [smem:$0x3FAE]  }
0x30: {  	s3 =	sld [smem:$0x3FB1]  }
0x31: {  	[smem:$0x3FBA] =	sst s10  }
0x32: {  	s10 =	sld [smem:$0x3FB8];
	_ =	sdelay $0x3  }
0x33: {  	p0 =	seq.s32 s10, $0x1;
	s10 =	sld [smem:$0x3FBA];
	_ =	sdelay $0x3  }
0x34: {  	[smem:$0x3FBA] =	sst s10  }
0x35: {  	s10 =	sld [smem:$0x3FB9];
	_ =	sdelay $0x3  }
0x36: {  	p1 =	seq.s32 s10, $0x1;
	s10 =	sld [smem:$0x3FBA];
	_ =	sdelay $0x3  }
0x37: {  	[smem:$0x3FBA] =	sst s10  }
0x38: {  	s10 =	sld [smem:$0x3FBB]  }
0x39: {  	_ = 	snop;
	(pc) =	sbr.ind lr, $3  }
0x3a: {  	_ = 	snop  }
0x3b: {  	_ = 	snop  }
0x3c: {  	p2 =	seq.s32 s10, $0x1;
	s10 =	sld [smem:$0x3FBA]  }
0x3d: {  	_ =	shalt  }
0x3e: {  	_ =	shalt  }
0x3f: {  	_ =	shalt  }
0x40: {  	_ =	shalt  }
0x41: {  	_ =	shalt  }
0x42: {  	_ =	shalt  }
0x43: {  	_ =	shalt  }
0x44: {  	_ =	shalt  }
0x45: {  	_ =	shalt  }
0x46: {  	_ =	shalt  }
0x47: {  	_ =	shalt  }
0x48: {  	_ =	shalt  }
0x49: {  	_ =	shalt  }
0x4a: {  	_ =	shalt  }
0x4b: {  	_ =	shalt  }
0x4c: {  	_ =	shalt  }
0x4d: {  	_ =	shalt  }
0x4e: {  	_ =	shalt  }
0x4f: {  	_ =	shalt  }
0x50: {  	_ =	shalt  }
0x51: {  	_ =	shalt  }
0x52: {  	_ =	shalt  }
0x53: {  	_ =	shalt  }
0x54: {  	_ =	shalt  }
0x55: {  	_ =	shalt  }
0x56: {  	_ =	shalt  }
0x57: {  	_ =	shalt  }
0x58: {  	_ =	shalt  }
0x59: {  	_ =	shalt  }
0x5a: {  	_ =	shalt  }
0x5b: {  	_ =	shalt  }
0x5c: {  	_ =	shalt  }
0x5d: {  	_ =	shalt  }
0x5e: {  	_ =	shalt  }
0x5f: {  	_ =	shalt  }
0x60: {  	_ =	shalt  }
0x61: {  	_ =	shalt  }
0x62: {  	_ =	shalt  }
0x63: {  	_ =	shalt  }
0x64: {  	_ =	shalt  }
0x65: {  	_ =	shalt  }
0x66: {  	_ =	shalt  }
0x67: {  	_ =	shalt  }
0x68: {  	_ =	shalt  }
0x69: {  	_ =	shalt  }
0x6a: {  	_ =	shalt  }
0x6b: {  	_ =	shalt  }
0x6c: {  	_ =	shalt  }
0x6d: {  	_ =	shalt  }
0x6e: {  	_ =	shalt  }
0x6f: {  	_ =	shalt  }
0x70: {  	_ =	shalt  }
0x71: {  	_ =	shalt  }
0x72: {  	_ =	shalt  }
0x73: {  	_ =	shalt  }
0x74: {  	_ =	shalt  }
0x75: {  	_ =	shalt  }
0x76: {  	_ =	shalt  }
0x77: {  	_ =	shalt  }
0x78: {  	_ =	shalt  }
0x79: {  	_ =	shalt  }
0x7a: {  	_ =	shalt  }
0x7b: {  	_ =	shalt  }
0x7c: {  	_ =	shalt  }
0x7d: {  	_ =	shalt  }
0x7e: {  	_ =	shalt  }
0x7f: {  	_ =	shalt  }
0x80: {  	_ =	shalt  }
0x81: {  	_ =	shalt  }
0x82: {  	_ =	shalt  }
0x83: {  	_ =	shalt  }
0x84: {  	_ =	shalt  }
0x85: {  	_ =	shalt  }
0x86: {  	_ =	shalt  }
0x87: {  	_ =	shalt  }
.Lfunc_end0:
.L_simem_size_0:
called_computation.3_lowered:
.L_overlay_start_0:
0x88: {  	s2 =	sld [smem:$0x3FD9]  }
0x89: {  	s3 =	sld [smem:$0x3FFE];
	_ =	sdelay $0x1  }
0x8a: {  	s1 =	srdreg.scid  }
0x8b: {  	s0 =	sand.u32 $0x1, s1  }
0x8c: {  	s17 =	sshll.u32 s0, $0xA;
	s2 =	sadd.s32 s3, s2  }
0x8d: {  	s2 =	sadd.s32 s2, s17  }
0x8e: {  	[smem:$0x3FC6] =	sst s2  }
0x8f: {  	_ = 	snop  }
0x90: {  	s18 =	sld [smem:$0x3FC8];
	(tm) =	ssettm $0x1  }
0x91: {  	s19 =	sld [smem:$0x3FFB];
	_ =	sdelay $0x3  }
0x92: {  	_ =	strace s19  }
0x93: {  	s2 =	sld [smem:$0x3FFC];
	_ =	sdelay $0x3  }
0x94: {  	_ =	strace s2  }
0x95: {  	s2 =	sld [smem:$0x3FFD];
	_ =	sdelay $0x3  }
0x96: {  	_ =	strace s2  }
0x97: {  	_ =	strace $0x8FFFFFFF  }
0x98: {  	s20 =	sld [smem:$0x3FDB];
	_ =	sdelay $0x1  }
0x99: {  	s4 =	simm.s32 $_scs_section_size  }
0x9a: {  	s5 =	simm.s32 $_size__tile_overlayer_lowered;
	s6 =	simm.s32 $_tile_overlayer_lowered  }
0x9b: {  	s7 =	simm.s32 $0x1BFF;
	s21 =	sshll.u32 s6, $0x1;
	s4 =	sadd.s32 s4, s20  }
0x9c: {  	s22 =	simm.s32 $0x0;
	s5 =	sshll.u32 s5, $0x1;
	s6 =	sadd.s32 s21, s4  }
0x9d: {  	[timem:s22], [sflag:s7] =	dma.local [hbm:s6], s5  }
0x9e: {  	_ =	swait.ge [sflag:s7], s5  }
0x9f: {  	s5 =	ssub.s32 $0x0, s5;
	[sflag:s7] =	ssyncset.done $0x0  }
0xa0: {  	[sflag:s7] =	ssyncadd.s32 s5;
	_ =	sdelay $0x1  }
0xa1: {  	s23 =	simm.s32 $0x1B8B  }
0xa2: {  	_ =	swait.ge [sflag:s23], $0x1  }
0xa3: {  	[sflag:s23] =	ssyncset.done $0x0  }
0xa4: {  	[sflag:s23] =	ssyncadd.s32 $0xFFFFFFFF  }
0xa5: {  	s5 =	sld [smem:$0x0]  }
0xa6: {  	s6 =	sand.u32 $0xFFFFFFFE, s1  }
0xa7: {  	p0 =	sne.s32 s1, s6  }
0xa8: {  	s6 =	sshll.u32 @p0 s6, $0xE  }
0xa9: {  	s6 =	sadd.s32 @p0 $0x11B8D, s6;
	s7 =	sshll.u32 @p0 s5, $0x11  }
0xaa: {  	s6 =	sor.u32 @p0 s7, s6  }
0xab: {  	[sflag:s6] =	ssyncadd.remote.s32 @p0 $0x1;
	_ =	sdelay $0x1  }
0xac: {  	s6 =	simm.s32 @p0 $0x1B8D  }
0xad: {  	_ =	swait.eq @p0 [sflag:s6], $0x1  }
0xae: {  	[sflag:s6] =	ssyncadd.s32 @p0 $0xFFFFFFFF  }
0xaf: {  	s7 =	sshll.u32 @!p0 s1, $0xE  }
0xb0: {  	s7 =	sor.u32 @!p0 $0x4000, s7;
	s6 =	simm.s32 @!p0 $0x1B8D  }
0xb1: {  	s5 =	sshll.u32 @!p0 s5, $0x11;
	s7 =	sadd.s32 @!p0 $0x11B8D, s7;
	_ =	swait.eq @!p0 [sflag:s6], $0x1  }
0xb2: {  	s5 =	sor.u32 @!p0 s5, s7;
	[sflag:s6] =	ssyncadd.s32 @!p0 $0xFFFFFFFF  }
0xb3: {  	s25 =	simm.s32 $0x1B8E;
	s24 =	sld [smem:$0x3FFE];
	[sflag:s5] =	ssyncadd.remote.s32 @!p0 $0x1  }
0xb4: {  	s26 =	simm.s32 $execute0_lowered;
	[smem:$0x3FD2] =	sst s25  }
0xb5: {  	s6 =	sshll.u32 s26, $0x1;
	_ =	strace $0x8000004C;
	[dreg:$0x1] =	wrdreg $0xFFFFFFFF  }
0xb6: {  	s28 =	simm.s32 $_size_execute0_lowered;
	s4 =	sadd.s32 s4, s6;
	[dreg:$0x0] =	wrdreg $0x0  }
0xb7: {  	s6 =	sshll.u32 s28, $0x1;
	[dreg:$0x2] =	wrdreg s4  }
0xb8: {  	[dreg:$0x3] =	wrdreg s6  }
0xb9: {  	[dreg:$0x4] =	wrdreg $0xC0  }
0xba: {  	_ =	task [dreg:s22], $0x5FFFF  }
0xbb: {  	[dreg:$0x1] =	wrdreg $0xFFFFFFFF  }
0xbc: {  	[dreg:$0x0] =	wrdreg $0x60  }
0xbd: {  	[dreg:$0x2] =	wrdreg s24  }
0xbe: {  	[dreg:$0x3] =	wrdreg s18  }
0xbf: {  	[dreg:$0x4] =	wrdreg $0xC  }
0xc0: {  	_ =	task.clear_ibuf [dreg:s22], $0x5FFFF;
	_ =	strace $0x9000004C  }
0xc1: {  	s29 =	simm.s32 $0xC;
	_ =	strace $0x8000004E  }
0xc2: {  	_ =	swait.ge [sflag:s29], $0x1  }
0xc3: {  	[sflag:s29] =	ssyncadd.s32 $0xFFFFFFFF  }
0xc4: {  	_ =	strace $0x9000004E  }
0xc5: {  	_ =	sfence  }
0xc6: {  	s30 =	sld [smem:$0x0];
	_ =	sdelay $0x2  }
0xc7: {  	s31 =	sshll.u32 s1, $0xD;
	s1 =	sshrl.u32 s1, $0x2  }
0xc8: {  	s4 =	sand.u32 $0x4000, s31;
	s1 =	sadd.s32 s1, s30  }
0xc9: {  	s0 =	sor.u32 s4, s0;
	s1 =	sshll.u32 s1, $0x11  }
0xca: {  	s0 =	sor.u32 s1, s0  }
0xcb: {  	s0 =	sadd.s32 $0x8F2B, s0  }
0xcc: {  	[sflag:s0] =	ssyncadd.remote.s32 $0x1  }
0xcd: {  	_ =	sfence.sel $0xFFFF  }
0xce: {  	[dreg:$0x0] =	wrdreg $0xFFFFFFFF;
	(pc) =	sbr.abs _section_cstart, $3  }
0xcf: {  	[dreg:$0x1] =	wrdreg $0xFFFFFFFF  }
0xd0: {  	_ =	task.clear_ibuf [dreg:s22], $0x2FFFF;
	_ =	strace $0x9FFFFFFF  }
0xd1: {  	(tm) =	ssettm $0x7FFFFFFF  }
tec
execute0_lowered:
.L_overlay_start_1:
0x0: {  	(tag) =	ssettag $0x1  }
0x1: {  	s0 =	rddreg [dreg:$0x0]  }
0x2: {  	s1 =	srdreg.scid;
	s9 =	stileid.u32  }
0x3: {  	s2 =	rddreg [dreg:$0x1];
	s3 =	simm.s32 $0x0;
	s7 =	smul.u32 $0xC80, s9  }
0x4: {  	s28 =	simm.s32 $0x4;
	s29 =	simm.s32 $0x6280;
	s11 =	smul.u32 $0xC800, s9  }
0x5: {  	s30 =	simm.s32 $0x8;
	s1 =	sand.u32 $0x1, s1;
	s13 =	smul.u32 $0x64000, s9  }
0x6: {  	s31 =	simm.s32 $0x5;
	s4 =	sshll.u32 s9, $0x1;
	s25 =	smul.u32 $0x640, s1  }
0x7: {  	[smem:$0x7FF] =	sst s3;
	s4 =	sor.u32 s1, s4;
	s15 =	smul.u32 $0x32000, s1  }
0x8: {  	_ =	strace $0x8000004D;
	s6 =	ssub.s32 $0x2, s1;
	s5 =	smul.u32 $0x640, s4  }
0x9: {  	s4 =	sadd.s32 $0x195E00, s0;
	s8 =	sshrl.u32 s6, $0x1;
	s0 =	sadd.s32 $0x197800, s0  }
0xa: {  	s1 =	smul.u32 $0x6400, s1;
	s6 =	ssub.s32 s6, s8;
	s17 =	sadd.s32 s11, s0  }
0xb: {  	s18 =	sadd.s32 s15, s13;
	s8 =	simm.s32 $0x0;
	s5 =	sshrl.u32 s5, $0x3  }
0xc: {  	s6 =	smax.u32 s6, $0x1;
	s1 =	sadd.s32 s1, s17;
	s20 =	sadd.s32 $0x8000, s18  }
0xd: {  	s22 =	sadd.s32 $0x6000, s18;
	s17 =	simm.s32 $0x40;
	[dreg:$0xb] =	wrdreg s6  }
0xe: {  	s10 =	sadd.s32 s4, s5;
	s5 =	sadd.s32 s25, s7;
	[dreg:$0x3] =	wrdreg s1  }
0xf: {  	s21 =	sshrl.u32 s20, $0x3;
	s25 =	sadd.s32 $0x4000, s18;
	s20 =	simm.s32 $0x2280  }
0x10: {  	s26 =	sadd.s32 $0x8, s10;
	[dreg:$0x8] =	wrdreg s10;
	s10 =	sadd.s32 $0x10, s10  }
0x11: {  	s12 =	sadd.s32 $0x1C0, s5;
	s14 =	sadd.s32 $0x180, s5;
	s19 =	sadd.s32 $0x140, s5  }
0x12: {  	s1 =	sadd.s32 s21, s0;
	s23 =	sadd.s32 $0x100, s5;
	[dreg:$0x9] =	wrdreg s26  }
0x13: {  	s5 =	sadd.s32 $0xC0, s5;
	s21 =	simm.s32 $0x180;
	[dreg:$0xa] =	wrdreg s10  }
0x14: {  	s6 =	sshrl.u32 s12, $0x3;
	s16 =	sshrl.u32 s14, $0x3;
	[dreg:$0xe] =	wrdreg s19  }
0x15: {  	[dreg:$0x4] =	wrdreg s1;
	s24 =	sshrl.u32 s23, $0x3;
	s26 =	sadd.s32 $0x2000, s18  }
0x16: {  	s5 =	sshrl.u32 s5, $0x3;
	s19 =	simm.s32 $0x2;
	s6 =	sadd.s32 s6, s4  }
0x17: {  	s23 =	simm.s32 $0x3;
	s1 =	sadd.s32 s24, s4;
	[dreg:$0xc] =	wrdreg s6  }
0x18: {  	s5 =	sadd.s32 s5, s4;
	s24 =	simm.s32 $0x4280;
	[dreg:$0xf] =	wrdreg s1  }
0x19: {  	s6 =	sadd.s32 s16, s4;
	s1 =	sshrl.u32 s25, $0x3;
	[dreg:$0x10] =	wrdreg s5  }
0x1a: {  	[dreg:$0xd] =	wrdreg s6;
	s6 =	sshrl.u32 s22, $0x3;
	s1 =	sadd.s32 s1, s0  }
0x1b: {  	s25 =	simm.s32 $0x200;
	s6 =	sadd.s32 s6, s0;
	[dreg:$0x6] =	wrdreg s1  }
0x1c: {  	s22 =	simm.s32 $0x6;
	[dreg:$0x5] =	wrdreg s6;
	s6 =	sshrl.u32 s26, $0x3  }
0x1d: {  	s1 =	simm.s32 $0x8280;
	s26 =	simm.s32 $0x7;
	s0 =	sadd.s32 s6, s0  }
0x1e: {  	s6 =	simm.s32 $0xA;
	[dreg:$0x7] =	wrdreg s0;
	s0 =	simm.s32 $0x9  }
.LBB2_1:
0x1f: {  	[dreg:$0x11] =	wrdreg s8  }
0x20: {  	s5 =	rddreg [dreg:$0x8]  }
0x21: {  	[tilespmem:s3], [sflag:$0x1] =	stream.linear.gather [hbm4b:s5+s3], $0x40, $0x38;
	[tilespmem:$0xA280] =	vst v63  }
0x22: {  	s10 =	rddreg [dreg:$0x9];
	s7 =	simm.s32 $0x80  }
0x23: {  	[tilespmem:s7], [sflag:$0x2] =	stream.linear.gather [hbm4b:s10+s3], $0x40, $0x38;
	[tilespmem:$0xA280] =	vst v63  }
0x24: {  	s11 =	rddreg [dreg:$0xa];
	s12 =	simm.s32 $0x100;
	s13 =	simm.s32 $0x1  }
0x25: {  	[tilespmem:s12], [sflag:$0x3] =	stream.linear.gather [hbm4b:s11+s3], $0x40, $0x38;
	[tilespmem:$0xA280] =	vst v63  }
0x26: {  	p0 =	por $0x1, $0x1;
	_ =	swait.ge [sflag:s13], $0x40  }
0x27: {  	p0 =	por p0, p0;
	[sflag:s13] =	ssyncset.done $0x0  }
0x28: {  	s9 =	simm.s32 $0x280;
	s5 =	simm.s32 @!p0 $0xC;
	[sflag:s13] =	ssyncadd.s32 $0xFFFFFFC0  }
0x29: {  	[tilespmem:s9], [sflag:$0x6] =	stream.indirect.gather [hbm4b:s2+s17], $0x80, s3, s17, $0xb8;
	[tilespmem:$0xA280] =	vst v63  }
0x2a: {  	_ =	swait.ge @!p0 [sflag:s5], $0x2000  }
0x2b: {  	[sflag:s5] =	ssyncset.done @!p0 $0x0  }
0x2c: {  	[sflag:s5] =	ssyncadd.s32 @!p0 $0xFFFFE000  }
0x2d: {  	_ =	swait.ge [sflag:s19], $0x40  }
0x2e: {  	[sflag:s19] =	ssyncset.done $0x0  }
0x2f: {  	[sflag:s19] =	ssyncadd.s32 $0xFFFFFFC0  }
0x30: {  	[tilespmem:s20], [sflag:$0x7] =	stream.indirect.gather [hbm4b:s2+s17], $0x80, s7, s17, $0xb8;
	[tilespmem:$0xA280] =	vst v63  }
0x31: {  	s11 =	rddreg [dreg:$0x10]  }
0x32: {  	[tilespmem:s21], [sflag:$0x4] =	stream.linear.gather [hbm4b:s11+s3], $0x40, $0x38;
	[tilespmem:$0xA280] =	vst v63  }
0x33: {  	_ =	swait.ge [sflag:s22], $0x2000  }
0x34: {  	s14 =	rddreg [dreg:$0x3];
	[sflag:s22] =	ssyncset.done $0x0  }
0x35: {  	s7 =	simm.s32 @!p0 $0xD;
	[sflag:s22] =	ssyncadd.s32 $0xFFFFE000;
	s5 =	sadd.s32 $0x0, s14  }
0x36: {  	[hbm4b:s5+s3] =	stream.linear.scatter [tilespmem:s9], [sflag:$0xB], $0x2000, $0x38;
	[tilespmem:$0xA280] =	vst v63  }
0x37: {  	_ =	swait.ge @!p0 [sflag:s7], $0x2000  }
0x38: {  	[sflag:s7] =	ssyncset.done @!p0 $0x0  }
0x39: {  	[sflag:s7] =	ssyncadd.s32 @!p0 $0xFFFFE000  }
0x3a: {  	_ =	swait.ge [sflag:s23], $0x40  }
0x3b: {  	[sflag:s23] =	ssyncset.done $0x0  }
0x3c: {  	[sflag:s23] =	ssyncadd.s32 $0xFFFFFFC0  }
0x3d: {  	[tilespmem:s24], [sflag:$0x8] =	stream.indirect.gather [hbm4b:s2+s17], $0x80, s12, s17, $0xb8;
	[tilespmem:$0xA280] =	vst v63  }
0x3e: {  	s10 =	rddreg [dreg:$0xf]  }
0x3f: {  	[tilespmem:s25], [sflag:$0x5] =	stream.linear.gather [hbm4b:s10+s3], $0x40, $0x38;
	[tilespmem:$0xA280] =	vst v63  }
0x40: {  	_ =	swait.ge [sflag:s26], $0x2000  }
0x41: {  	s15 =	rddreg [dreg:$0x7];
	[sflag:s26] =	ssyncset.done $0x0  }
0x42: {  	s7 =	simm.s32 @!p0 $0xE;
	[sflag:s26] =	ssyncadd.s32 $0xFFFFE000;
	s5 =	sadd.s32 $0x0, s15  }
0x43: {  	[hbm4b:s5+s3] =	stream.linear.scatter [tilespmem:s20], [sflag:$0xC], $0x2000, $0x38;
	[tilespmem:$0xA280] =	vst v63  }
0x44: {  	_ =	swait.ge @!p0 [sflag:s7], $0x2000  }
0x45: {  	[sflag:s7] =	ssyncset.done @!p0 $0x0  }
0x46: {  	[sflag:s7] =	ssyncadd.s32 @!p0 $0xFFFFE000  }
0x47: {  	_ =	swait.ge [sflag:s28], $0x40  }
0x48: {  	p1 =	por $0x0, $0x0;
	[sflag:s28] =	ssyncset.done $0x0;
	s14 =	rddreg [dreg:$0xe]  }
0x49: {  	[sflag:s28] =	ssyncadd.s32 $0xFFFFFFC0;
	s5 =	sshrl.u32 @!p1 s14, $0x3  }
0x4a: {  	[tilespmem:s29], [sflag:$0x9] =	stream.indirect.gather [hbm4b:s2+s17], $0x80, s21, s17, $0xb8;
	[tilespmem:$0xA280] =	vst v63  }
0x4b: {  	s7 =	simm.s32 @!p1 $0x0;
	s5 =	sadd.s32 @!p1 s4, s5  }
0x4c: {  	[tilespmem:s7], [sflag:$0x1] =	stream.linear.gather @!p1 [hbm4b:s5+s7], $0x40, $0x38;
	[tilespmem:$0xA280] =	vst v63  }
0x4d: {  	_ =	swait.ge [sflag:s30], $0x2000  }
0x4e: {  	s16 =	rddreg [dreg:$0x6];
	[sflag:s30] =	ssyncset.done $0x0  }
0x4f: {  	s8 =	simm.s32 @!p0 $0xF;
	[sflag:s30] =	ssyncadd.s32 $0xFFFFE000;
	s5 =	sadd.s32 $0x0, s16  }
0x50: {  	[hbm4b:s5+s3] =	stream.linear.scatter [tilespmem:s24], [sflag:$0xD], $0x2000, $0x38;
	[tilespmem:$0xA280] =	vst v63  }
0x51: {  	_ =	swait.ge @!p0 [sflag:s8], $0x2000  }
0x52: {  	[sflag:s8] =	ssyncset.done @!p0 $0x0  }
0x53: {  	[sflag:s8] =	ssyncadd.s32 @!p0 $0xFFFFE000  }
0x54: {  	_ =	swait.ge [sflag:s31], $0x40  }
0x55: {  	[sflag:s31] =	ssyncset.done $0x0  }
0x56: {  	[sflag:s31] =	ssyncadd.s32 $0xFFFFFFC0  }
0x57: {  	[tilespmem:s1], [sflag:$0xA] =	stream.indirect.gather [hbm4b:s2+s17], $0x80, s25, s17, $0xb8;
	[tilespmem:$0xA280] =	vst v63  }
0x58: {  	s5 =	simm.s32 @!p1 $0x80;
	s13 =	rddreg [dreg:$0xd]  }
0x59: {  	[tilespmem:s5], [sflag:$0x2] =	stream.linear.gather @!p1 [hbm4b:s13+s7], $0x40, $0x38;
	[tilespmem:$0xA280] =	vst v63  }
0x5a: {  	_ =	swait.ge [sflag:s0], $0x2000  }
0x5b: {  	s18 =	rddreg [dreg:$0x5];
	[sflag:s0] =	ssyncset.done $0x0  }
0x5c: {  	s8 =	simm.s32 @!p1 $0xB;
	[sflag:s0] =	ssyncadd.s32 $0xFFFFE000;
	s5 =	sadd.s32 $0x0, s18  }
0x5d: {  	[hbm4b:s5+s3] =	stream.linear.scatter [tilespmem:s29], [sflag:$0xE], $0x2000, $0x38;
	[tilespmem:$0xA280] =	vst v63  }
0x5e: {  	_ =	swait.ge @!p1 [sflag:s8], $0x2000  }
0x5f: {  	[sflag:s8] =	ssyncset.done @!p1 $0x0  }
0x60: {  	s5 =	simm.s32 @!p1 $0x1;
	[sflag:s8] =	ssyncadd.s32 @!p1 $0xFFFFE000  }
0x61: {  	p6 =	por $0x0, $0x0;
	s11 =	sadd.s32 $0x28, s11;
	_ =	swait.ge @!p1 [sflag:s5], $0x40  }
0x62: {  	s9 =	simm.s32 @!p1 $0x280;
	s12 =	simm.s32 $0x2800;
	[sflag:s5] =	ssyncset.done @!p1 $0x0  }
0x63: {  	s10 =	sadd.s32 $0x28, s10;
	s8 =	simm.s32 @!p1 $0x40;
	[sflag:s5] =	ssyncadd.s32 @!p1 $0xFFFFFFC0  }
0x64: {  	[tilespmem:s9], [sflag:$0x6] =	stream.indirect.gather @!p1 [hbm4b:s2+s8], $0x80, s7, s8, $0xb8;
	[tilespmem:$0xA280] =	vst v63  }
0x65: {  	p0 =	por p6, p6;
	s5 =	simm.s32 @!p1 $0x100;
	s9 =	rddreg [dreg:$0xc]  }
0x66: {  	[tilespmem:s5], [sflag:$0x3] =	stream.linear.gather @!p1 [hbm4b:s9+s7], $0x40, $0x38;
	[tilespmem:$0xA280] =	vst v63  }
0x67: {  	s16 =	sadd.s32 $0x28, s9;
	s5 =	simm.s32 $0x1400;
	_ =	swait.ge [sflag:s6], $0x2000  }
0x68: {  	s7 =	sadd.s32 $0x28, s13;
	s9 =	sadd.s32 $0x140, s14;
	[sflag:s6] =	ssyncset.done $0x0  }
0x69: {  	s13 =	simm.s32 $0x0;
	s8 =	rddreg [dreg:$0x4];
	[sflag:s6] =	ssyncadd.s32 $0xFFFFE000  }
.LBB2_2:
0x6a: {  	s14 =	simm.s32 @!p0 $0xC;
	s8 =	sadd.s32 s13, s8  }
0x6b: {  	[hbm4b:s8+s3] =	stream.linear.scatter [tilespmem:s1], [sflag:$0xF], $0x2000, $0x38;
	[tilespmem:$0xA280] =	vst v63  }
0x6c: {  	_ =	swait.ge @!p0 [sflag:s14], $0x2000  }
0x6d: {  	[sflag:s14] =	ssyncset.done @!p0 $0x0  }
0x6e: {  	[sflag:s14] =	ssyncadd.s32 @!p0 $0xFFFFE000  }
0x6f: {  	_ =	swait.ge [sflag:s19], $0x40  }
0x70: {  	[sflag:s19] =	ssyncset.done $0x0  }
0x71: {  	s14 =	simm.s32 $0x80;
	[sflag:s19] =	ssyncadd.s32 $0xFFFFFFC0  }
0x72: {  	[tilespmem:s20], [sflag:$0x7] =	stream.indirect.gather [hbm4b:s2+s17], $0x80, s14, s17, $0xb8;
	[tilespmem:$0xA280] =	vst v63  }
0x73: {  	_ = 	snop  }
0x74: {  	[tilespmem:s21], [sflag:$0x4] =	stream.linear.gather [hbm4b:s11+s3], $0x40, $0x38;
	[tilespmem:$0xA280] =	vst v63  }
0x75: {  	s13 =	smov.u32 s5;
	_ =	swait.ge [sflag:s22], $0x2000  }
0x76: {  	s14 =	simm.s32 @!p0 $0xD;
	s15 =	rddreg [dreg:$0x3];
	[sflag:s22] =	ssyncset.done $0x0  }
0x77: {  	[sflag:s22] =	ssyncadd.s32 $0xFFFFE000;
	s8 =	sadd.s32 s13, s15;
	s15 =	simm.s32 $0x280  }
0x78: {  	[hbm4b:s8+s3] =	stream.linear.scatter [tilespmem:s15], [sflag:$0xB], $0x2000, $0x38;
	[tilespmem:$0xA280] =	vst v63  }
0x79: {  	_ =	swait.ge @!p0 [sflag:s14], $0x2000  }
0x7a: {  	[sflag:s14] =	ssyncset.done @!p0 $0x0  }
0x7b: {  	[sflag:s14] =	ssyncadd.s32 @!p0 $0xFFFFE000  }
0x7c: {  	_ =	swait.ge [sflag:s23], $0x40  }
0x7d: {  	[sflag:s23] =	ssyncset.done $0x0  }
0x7e: {  	s18 =	simm.s32 $0x100;
	[sflag:s23] =	ssyncadd.s32 $0xFFFFFFC0  }
0x7f: {  	[tilespmem:s24], [sflag:$0x8] =	stream.indirect.gather [hbm4b:s2+s17], $0x80, s18, s17, $0xb8;
	[tilespmem:$0xA280] =	vst v63  }
0x80: {  	_ = 	snop  }
0x81: {  	[tilespmem:s25], [sflag:$0x5] =	stream.linear.gather [hbm4b:s10+s3], $0x40, $0x38;
	[tilespmem:$0xA280] =	vst v63  }
0x82: {  	_ =	swait.ge [sflag:s26], $0x2000  }
0x83: {  	s14 =	rddreg [dreg:$0x7];
	[sflag:s26] =	ssyncset.done $0x0  }
0x84: {  	[sflag:s26] =	ssyncadd.s32 $0xFFFFE000;
	s8 =	sadd.s32 s13, s14;
	s14 =	simm.s32 @!p0 $0xE  }
0x85: {  	[hbm4b:s8+s3] =	stream.linear.scatter [tilespmem:s20], [sflag:$0xC], $0x2000, $0x38;
	[tilespmem:$0xA280] =	vst v63  }
0x86: {  	_ =	swait.ge @!p0 [sflag:s14], $0x2000  }
0x87: {  	[sflag:s14] =	ssyncset.done @!p0 $0x0  }
0x88: {  	[sflag:s14] =	ssyncadd.s32 @!p0 $0xFFFFE000  }
0x89: {  	_ =	swait.ge [sflag:s28], $0x40  }
0x8a: {  	p3 =	seq.s32 s13, $0x5000;
	[sflag:s28] =	ssyncset.done $0x0  }
0x8b: {  	s14 =	sshrl.u32 @!p3 s9, $0x3;
	[sflag:s28] =	ssyncadd.s32 $0xFFFFFFC0  }
0x8c: {  	[tilespmem:s29], [sflag:$0x9] =	stream.indirect.gather [hbm4b:s2+s17], $0x80, s21, s17, $0xb8;
	[tilespmem:$0xA280] =	vst v63  }
0x8d: {  	s8 =	simm.s32 @!p3 $0x0;
	s14 =	sadd.s32 @!p3 s4, s14  }
0x8e: {  	[tilespmem:s8], [sflag:$0x1] =	stream.linear.gather @!p3 [hbm4b:s14+s8], $0x40, $0x38;
	[tilespmem:$0xA280] =	vst v63  }
0x8f: {  	_ =	swait.ge [sflag:s30], $0x2000  }
0x90: {  	s15 =	rddreg [dreg:$0x6];
	[sflag:s30] =	ssyncset.done $0x0  }
0x91: {  	[sflag:s30] =	ssyncadd.s32 $0xFFFFE000;
	s14 =	sadd.s32 s13, s15;
	s15 =	simm.s32 @!p0 $0xF  }
0x92: {  	[hbm4b:s14+s3] =	stream.linear.scatter [tilespmem:s24], [sflag:$0xD], $0x2000, $0x38;
	[tilespmem:$0xA280] =	vst v63  }
0x93: {  	_ =	swait.ge @!p0 [sflag:s15], $0x2000  }
0x94: {  	[sflag:s15] =	ssyncset.done @!p0 $0x0  }
0x95: {  	[sflag:s15] =	ssyncadd.s32 @!p0 $0xFFFFE000  }
0x96: {  	_ =	swait.ge [sflag:s31], $0x40  }
0x97: {  	[sflag:s31] =	ssyncset.done $0x0  }
0x98: {  	[sflag:s31] =	ssyncadd.s32 $0xFFFFFFC0  }
0x99: {  	[tilespmem:s1], [sflag:$0xA] =	stream.indirect.gather [hbm4b:s2+s17], $0x80, s25, s17, $0xb8;
	[tilespmem:$0xA280] =	vst v63  }
0x9a: {  	s14 =	simm.s32 @!p3 $0x80  }
0x9b: {  	[tilespmem:s14], [sflag:$0x2] =	stream.linear.gather @!p3 [hbm4b:s7+s8], $0x40, $0x38;
	[tilespmem:$0xA280] =	vst v63  }
0x9c: {  	_ =	swait.ge [sflag:s0], $0x2000  }
0x9d: {  	s18 =	rddreg [dreg:$0x5];
	[sflag:s0] =	ssyncset.done $0x0  }
0x9e: {  	s15 =	simm.s32 @!p3 $0xB;
	[sflag:s0] =	ssyncadd.s32 $0xFFFFE000;
	s14 =	sadd.s32 s13, s18  }
0x9f: {  	[hbm4b:s14+s3] =	stream.linear.scatter [tilespmem:s29], [sflag:$0xE], $0x2000, $0x38;
	[tilespmem:$0xA280] =	vst v63  }
0xa0: {  	_ =	swait.ge @!p3 [sflag:s15], $0x2000  }
0xa1: {  	[sflag:s15] =	ssyncset.done @!p3 $0x0  }
0xa2: {  	p2 =	seq.s32 s12, $0x0;
	s14 =	simm.s32 @!p3 $0x1;
	[sflag:s15] =	ssyncadd.s32 @!p3 $0xFFFFE000  }
0xa3: {  	s5 =	smov.u32 s12;
	s12 =	sadd.s32 $0x1400, s12;
	_ =	swait.ge @!p3 [sflag:s14], $0x40  }
0xa4: {  	p1 =	sne.s32 s12, $0x6400;
	[sflag:s14] =	ssyncset.done @!p3 $0x0  }
0xa5: {  	s18 =	simm.s32 @!p3 $0x280;
	s15 =	simm.s32 @!p3 $0x40;
	[sflag:s14] =	ssyncadd.s32 @!p3 $0xFFFFFFC0  }
0xa6: {  	[tilespmem:s18], [sflag:$0x6] =	stream.indirect.gather @!p3 [hbm4b:s2+s15], $0x80, s8, s15, $0xb8;
	[tilespmem:$0xA280] =	vst v63  }
.Ltmp0:
0xa7: {  	s11 =	sadd.s32 $0x28, s11;
	s14 =	simm.s32 @!p3 $0x100;
	(pc) =	sbr.rel @p1 .LBB2_2-.Ltmp0, $4  }
0xa8: {  	[tilespmem:s14], [sflag:$0x3] =	stream.linear.gather @!p3 [hbm4b:s16+s8], $0x40, $0x38;
	[tilespmem:$0xA280] =	vst v63  }
0xa9: {  	s10 =	sadd.s32 $0x28, s10;
	s9 =	sadd.s32 $0x140, s9;
	_ =	swait.ge [sflag:s6], $0x2000  }
0xaa: {  	p0 =	por p2, p2;
	s7 =	sadd.s32 $0x28, s7;
	[sflag:s6] =	ssyncset.done $0x0  }
0xab: {  	s16 =	sadd.s32 $0x28, s16;
	s8 =	rddreg [dreg:$0x4];
	[sflag:s6] =	ssyncadd.s32 $0xFFFFE000  }
0xac: {  	s8 =	sadd.s32 s13, s8  }
0xad: {  	[hbm4b:s8+s3] =	stream.linear.scatter [tilespmem:s1], [sflag:$0xF], $0x2000, $0x38;
	[tilespmem:$0xA280] =	vst v63  }
0xae: {  	s8 =	simm.s32 @!p0 $0xC  }
0xaf: {  	_ =	swait.ge @!p0 [sflag:s8], $0x2000  }
0xb0: {  	[sflag:s8] =	ssyncset.done @!p0 $0x0  }
0xb1: {  	[sflag:s8] =	ssyncadd.s32 @!p0 $0xFFFFE000  }
0xb2: {  	_ =	swait.ge [sflag:s19], $0x40  }
0xb3: {  	[sflag:s19] =	ssyncset.done $0x0  }
0xb4: {  	s18 =	simm.s32 $0x80;
	[sflag:s19] =	ssyncadd.s32 $0xFFFFFFC0  }
0xb5: {  	[tilespmem:s20], [sflag:$0x7] =	stream.indirect.gather [hbm4b:s2+s17], $0x80, s18, s17, $0xb8;
	[tilespmem:$0xA280] =	vst v63  }
0xb6: {  	_ = 	snop  }
0xb7: {  	[tilespmem:s21], [sflag:$0x4] =	stream.linear.gather [hbm4b:s11+s3], $0x40, $0x38;
	[tilespmem:$0xA280] =	vst v63  }
0xb8: {  	_ =	swait.ge [sflag:s22], $0x2000  }
0xb9: {  	s12 =	rddreg [dreg:$0x3];
	[sflag:s22] =	ssyncset.done $0x0  }
0xba: {  	s13 =	simm.s32 $0x280;
	[sflag:s22] =	ssyncadd.s32 $0xFFFFE000;
	s8 =	sadd.s32 s5, s12  }
0xbb: {  	[hbm4b:s8+s3] =	stream.linear.scatter [tilespmem:s13], [sflag:$0xB], $0x2000, $0x38;
	[tilespmem:$0xA280] =	vst v63  }
0xbc: {  	s8 =	simm.s32 @!p0 $0xD  }
0xbd: {  	_ =	swait.ge @!p0 [sflag:s8], $0x2000  }
0xbe: {  	[sflag:s8] =	ssyncset.done @!p0 $0x0  }
0xbf: {  	[sflag:s8] =	ssyncadd.s32 @!p0 $0xFFFFE000  }
0xc0: {  	_ =	swait.ge [sflag:s23], $0x40  }
0xc1: {  	[sflag:s23] =	ssyncset.done $0x0  }
0xc2: {  	s14 =	simm.s32 $0x100;
	[sflag:s23] =	ssyncadd.s32 $0xFFFFFFC0  }
0xc3: {  	[tilespmem:s24], [sflag:$0x8] =	stream.indirect.gather [hbm4b:s2+s17], $0x80, s14, s17, $0xb8;
	[tilespmem:$0xA280] =	vst v63  }
0xc4: {  	_ = 	snop  }
0xc5: {  	[tilespmem:s25], [sflag:$0x5] =	stream.linear.gather [hbm4b:s10+s3], $0x40, $0x38;
	[tilespmem:$0xA280] =	vst v63  }
0xc6: {  	_ =	swait.ge [sflag:s26], $0x2000  }
0xc7: {  	s15 =	rddreg [dreg:$0x7];
	[sflag:s26] =	ssyncset.done $0x0  }
0xc8: {  	[sflag:s26] =	ssyncadd.s32 $0xFFFFE000;
	s8 =	sadd.s32 s5, s15  }
0xc9: {  	[hbm4b:s8+s3] =	stream.linear.scatter [tilespmem:s20], [sflag:$0xC], $0x2000, $0x38;
	[tilespmem:$0xA280] =	vst v63  }
0xca: {  	s8 =	simm.s32 @!p0 $0xE  }
0xcb: {  	_ =	swait.ge @!p0 [sflag:s8], $0x2000  }
0xcc: {  	[sflag:s8] =	ssyncset.done @!p0 $0x0  }
0xcd: {  	[sflag:s8] =	ssyncadd.s32 @!p0 $0xFFFFE000  }
0xce: {  	_ =	swait.ge [sflag:s28], $0x40  }
0xcf: {  	p1 =	seq.s32 s5, $0x5000;
	[sflag:s28] =	ssyncset.done $0x0  }
0xd0: {  	s8 =	sshrl.u32 @!p1 s9, $0x3;
	[sflag:s28] =	ssyncadd.s32 $0xFFFFFFC0  }
0xd1: {  	[tilespmem:s29], [sflag:$0x9] =	stream.indirect.gather [hbm4b:s2+s17], $0x80, s21, s17, $0xb8;
	[tilespmem:$0xA280] =	vst v63  }
0xd2: {  	s9 =	simm.s32 @!p1 $0x0;
	s8 =	sadd.s32 @!p1 s4, s8  }
0xd3: {  	[tilespmem:s9], [sflag:$0x1] =	stream.linear.gather @!p1 [hbm4b:s8+s9], $0x40, $0x38;
	[tilespmem:$0xA280] =	vst v63  }
0xd4: {  	_ =	swait.ge [sflag:s30], $0x2000  }
0xd5: {  	s18 =	rddreg [dreg:$0x6];
	[sflag:s30] =	ssyncset.done $0x0  }
0xd6: {  	[sflag:s30] =	ssyncadd.s32 $0xFFFFE000;
	s8 =	sadd.s32 s5, s18  }
0xd7: {  	[hbm4b:s8+s3] =	stream.linear.scatter [tilespmem:s24], [sflag:$0xD], $0x2000, $0x38;
	[tilespmem:$0xA280] =	vst v63  }
0xd8: {  	s8 =	simm.s32 @!p0 $0xF  }
0xd9: {  	_ =	swait.ge @!p0 [sflag:s8], $0x2000  }
0xda: {  	[sflag:s8] =	ssyncset.done @!p0 $0x0  }
0xdb: {  	[sflag:s8] =	ssyncadd.s32 @!p0 $0xFFFFE000  }
0xdc: {  	_ =	swait.ge [sflag:s31], $0x40  }
0xdd: {  	[sflag:s31] =	ssyncset.done $0x0  }
0xde: {  	[sflag:s31] =	ssyncadd.s32 $0xFFFFFFC0  }
0xdf: {  	[tilespmem:s1], [sflag:$0xA] =	stream.indirect.gather [hbm4b:s2+s17], $0x80, s25, s17, $0xb8;
	[tilespmem:$0xA280] =	vst v63  }
0xe0: {  	s8 =	simm.s32 @!p1 $0x80  }
0xe1: {  	[tilespmem:s8], [sflag:$0x2] =	stream.linear.gather @!p1 [hbm4b:s7+s9], $0x40, $0x38;
	[tilespmem:$0xA280] =	vst v63  }
0xe2: {  	_ =	swait.ge [sflag:s0], $0x2000  }
0xe3: {  	s8 =	rddreg [dreg:$0x5];
	[sflag:s0] =	ssyncset.done $0x0  }
0xe4: {  	[sflag:s0] =	ssyncadd.s32 $0xFFFFE000;
	s7 =	sadd.s32 s5, s8;
	s8 =	simm.s32 @!p1 $0xB  }
0xe5: {  	[hbm4b:s7+s3] =	stream.linear.scatter [tilespmem:s29], [sflag:$0xE], $0x2000, $0x38;
	[tilespmem:$0xA280] =	vst v63  }
0xe6: {  	_ =	swait.ge @!p1 [sflag:s8], $0x2000  }
0xe7: {  	[sflag:s8] =	ssyncset.done @!p1 $0x0  }
0xe8: {  	s7 =	simm.s32 @!p1 $0x1;
	[sflag:s8] =	ssyncadd.s32 @!p1 $0xFFFFE000  }
0xe9: {  	_ =	swait.ge @!p1 [sflag:s7], $0x40  }
0xea: {  	[sflag:s7] =	ssyncset.done @!p1 $0x0  }
0xeb: {  	s8 =	simm.s32 @!p1 $0x40;
	[sflag:s7] =	ssyncadd.s32 @!p1 $0xFFFFFFC0;
	s7 =	simm.s32 @!p1 $0x280  }
0xec: {  	[tilespmem:s7], [sflag:$0x6] =	stream.indirect.gather @!p1 [hbm4b:s2+s8], $0x80, s9, s8, $0xb8;
	[tilespmem:$0xA280] =	vst v63  }
0xed: {  	s7 =	simm.s32 @!p1 $0x100  }
0xee: {  	[tilespmem:s7], [sflag:$0x3] =	stream.linear.gather @!p1 [hbm4b:s16+s9], $0x40, $0x38;
	[tilespmem:$0xA280] =	vst v63  }
0xef: {  	_ =	swait.ge [sflag:s6], $0x2000  }
0xf0: {  	s9 =	rddreg [dreg:$0x4];
	[sflag:s6] =	ssyncset.done $0x0  }
0xf1: {  	s11 =	simm.s32 $0xB;
	s10 =	sadd.s32 s5, s9;
	[sflag:s6] =	ssyncadd.s32 $0xFFFFE000  }
0xf2: {  	[hbm4b:s10+s3] =	stream.linear.scatter [tilespmem:s1], [sflag:$0xF], $0x2000, $0x38;
	[tilespmem:$0xA280] =	vst v63  }
0xf3: {  	_ =	swait.ge [sflag:s11], $0x2000  }
0xf4: {  	[sflag:s11] =	ssyncset.done $0x0  }
0xf5: {  	s12 =	simm.s32 $0xC;
	[sflag:s11] =	ssyncadd.s32 $0xFFFFE000  }
0xf6: {  	_ =	swait.ge [sflag:s12], $0x2000  }
0xf7: {  	[sflag:s12] =	ssyncset.done $0x0  }
0xf8: {  	s13 =	simm.s32 $0xD;
	[sflag:s12] =	ssyncadd.s32 $0xFFFFE000  }
0xf9: {  	_ =	swait.ge [sflag:s13], $0x2000  }
0xfa: {  	[sflag:s13] =	ssyncset.done $0x0  }
0xfb: {  	s14 =	simm.s32 $0xE;
	[sflag:s13] =	ssyncadd.s32 $0xFFFFE000  }
0xfc: {  	_ =	swait.ge [sflag:s14], $0x2000  }
0xfd: {  	[sflag:s14] =	ssyncset.done $0x0  }
0xfe: {  	s15 =	simm.s32 $0xF;
	[sflag:s14] =	ssyncadd.s32 $0xFFFFE000  }
0xff: {  	_ =	swait.ge [sflag:s15], $0x2000  }
0x100: {  	s16 =	rddreg [dreg:$0x11]  }
0x101: {  	s18 =	rddreg [dreg:$0xb];
	s8 =	sadd.s32 $0x1, s16  }
0x102: {  	p0 =	sne.s32 s8, s18  }
.Ltmp1:
0x103: {  	_ = 	snop;
	(pc) =	sbr.rel @p0 .LBB2_1-.Ltmp1, $3  }
0x104: {  	_ =	sdelay $0x1  }
0x105: {  	[sflag:s15] =	ssyncset.done $0x0  }
0x106: {  	[sflag:s15] =	ssyncadd.s32 $0xFFFFE000  }
0x107: {  	_ =	sfence.sel $0x180000  }
0x108: {  	[bflag:$0x0] =	sbarrier.arrive $0xFFFF  }
0x109: {  	_ =	strace $0x9000004D  }
0x10a: {  	s0 =	stileid.u32;
	[bflag:$0x2] =	sbarrier.arrive $0xFFFF  }
0x10b: {  	p0 =	sne.s32 s0, $0x0;
	s0 =	rddreg [dreg:$0x2]  }
0x10c: {  	s0 =	sadd.s32 @!p0 $0x100000, s0  }
0x10d: {  	[sflag:s0] =	ssyncadd.tile.s32 @!p0 $0x1;
	_ =	shalt  }
.Lfunc_end2:
_tile_overlayer_lowered:
.L_overlay_start_2:
0x10e: {  	(tag) =	ssettag $0x2  }
0x10f: {  	s0 =	rddreg [dreg:$0x0];
	s2 =	stileid.u32  }
0x110: {  	s1 =	rddreg [dreg:$0x1];
	p0 =	sne.s32 s2, $0x0  }
0x111: {  	s3 =	rddreg [dreg:$0x2];
	[bflag:$0x3] =	sbarrier.arrive $0xFFFF;
	s2 =	simm.s32 @!p0 $0x1C10  }
0x112: {  	[timem:s3], [sflag:s2] =	dma.local @!p0 [hbm:s0], s1  }
0x113: {  	s0 =	simm.s32 @!p0 $0x10  }
0x114: {  	_ =	swait.ge @!p0 [sflag:s0], s1  }
0x115: {  	s1 =	ssub.s32 @!p0 $0x0, s1;
	[sflag:s0] =	ssyncset.done @!p0 $0x0  }
0x116: {  	[sflag:s0] =	ssyncadd.s32 @!p0 s1  }
0x117: {  	[bflag:$0x3] =	sbarrier.arrive $0xFFFF  }
0x118: {  	_ =	shalt  }

</sc_bundles>
